<compile_context>
chip_gen: v7x
topology: tpu7x:2x2x1
jax: 0.10.2.dev20260603
libtpu: 0.0.44.dev20260713+nightly
codegen_flags: <defaults>
</compile_context>

<pallas_src>
import functools

import jax
import jax.numpy as jnp
from jax import lax
from jax.experimental import pallas as pl
from jax.experimental.pallas import tpu as pltpu
from jax.experimental.pallas import tpu_sc as plsc

D = 256
NUM_G = 20000
N_RXN = 10000
M = 160000

NR_PAD = 10240
G_PAD = 20480
RB = 1280
NW = 32
CPW = 8
PB = 3200
NBLK = M // PB
RING_G = 2048
WIN = 1024



def _prep_body(rf_ref, w1_ref, b1_ref, w2_ref, b2_ref, wt_ref, bt_ref,
               xtt_ref, v_ref):
    x = rf_ref[...]
    dott = functools.partial(lax.dot_general,
                             dimension_numbers=(((0,), (1,)), ((), ())),
                             preferred_element_type=jnp.float32,
                             precision=lax.Precision.HIGHEST)
    ht = jnp.maximum(dott(w1_ref[...], x) + b1_ref[...], 0.0)
    gate = lax.dot_general(w2_ref[...], ht,
                           dimension_numbers=(((0,), (0,)), ((), ())),
                           preferred_element_type=jnp.float32,
                           precision=lax.Precision.HIGHEST) + b2_ref[...]
    v = jnp.exp(gate)
    v_ref[...] = v
    xtt_ref[...] = jnp.maximum(dott(wt_ref[...], x) + bt_ref[...], 0.0) * v


def _tc_prep(rf, w1, b1, w2, b2, wt, bt):
    full = lambda i: (0, 0)
    return pl.pallas_call(
        _prep_body,
        grid=(NR_PAD // RB,),
        in_specs=[
            pl.BlockSpec((RB, D), lambda i: (i, 0)),
            pl.BlockSpec((D, D // 2), full),
            pl.BlockSpec((D // 2, 1), full),
            pl.BlockSpec((D // 2, 1), full),
            pl.BlockSpec((1, 1), full),
            pl.BlockSpec((D, D), full),
            pl.BlockSpec((D, 1), full),
        ],
        out_specs=[
            pl.BlockSpec((D, RB), lambda i: (0, i)),
            pl.BlockSpec((1, RB), lambda i: (0, i)),
        ],
        out_shape=[
            jax.ShapeDtypeStruct((D, NR_PAD), jnp.float32),
            jax.ShapeDtypeStruct((1, NR_PAD), jnp.float32),
        ],
    )(rf, w1, b1, w2, b2, wt, bt)



_MESH = plsc.VectorSubcoreMesh(core_axis_name="c", subcore_axis_name="s")


def _sc_body(xtt_hbm, v_hbm, r_hbm, g_hbm, out_hbm, s_hbm,
             xt_v, v_v, rbuf, gbuf, ring, ring_s,
             rsem0, rsem1, gsem0, gsem1):
    wid = lax.axis_index("c") * 16 + lax.axis_index("s")
    c0 = wid * CPW
    iota = lax.iota(jnp.int32, 16)
    fz = jnp.zeros((16,), jnp.float32)
    zi16 = jnp.zeros((16,), jnp.int32)
    jfull = [jnp.full((16,), j, jnp.int32) for j in range(CPW)]

    pltpu.sync_copy(xtt_hbm.at[pl.ds(c0, CPW), :], xt_v)
    pltpu.sync_copy(v_hbm, v_v)

    def _zero_ring(row0):
        for j in range(CPW):
            def _zr(k, _):
                ring[j, pl.ds(row0 + k * 16, 16)] = fz
                return 0
            lax.fori_loop(0, WIN // 16, _zr, 0)

        def _zs(k, _):
            ring_s[pl.ds(row0 + k * 16, 16)] = fz
            return 0
        lax.fori_loop(0, WIN // 16, _zs, 0)

    _zero_ring(0)
    _zero_ring(WIN)

    def _flush(base):
        base = pl.multiple_of(base, WIN)
        row0 = (lax.shift_right_logical(base, 10) & 1) * WIN
        pltpu.sync_copy(ring.at[:, pl.ds(row0, WIN)],
                        out_hbm.at[pl.ds(c0, CPW), pl.ds(base, WIN)])

        @pl.when(wid == 0)
        def _():
            pltpu.sync_copy(ring_s.at[pl.ds(row0, WIN)],
                            s_hbm.at[pl.ds(base, WIN)])
        _zero_ring(row0)
        return base + WIN

    def _rsrc(blk):
        return r_hbm.at[pl.ds(blk * PB, PB)]

    def _gsrc(blk):
        return g_hbm.at[pl.ds(blk * PB, PB)]

    pltpu.async_copy(_rsrc(0), rbuf.at[0], rsem0)
    pltpu.async_copy(_gsrc(0), gbuf.at[0], gsem0)
    pltpu.async_copy(_rsrc(1), rbuf.at[1], rsem1)
    pltpu.async_copy(_gsrc(1), gbuf.at[1], gsem1)

    UNROLL = 4

    def _chunk_fast(b):
        def cbody(ci, base):
            for u in range(UNROLL):
                off = (ci * UNROLL + u) * 16
                r = rbuf[b, pl.ds(off, 16)]
                g = gbuf[b, pl.ds(off, 16)]
                gring = g & (RING_G - 1)
                v16 = plsc.load_gather(v_v, [r])
                xs = [plsc.load_gather(xt_v, [jfull[j], r])
                      for j in range(CPW)]
                plsc.addupdate_scatter(ring_s, [gring], v16)
                for j in range(CPW):
                    plsc.addupdate_scatter(ring, [jfull[j], gring], xs[j])
            return base
        return cbody

    def _chunk_slow(b):
        def cbody(ci, base):
            off = ci * 16
            r = rbuf[b, pl.ds(off, 16)]
            g = gbuf[b, pl.ds(off, 16)]
            v16 = plsc.load_gather(v_v, [r])
            xv = [plsc.load_gather(xt_v, [jfull[j], r]) for j in range(CPW)]
            gring = g & (RING_G - 1)

            def wcond(c):
                return jnp.sum(c[1]) < 16

            def wbody(c):
                bs, don = c
                inr = (g < bs + RING_G) & (don == 0)
                plsc.addupdate_scatter(ring_s, [gring], v16, mask=inr)
                for j in range(CPW):
                    plsc.addupdate_scatter(ring, [jfull[j], gring], xv[j],
                                           mask=inr)
                don2 = jnp.where(inr, 1, don)
                bs2 = lax.cond(jnp.sum(don2) < 16, _flush, lambda x: x, bs)
                return (bs2, don2)

            base, _ = lax.while_loop(wcond, wbody,
                                     (base, jnp.zeros((16,), jnp.int32)))
            return base
        return cbody

    def sbody(sb, base):
        for b in range(2):
            blk = sb * 2 + b
            rsem = rsem0 if b == 0 else rsem1
            gsem = gsem0 if b == 0 else gsem1
            pltpu.make_async_copy(_rsrc(blk), rbuf.at[b], rsem).wait()
            pltpu.make_async_copy(_gsrc(blk), gbuf.at[b], gsem).wait()

            gmin = jnp.min(gbuf[b, pl.ds(0, 16)])
            gmax = jnp.max(gbuf[b, pl.ds(PB - 16, 16)])
            base = lax.while_loop(lambda bs: bs + WIN <= gmin, _flush, base)
            base = lax.cond(gmax < base + RING_G,
                            lambda bs: lax.fori_loop(0, PB // 16 // UNROLL,
                                                     _chunk_fast(b), bs),
                            lambda bs: lax.fori_loop(0, PB // 16,
                                                     _chunk_slow(b), bs),
                            base)

            @pl.when(blk + 2 < NBLK)
            def _():
                pltpu.async_copy(_rsrc(blk + 2), rbuf.at[b], rsem)
                pltpu.async_copy(_gsrc(blk + 2), gbuf.at[b], gsem)
        return base

    base = lax.fori_loop(0, NBLK // 2, sbody, jnp.int32(0))

    lax.while_loop(lambda bs: bs < G_PAD, _flush, base)


_sc_main = pl.kernel(
    _sc_body,
    out_type=(jax.ShapeDtypeStruct((D, G_PAD), jnp.float32),
              jax.ShapeDtypeStruct((G_PAD,), jnp.float32)),
    mesh=_MESH,
    scratch_types=[
        pltpu.VMEM((CPW, NR_PAD), jnp.float32),
        pltpu.VMEM((NR_PAD,), jnp.float32),
        pltpu.VMEM((2, PB), jnp.int32),
        pltpu.VMEM((2, PB), jnp.int32),
        pltpu.VMEM((CPW, RING_G), jnp.float32),
        pltpu.VMEM((RING_G,), jnp.float32),
        pltpu.SemaphoreType.DMA,
        pltpu.SemaphoreType.DMA,
        pltpu.SemaphoreType.DMA,
        pltpu.SemaphoreType.DMA,
    ],
    compiler_params=pltpu.CompilerParams(use_tc_tiling_on_sc=False,
                                         needs_layout_passes=False),
)



def _div_body(u_ref, s_ref, o_ref):
    o_ref[...] = jnp.transpose(u_ref[...] / (s_ref[...] + 1e-16))


def _tc_div(ut, s):
    return pl.pallas_call(
        _div_body,
        grid=(G_PAD // 2048,),
        in_specs=[
            pl.BlockSpec((D, 2048), lambda i: (0, i)),
            pl.BlockSpec((1, 2048), lambda i: (0, i)),
        ],
        out_specs=pl.BlockSpec((2048, D), lambda i: (i, 0)),
        out_shape=jax.ShapeDtypeStruct((G_PAD, D), jnp.float32),
    )(ut, s)


def kernel(reaction_features, rxn_idx, gene_idx, num_genes,
           W1, b1, W2, b2, Wt, bt):
    xtt, v = _tc_prep(reaction_features, W1, b1.reshape(-1, 1), W2,
                      b2.reshape(1, 1), Wt, bt.reshape(-1, 1))
    def _stripe(x):
        return (x.astype(jnp.int32).reshape(NBLK, 16, PB // 16)
                .swapaxes(1, 2).reshape(-1))
    ut, s = _sc_main(xtt, v.reshape(-1), _stripe(rxn_idx), _stripe(gene_idx))
    out = _tc_div(ut, s.reshape(1, -1))
    return out[:NUM_G]

# --- scband reference (transcript-rebuilt; emitter-appended) ---
"""Pipeline reference for scband-gene-mapper-14353780703959 (READ-ONLY COPY).

The authoritative reference and input builder live on the scoring server;
editing this copy changes nothing except your own understanding.
"""

import jax, jax.numpy as jnp
import numpy as np

D = 256
N_RXN = 10000
M = 160000
NUM_GENES = 20000


def setup_inputs(seed: int = 0) -> dict:
    key = jax.random.key(seed)
    ks = jax.random.split(key, 10)
    reaction_features = jax.random.normal(ks[0], (N_RXN, D), dtype=jnp.float32)
    rxn_idx = jax.random.randint(ks[1], (M,), 0, N_RXN, dtype=jnp.int64 if jax.config.jax_enable_x64 else jnp.int32)
    gene_idx = jnp.sort(jax.random.randint(ks[2], (M,), 0, NUM_GENES, dtype=jnp.int64 if jax.config.jax_enable_x64 else jnp.int32))
    # gate_nn: Linear(D, D//2) -> ReLU -> Dropout -> Linear(D//2, 1)
    W1 = jax.random.normal(ks[3], (D, D // 2), dtype=jnp.float32) * 0.02
    b1 = jnp.zeros((D // 2,), dtype=jnp.float32)
    W2 = jax.random.normal(ks[4], (D // 2, 1), dtype=jnp.float32) * 0.02
    b2 = jnp.zeros((1,), dtype=jnp.float32)
    # transform_nn: Linear(D, D) -> ReLU -> Dropout
    Wt = jax.random.normal(ks[5], (D, D), dtype=jnp.float32) * 0.02
    bt = jnp.zeros((D,), dtype=jnp.float32)
    return {
        "reaction_features": reaction_features,
        "rxn_idx": rxn_idx,
        "gene_idx": gene_idx,
        "num_genes": NUM_GENES,
        "W1": W1, "b1": b1, "W2": W2, "b2": b2, "Wt": Wt, "bt": bt,
    }


def reference(reaction_features, rxn_idx, gene_idx, num_genes, W1, b1, W2, b2, Wt, bt):
    # Build (pair -> feature) by gathering reaction features (the python loop in torch
    # just repeats reaction_features[rxn_idx] per gene pair).
    feats = jnp.take(reaction_features, rxn_idx, axis=0)  # [M, D]
    # Sort pairs by gene index (matches torch argsort on gene_idx).
    order = jnp.argsort(gene_idx)
    feats = feats[order]
    gidx = gene_idx[order]
    # AttentionalAggregation (dropout in eval mode = identity):
    h = jax.nn.relu(feats @ W1 + b1)
    gate = h @ W2 + b2  # [M, 1]
    xt = jax.nn.relu(feats @ Wt + bt)  # [M, D]
    # segment softmax over gate grouped by gene id
    gmax = jax.ops.segment_max(gate, gidx, num_segments=NUM_GENES)  # [G, 1]
    gmax = jnp.where(jnp.isfinite(gmax), gmax, 0.0)
    ex = jnp.exp(gate - jnp.take(gmax, gidx, axis=0))
    denom = jax.ops.segment_sum(ex, gidx, num_segments=NUM_GENES)
    alpha = ex / (jnp.take(denom, gidx, axis=0) + 1e-16)
    out = jax.ops.segment_sum(alpha * xt, gidx, num_segments=NUM_GENES)  # [G, D]
    out = out + jnp.asarray(num_genes, dtype=out.dtype) * 0.0
    return out

if __name__ == "__main__":
    import jax
    _d = setup_inputs()
    print(jax.jit(kernel)(*tuple(_d.values())))

</pallas_src>

<mosaic_0001>
#map = affine_map<(d0, d1) -> (0, 0)>
#map1 = affine_map<(d0, d1) -> (0)>
module attributes {stable_mosaic.version = 14 : i64} {
  func.func @_sc_body(%arg0: i32, %arg1: i32, %arg2: memref<256x10240xf32, #tpu.memory_space<hbm>>, %arg3: memref<10240xf32, #tpu.memory_space<hbm>>, %arg4: memref<160000xi32, #tpu.memory_space<hbm>>, %arg5: memref<160000xi32, #tpu.memory_space<hbm>>, %arg6: memref<256x20480xf32, #tpu.memory_space<hbm>>, %arg7: memref<20480xf32, #tpu.memory_space<hbm>>, %arg8: memref<8x10240xf32, #tpu.memory_space<vmem>>, %arg9: memref<10240xf32, #tpu.memory_space<vmem>>, %arg10: memref<2x3200xi32, #tpu.memory_space<vmem>>, %arg11: memref<2x3200xi32, #tpu.memory_space<vmem>>, %arg12: memref<8x2048xf32, #tpu.memory_space<vmem>>, %arg13: memref<2048xf32, #tpu.memory_space<vmem>>, %arg14: memref<!tpu.dma_semaphore, #tpu.memory_space<semaphore_mem>>, %arg15: memref<!tpu.dma_semaphore, #tpu.memory_space<semaphore_mem>>, %arg16: memref<!tpu.dma_semaphore, #tpu.memory_space<semaphore_mem>>, %arg17: memref<!tpu.dma_semaphore, #tpu.memory_space<semaphore_mem>>) attributes {dimension_semantics = [#tpu.dimension_semantics<core_parallel>, #tpu.dimension_semantics<subcore_parallel>], iteration_bounds = array<i64: 2, 16>, scalar_prefetch = 0 : i64, scratch_operands = 10 : i64, tpu.core_type = #tpu.core_type<sc_vector_subcore>, window_params = [{transform_indices = #map}, {transform_indices = #map1}, {transform_indices = #map1}, {transform_indices = #map1}, {transform_indices = #map}, {transform_indices = #map1}]} {
    %mul3A = arith.constant 16 : i32
    %mul3A_0 = arith.muli %arg0, %mul3A : i32
    %add3A = arith.addi %mul3A_0, %arg1 : i32
    %mul3A_1 = arith.constant 8 : i32
    %mul3A_2 = arith.muli %add3A, %mul3A_1 : i32
    %iota3A = tpu.iota {dimensions = array<i32: 0>} : vector<16xi32>
    %broadcast_in_dim3A = arith.constant 0.000000e+00 : f32
    %broadcast_in_dim3A_3 = vector.broadcast %broadcast_in_dim3A : f32 to vector<16xf32>
    %broadcast_in_dim3A_4 = arith.constant 0 : i32
    %broadcast_in_dim3A_5 = vector.broadcast %broadcast_in_dim3A_4 : i32 to vector<16xi32>
    %broadcast_in_dim3A_6 = arith.constant 0 : i32
    %broadcast_in_dim3A_7 = vector.broadcast %broadcast_in_dim3A_6 : i32 to vector<16xi32>
    %broadcast_in_dim3A_8 = arith.constant 1 : i32
    %broadcast_in_dim3A_9 = vector.broadcast %broadcast_in_dim3A_8 : i32 to vector<16xi32>
    %broadcast_in_dim3A_10 = arith.constant 2 : i32
    %broadcast_in_dim3A_11 = vector.broadcast %broadcast_in_dim3A_10 : i32 to vector<16xi32>
    %broadcast_in_dim3A_12 = arith.constant 3 : i32
    %broadcast_in_dim3A_13 = vector.broadcast %broadcast_in_dim3A_12 : i32 to vector<16xi32>
    %broadcast_in_dim3A_14 = arith.constant 4 : i32
    %broadcast_in_dim3A_15 = vector.broadcast %broadcast_in_dim3A_14 : i32 to vector<16xi32>
    %broadcast_in_dim3A_16 = arith.constant 5 : i32
    %broadcast_in_dim3A_17 = vector.broadcast %broadcast_in_dim3A_16 : i32 to vector<16xi32>
    %broadcast_in_dim3A_18 = arith.constant 6 : i32
    %broadcast_in_dim3A_19 = vector.broadcast %broadcast_in_dim3A_18 : i32 to vector<16xi32>
    %broadcast_in_dim3A_20 = arith.constant 7 : i32
    %broadcast_in_dim3A_21 = vector.broadcast %broadcast_in_dim3A_20 : i32 to vector<16xi32>
    "tpu.region"() ({
      %run_scoped3A = tpu.sem_alloc : memref<!tpu.dma_semaphore, #tpu.memory_space<semaphore_mem>>
      %dma_start3A_197 = arith.constant 0 : i32
      %dma_start3A_198 = tpu.memref_slice %arg2[%mul3A_2, %dma_start3A_197] : memref<256x10240xf32, #tpu.memory_space<hbm>> -> memref<8x10240xf32, #tpu.memory_space<hbm>>
      %dma_start3A_199 = arith.constant 0 : i32
      %dma_start3A_200 = tpu.memref_slice %arg2[%mul3A_2, %dma_start3A_199] : memref<256x10240xf32, #tpu.memory_space<hbm>> -> memref<8x10240xf32, #tpu.memory_space<hbm>>
      tpu.enqueue_dma source(%dma_start3A_200 : memref<8x10240xf32, #tpu.memory_space<hbm>>) target(%arg8 : memref<8x10240xf32, #tpu.memory_space<vmem>>) target_semaphore(%run_scoped3A : memref<!tpu.dma_semaphore, #tpu.memory_space<semaphore_mem>>)
      %dma_wait3A = arith.constant 0 : i32
      %dma_wait3A_201 = tpu.memref_slice %arg2[%mul3A_2, %dma_wait3A] : memref<256x10240xf32, #tpu.memory_space<hbm>> -> memref<8x10240xf32, #tpu.memory_space<hbm>>
      %dma_wait3A_202 = arith.constant 0 : i32
      %dma_wait3A_203 = tpu.memref_slice %arg2[%mul3A_2, %dma_wait3A_202] : memref<256x10240xf32, #tpu.memory_space<hbm>> -> memref<8x10240xf32, #tpu.memory_space<hbm>>
      tpu.wait_dma2 semaphore(%run_scoped3A : memref<!tpu.dma_semaphore, #tpu.memory_space<semaphore_mem>>) src(%dma_wait3A_203 : memref<8x10240xf32, #tpu.memory_space<hbm>>) dst(%arg8 : memref<8x10240xf32, #tpu.memory_space<vmem>>)
      tpu.yield
    }) : () -> ()
    "tpu.region"() ({
      %run_scoped3A = tpu.sem_alloc : memref<!tpu.dma_semaphore, #tpu.memory_space<semaphore_mem>>
      tpu.enqueue_dma source(%arg3 : memref<10240xf32, #tpu.memory_space<hbm>>) target(%arg9 : memref<10240xf32, #tpu.memory_space<vmem>>) target_semaphore(%run_scoped3A : memref<!tpu.dma_semaphore, #tpu.memory_space<semaphore_mem>>)
      tpu.wait_dma2 semaphore(%run_scoped3A : memref<!tpu.dma_semaphore, #tpu.memory_space<semaphore_mem>>) src(%arg3 : memref<10240xf32, #tpu.memory_space<hbm>>) dst(%arg9 : memref<10240xf32, #tpu.memory_space<vmem>>)
      tpu.yield
    }) : () -> ()
    %scan3A = arith.constant 0 : i32
    %scan3A_22 = arith.constant 0 : i32
    %scan3A_23 = arith.constant 64 : i32
    %scan3A_24 = arith.addi %scan3A_22, %scan3A_23 : i32
    %scan3A_25 = arith.constant 1 : i32
    %scan3A_26 = scf.for %scan3A_197 = %scan3A_22 to %scan3A_24 step %scan3A_25 iter_args(%scan3A_198 = %scan3A) -> (i32)  : i32 {
      %mul3A_199 = arith.constant 16 : i32
      %mul3A_200 = arith.muli %scan3A_197, %mul3A_199 : i32
      %add3A_201 = arith.constant 0 : i32
      %add3A_202 = arith.addi %add3A_201, %mul3A_200 : i32
      %swap3A = arith.constant 0 : i32
      %swap3A_203 = arith.index_cast %swap3A : i32 to index
      %swap3A_204 = arith.index_cast %add3A_202 : i32 to index
      %swap3A_205 = tpu.vector_load %arg12[%swap3A_203, %swap3A_204] {strides = array<i32>} : memref<8x2048xf32, #tpu.memory_space<vmem>>, vector<16xf32>,
      tpu.vector_store %arg12[%swap3A_203, %swap3A_204], %broadcast_in_dim3A_3 {strides = array<i32>} : memref<8x2048xf32, #tpu.memory_space<vmem>>, vector<16xf32>,
      %scan3A_206 = arith.constant 0 : i32
      scf.yield %scan3A_206 : i32
    }
    %scan3A_27 = arith.constant 64 : i32
    %scan3A_28 = arith.constant 0 : i32
    %scan3A_29 = arith.constant 0 : i32
    %scan3A_30 = arith.constant 64 : i32
    %scan3A_31 = arith.addi %scan3A_29, %scan3A_30 : i32
    %scan3A_32 = arith.constant 1 : i32
    %scan3A_33 = scf.for %scan3A_197 = %scan3A_29 to %scan3A_31 step %scan3A_32 iter_args(%scan3A_198 = %scan3A_28) -> (i32)  : i32 {
      %mul3A_199 = arith.constant 16 : i32
      %mul3A_200 = arith.muli %scan3A_197, %mul3A_199 : i32
      %add3A_201 = arith.constant 0 : i32
      %add3A_202 = arith.addi %add3A_201, %mul3A_200 : i32
      %swap3A = arith.constant 1 : i32
      %swap3A_203 = arith.index_cast %swap3A : i32 to index
      %swap3A_204 = arith.index_cast %add3A_202 : i32 to index
      %swap3A_205 = tpu.vector_load %arg12[%swap3A_203, %swap3A_204] {strides = array<i32>} : memref<8x2048xf32, #tpu.memory_space<vmem>>, vector<16xf32>,
      tpu.vector_store %arg12[%swap3A_203, %swap3A_204], %broadcast_in_dim3A_3 {strides = array<i32>} : memref<8x2048xf32, #tpu.memory_space<vmem>>, vector<16xf32>,
      %scan3A_206 = arith.constant 0 : i32
      scf.yield %scan3A_206 : i32
    }
    %scan3A_34 = arith.constant 64 : i32
    %scan3A_35 = arith.constant 0 : i32
    %scan3A_36 = arith.constant 0 : i32
    %scan3A_37 = arith.constant 64 : i32
    %scan3A_38 = arith.addi %scan3A_36, %scan3A_37 : i32
    %scan3A_39 = arith.constant 1 : i32
    %scan3A_40 = scf.for %scan3A_197 = %scan3A_36 to %scan3A_38 step %scan3A_39 iter_args(%scan3A_198 = %scan3A_35) -> (i32)  : i32 {
      %mul3A_199 = arith.constant 16 : i32
      %mul3A_200 = arith.muli %scan3A_197, %mul3A_199 : i32
      %add3A_201 = arith.constant 0 : i32
      %add3A_202 = arith.addi %add3A_201, %mul3A_200 : i32
      %swap3A = arith.constant 2 : i32
      %swap3A_203 = arith.index_cast %swap3A : i32 to index
      %swap3A_204 = arith.index_cast %add3A_202 : i32 to index
      %swap3A_205 = tpu.vector_load %arg12[%swap3A_203, %swap3A_204] {strides = array<i32>} : memref<8x2048xf32, #tpu.memory_space<vmem>>, vector<16xf32>,
      tpu.vector_store %arg12[%swap3A_203, %swap3A_204], %broadcast_in_dim3A_3 {strides = array<i32>} : memref<8x2048xf32, #tpu.memory_space<vmem>>, vector<16xf32>,
      %scan3A_206 = arith.constant 0 : i32
      scf.yield %scan3A_206 : i32
    }
    %scan3A_41 = arith.constant 64 : i32
    %scan3A_42 = arith.constant 0 : i32
    %scan3A_43 = arith.constant 0 : i32
    %scan3A_44 = arith.constant 64 : i32
    %scan3A_45 = arith.addi %scan3A_43, %scan3A_44 : i32
    %scan3A_46 = arith.constant 1 : i32
    %scan3A_47 = scf.for %scan3A_197 = %scan3A_43 to %scan3A_45 step %scan3A_46 iter_args(%scan3A_198 = %scan3A_42) -> (i32)  : i32 {
      %mul3A_199 = arith.constant 16 : i32
      %mul3A_200 = arith.muli %scan3A_197, %mul3A_199 : i32
      %add3A_201 = arith.constant 0 : i32
      %add3A_202 = arith.addi %add3A_201, %mul3A_200 : i32
      %swap3A = arith.constant 3 : i32
      %swap3A_203 = arith.index_cast %swap3A : i32 to index
      %swap3A_204 = arith.index_cast %add3A_202 : i32 to index
      %swap3A_205 = tpu.vector_load %arg12[%swap3A_203, %swap3A_204] {strides = array<i32>} : memref<8x2048xf32, #tpu.memory_space<vmem>>, vector<16xf32>,
      tpu.vector_store %arg12[%swap3A_203, %swap3A_204], %broadcast_in_dim3A_3 {strides = array<i32>} : memref<8x2048xf32, #tpu.memory_space<vmem>>, vector<16xf32>,
      %scan3A_206 = arith.constant 0 : i32
      scf.yield %scan3A_206 : i32
    }
    %scan3A_48 = arith.constant 64 : i32
    %scan3A_49 = arith.constant 0 : i32
    %scan3A_50 = arith.constant 0 : i32
    %scan3A_51 = arith.constant 64 : i32
    %scan3A_52 = arith.addi %scan3A_50, %scan3A_51 : i32
    %scan3A_53 = arith.constant 1 : i32
    %scan3A_54 = scf.for %scan3A_197 = %scan3A_50 to %scan3A_52 step %scan3A_53 iter_args(%scan3A_198 = %scan3A_49) -> (i32)  : i32 {
      %mul3A_199 = arith.constant 16 : i32
      %mul3A_200 = arith.muli %scan3A_197, %mul3A_199 : i32
      %add3A_201 = arith.constant 0 : i32
      %add3A_202 = arith.addi %add3A_201, %mul3A_200 : i32
      %swap3A = arith.constant 4 : i32
      %swap3A_203 = arith.index_cast %swap3A : i32 to index
      %swap3A_204 = arith.index_cast %add3A_202 : i32 to index
      %swap3A_205 = tpu.vector_load %arg12[%swap3A_203, %swap3A_204] {strides = array<i32>} : memref<8x2048xf32, #tpu.memory_space<vmem>>, vector<16xf32>,
      tpu.vector_store %arg12[%swap3A_203, %swap3A_204], %broadcast_in_dim3A_3 {strides = array<i32>} : memref<8x2048xf32, #tpu.memory_space<vmem>>, vector<16xf32>,
      %scan3A_206 = arith.constant 0 : i32
      scf.yield %scan3A_206 : i32
    }
    %scan3A_55 = arith.constant 64 : i32
    %scan3A_56 = arith.constant 0 : i32
    %scan3A_57 = arith.constant 0 : i32
    %scan3A_58 = arith.constant 64 : i32
    %scan3A_59 = arith.addi %scan3A_57, %scan3A_58 : i32
    %scan3A_60 = arith.constant 1 : i32
    %scan3A_61 = scf.for %scan3A_197 = %scan3A_57 to %scan3A_59 step %scan3A_60 iter_args(%scan3A_198 = %scan3A_56) -> (i32)  : i32 {
      %mul3A_199 = arith.constant 16 : i32
      %mul3A_200 = arith.muli %scan3A_197, %mul3A_199 : i32
      %add3A_201 = arith.constant 0 : i32
      %add3A_202 = arith.addi %add3A_201, %mul3A_200 : i32
      %swap3A = arith.constant 5 : i32
      %swap3A_203 = arith.index_cast %swap3A : i32 to index
      %swap3A_204 = arith.index_cast %add3A_202 : i32 to index
      %swap3A_205 = tpu.vector_load %arg12[%swap3A_203, %swap3A_204] {strides = array<i32>} : memref<8x2048xf32, #tpu.memory_space<vmem>>, vector<16xf32>,
      tpu.vector_store %arg12[%swap3A_203, %swap3A_204], %broadcast_in_dim3A_3 {strides = array<i32>} : memref<8x2048xf32, #tpu.memory_space<vmem>>, vector<16xf32>,
      %scan3A_206 = arith.constant 0 : i32
      scf.yield %scan3A_206 : i32
    }
    %scan3A_62 = arith.constant 64 : i32
    %scan3A_63 = arith.constant 0 : i32
    %scan3A_64 = arith.constant 0 : i32
    %scan3A_65 = arith.constant 64 : i32
    %scan3A_66 = arith.addi %scan3A_64, %scan3A_65 : i32
    %scan3A_67 = arith.constant 1 : i32
    %scan3A_68 = scf.for %scan3A_197 = %scan3A_64 to %scan3A_66 step %scan3A_67 iter_args(%scan3A_198 = %scan3A_63) -> (i32)  : i32 {
      %mul3A_199 = arith.constant 16 : i32
      %mul3A_200 = arith.muli %scan3A_197, %mul3A_199 : i32
      %add3A_201 = arith.constant 0 : i32
      %add3A_202 = arith.addi %add3A_201, %mul3A_200 : i32
      %swap3A = arith.constant 6 : i32
      %swap3A_203 = arith.index_cast %swap3A : i32 to index
      %swap3A_204 = arith.index_cast %add3A_202 : i32 to index
      %swap3A_205 = tpu.vector_load %arg12[%swap3A_203, %swap3A_204] {strides = array<i32>} : memref<8x2048xf32, #tpu.memory_space<vmem>>, vector<16xf32>,
      tpu.vector_store %arg12[%swap3A_203, %swap3A_204], %broadcast_in_dim3A_3 {strides = array<i32>} : memref<8x2048xf32, #tpu.memory_space<vmem>>, vector<16xf32>,
      %scan3A_206 = arith.constant 0 : i32
      scf.yield %scan3A_206 : i32
    }
    %scan3A_69 = arith.constant 64 : i32
    %scan3A_70 = arith.constant 0 : i32
    %scan3A_71 = arith.constant 0 : i32
    %scan3A_72 = arith.constant 64 : i32
    %scan3A_73 = arith.addi %scan3A_71, %scan3A_72 : i32
    %scan3A_74 = arith.constant 1 : i32
    %scan3A_75 = scf.for %scan3A_197 = %scan3A_71 to %scan3A_73 step %scan3A_74 iter_args(%scan3A_198 = %scan3A_70) -> (i32)  : i32 {
      %mul3A_199 = arith.constant 16 : i32
      %mul3A_200 = arith.muli %scan3A_197, %mul3A_199 : i32
      %add3A_201 = arith.constant 0 : i32
      %add3A_202 = arith.addi %add3A_201, %mul3A_200 : i32
      %swap3A = arith.constant 7 : i32
      %swap3A_203 = arith.index_cast %swap3A : i32 to index
      %swap3A_204 = arith.index_cast %add3A_202 : i32 to index
      %swap3A_205 = tpu.vector_load %arg12[%swap3A_203, %swap3A_204] {strides = array<i32>} : memref<8x2048xf32, #tpu.memory_space<vmem>>, vector<16xf32>,
      tpu.vector_store %arg12[%swap3A_203, %swap3A_204], %broadcast_in_dim3A_3 {strides = array<i32>} : memref<8x2048xf32, #tpu.memory_space<vmem>>, vector<16xf32>,
      %scan3A_206 = arith.constant 0 : i32
      scf.yield %scan3A_206 : i32
    }
    %scan3A_76 = arith.constant 64 : i32
    %scan3A_77 = arith.constant 0 : i32
    %scan3A_78 = arith.constant 0 : i32
    %scan3A_79 = arith.constant 64 : i32
    %scan3A_80 = arith.addi %scan3A_78, %scan3A_79 : i32
    %scan3A_81 = arith.constant 1 : i32
    %scan3A_82 = scf.for %scan3A_197 = %scan3A_78 to %scan3A_80 step %scan3A_81 iter_args(%scan3A_198 = %scan3A_77) -> (i32)  : i32 {
      %mul3A_199 = arith.constant 16 : i32
      %mul3A_200 = arith.muli %scan3A_197, %mul3A_199 : i32
      %add3A_201 = arith.constant 0 : i32
      %add3A_202 = arith.addi %add3A_201, %mul3A_200 : i32
      %swap3A = arith.index_cast %add3A_202 : i32 to index
      %swap3A_203 = tpu.vector_load %arg13[%swap3A] {strides = array<i32>} : memref<2048xf32, #tpu.memory_space<vmem>>, vector<16xf32>,
      tpu.vector_store %arg13[%swap3A], %broadcast_in_dim3A_3 {strides = array<i32>} : memref<2048xf32, #tpu.memory_space<vmem>>, vector<16xf32>,
      %scan3A_204 = arith.constant 0 : i32
      scf.yield %scan3A_204 : i32
    }
    %scan3A_83 = arith.constant 64 : i32
    %scan3A_84 = arith.constant 0 : i32
    %scan3A_85 = arith.constant 0 : i32
    %scan3A_86 = arith.constant 64 : i32
    %scan3A_87 = arith.addi %scan3A_85, %scan3A_86 : i32
    %scan3A_88 = arith.constant 1 : i32
    %scan3A_89 = scf.for %scan3A_197 = %scan3A_85 to %scan3A_87 step %scan3A_88 iter_args(%scan3A_198 = %scan3A_84) -> (i32)  : i32 {
      %mul3A_199 = arith.constant 16 : i32
      %mul3A_200 = arith.muli %scan3A_197, %mul3A_199 : i32
      %add3A_201 = arith.constant 1024 : i32
      %add3A_202 = arith.addi %add3A_201, %mul3A_200 : i32
      %swap3A = arith.constant 0 : i32
      %swap3A_203 = arith.index_cast %swap3A : i32 to index
      %swap3A_204 = arith.index_cast %add3A_202 : i32 to index
      %swap3A_205 = tpu.vector_load %arg12[%swap3A_203, %swap3A_204] {strides = array<i32>} : memref<8x2048xf32, #tpu.memory_space<vmem>>, vector<16xf32>,
      tpu.vector_store %arg12[%swap3A_203, %swap3A_204], %broadcast_in_dim3A_3 {strides = array<i32>} : memref<8x2048xf32, #tpu.memory_space<vmem>>, vector<16xf32>,
      %scan3A_206 = arith.constant 0 : i32
      scf.yield %scan3A_206 : i32
    }
    %scan3A_90 = arith.constant 64 : i32
    %scan3A_91 = arith.constant 0 : i32
    %scan3A_92 = arith.constant 0 : i32
    %scan3A_93 = arith.constant 64 : i32
    %scan3A_94 = arith.addi %scan3A_92, %scan3A_93 : i32
    %scan3A_95 = arith.constant 1 : i32
    %scan3A_96 = scf.for %scan3A_197 = %scan3A_92 to %scan3A_94 step %scan3A_95 iter_args(%scan3A_198 = %scan3A_91) -> (i32)  : i32 {
      %mul3A_199 = arith.constant 16 : i32
      %mul3A_200 = arith.muli %scan3A_197, %mul3A_199 : i32
      %add3A_201 = arith.constant 1024 : i32
      %add3A_202 = arith.addi %add3A_201, %mul3A_200 : i32
      %swap3A = arith.constant 1 : i32
      %swap3A_203 = arith.index_cast %swap3A : i32 to index
      %swap3A_204 = arith.index_cast %add3A_202 : i32 to index
      %swap3A_205 = tpu.vector_load %arg12[%swap3A_203, %swap3A_204] {strides = array<i32>} : memref<8x2048xf32, #tpu.memory_space<vmem>>, vector<16xf32>,
      tpu.vector_store %arg12[%swap3A_203, %swap3A_204], %broadcast_in_dim3A_3 {strides = array<i32>} : memref<8x2048xf32, #tpu.memory_space<vmem>>, vector<16xf32>,
      %scan3A_206 = arith.constant 0 : i32
      scf.yield %scan3A_206 : i32
    }
    %scan3A_97 = arith.constant 64 : i32
    %scan3A_98 = arith.constant 0 : i32
    %scan3A_99 = arith.constant 0 : i32
    %scan3A_100 = arith.constant 64 : i32
    %scan3A_101 = arith.addi %scan3A_99, %scan3A_100 : i32
    %scan3A_102 = arith.constant 1 : i32
    %scan3A_103 = scf.for %scan3A_197 = %scan3A_99 to %scan3A_101 step %scan3A_102 iter_args(%scan3A_198 = %scan3A_98) -> (i32)  : i32 {
      %mul3A_199 = arith.constant 16 : i32
      %mul3A_200 = arith.muli %scan3A_197, %mul3A_199 : i32
      %add3A_201 = arith.constant 1024 : i32
      %add3A_202 = arith.addi %add3A_201, %mul3A_200 : i32
      %swap3A = arith.constant 2 : i32
      %swap3A_203 = arith.index_cast %swap3A : i32 to index
      %swap3A_204 = arith.index_cast %add3A_202 : i32 to index
      %swap3A_205 = tpu.vector_load %arg12[%swap3A_203, %swap3A_204] {strides = array<i32>} : memref<8x2048xf32, #tpu.memory_space<vmem>>, vector<16xf32>,
      tpu.vector_store %arg12[%swap3A_203, %swap3A_204], %broadcast_in_dim3A_3 {strides = array<i32>} : memref<8x2048xf32, #tpu.memory_space<vmem>>, vector<16xf32>,
      %scan3A_206 = arith.constant 0 : i32
      scf.yield %scan3A_206 : i32
    }
    %scan3A_104 = arith.constant 64 : i32
    %scan3A_105 = arith.constant 0 : i32
    %scan3A_106 = arith.constant 0 : i32
    %scan3A_107 = arith.constant 64 : i32
    %scan3A_108 = arith.addi %scan3A_106, %scan3A_107 : i32
    %scan3A_109 = arith.constant 1 : i32
    %scan3A_110 = scf.for %scan3A_197 = %scan3A_106 to %scan3A_108 step %scan3A_109 iter_args(%scan3A_198 = %scan3A_105) -> (i32)  : i32 {
      %mul3A_199 = arith.constant 16 : i32
      %mul3A_200 = arith.muli %scan3A_197, %mul3A_199 : i32
      %add3A_201 = arith.constant 1024 : i32
      %add3A_202 = arith.addi %add3A_201, %mul3A_200 : i32
      %swap3A = arith.constant 3 : i32
      %swap3A_203 = arith.index_cast %swap3A : i32 to index
      %swap3A_204 = arith.index_cast %add3A_202 : i32 to index
      %swap3A_205 = tpu.vector_load %arg12[%swap3A_203, %swap3A_204] {strides = array<i32>} : memref<8x2048xf32, #tpu.memory_space<vmem>>, vector<16xf32>,
      tpu.vector_store %arg12[%swap3A_203, %swap3A_204], %broadcast_in_dim3A_3 {strides = array<i32>} : memref<8x2048xf32, #tpu.memory_space<vmem>>, vector<16xf32>,
      %scan3A_206 = arith.constant 0 : i32
      scf.yield %scan3A_206 : i32
    }
    %scan3A_111 = arith.constant 64 : i32
    %scan3A_112 = arith.constant 0 : i32
    %scan3A_113 = arith.constant 0 : i32
    %scan3A_114 = arith.constant 64 : i32
    %scan3A_115 = arith.addi %scan3A_113, %scan3A_114 : i32
    %scan3A_116 = arith.constant 1 : i32
    %scan3A_117 = scf.for %scan3A_197 = %scan3A_113 to %scan3A_115 step %scan3A_116 iter_args(%scan3A_198 = %scan3A_112) -> (i32)  : i32 {
      %mul3A_199 = arith.constant 16 : i32
      %mul3A_200 = arith.muli %scan3A_197, %mul3A_199 : i32
      %add3A_201 = arith.constant 1024 : i32
      %add3A_202 = arith.addi %add3A_201, %mul3A_200 : i32
      %swap3A = arith.constant 4 : i32
      %swap3A_203 = arith.index_cast %swap3A : i32 to index
      %swap3A_204 = arith.index_cast %add3A_202 : i32 to index
      %swap3A_205 = tpu.vector_load %arg12[%swap3A_203, %swap3A_204] {strides = array<i32>} : memref<8x2048xf32, #tpu.memory_space<vmem>>, vector<16xf32>,
      tpu.vector_store %arg12[%swap3A_203, %swap3A_204], %broadcast_in_dim3A_3 {strides = array<i32>} : memref<8x2048xf32, #tpu.memory_space<vmem>>, vector<16xf32>,
      %scan3A_206 = arith.constant 0 : i32
      scf.yield %scan3A_206 : i32
    }
    %scan3A_118 = arith.constant 64 : i32
    %scan3A_119 = arith.constant 0 : i32
    %scan3A_120 = arith.constant 0 : i32
    %scan3A_121 = arith.constant 64 : i32
    %scan3A_122 = arith.addi %scan3A_120, %scan3A_121 : i32
    %scan3A_123 = arith.constant 1 : i32
    %scan3A_124 = scf.for %scan3A_197 = %scan3A_120 to %scan3A_122 step %scan3A_123 iter_args(%scan3A_198 = %scan3A_119) -> (i32)  : i32 {
      %mul3A_199 = arith.constant 16 : i32
      %mul3A_200 = arith.muli %scan3A_197, %mul3A_199 : i32
      %add3A_201 = arith.constant 1024 : i32
      %add3A_202 = arith.addi %add3A_201, %mul3A_200 : i32
      %swap3A = arith.constant 5 : i32
      %swap3A_203 = arith.index_cast %swap3A : i32 to index
      %swap3A_204 = arith.index_cast %add3A_202 : i32 to index
      %swap3A_205 = tpu.vector_load %arg12[%swap3A_203, %swap3A_204] {strides = array<i32>} : memref<8x2048xf32, #tpu.memory_space<vmem>>, vector<16xf32>,
      tpu.vector_store %arg12[%swap3A_203, %swap3A_204], %broadcast_in_dim3A_3 {strides = array<i32>} : memref<8x2048xf32, #tpu.memory_space<vmem>>, vector<16xf32>,
      %scan3A_206 = arith.constant 0 : i32
      scf.yield %scan3A_206 : i32
    }
    %scan3A_125 = arith.constant 64 : i32
    %scan3A_126 = arith.constant 0 : i32
    %scan3A_127 = arith.constant 0 : i32
    %scan3A_128 = arith.constant 64 : i32
    %scan3A_129 = arith.addi %scan3A_127, %scan3A_128 : i32
    %scan3A_130 = arith.constant 1 : i32
    %scan3A_131 = scf.for %scan3A_197 = %scan3A_127 to %scan3A_129 step %scan3A_130 iter_args(%scan3A_198 = %scan3A_126) -> (i32)  : i32 {
      %mul3A_199 = arith.constant 16 : i32
      %mul3A_200 = arith.muli %scan3A_197, %mul3A_199 : i32
      %add3A_201 = arith.constant 1024 : i32
      %add3A_202 = arith.addi %add3A_201, %mul3A_200 : i32
      %swap3A = arith.constant 6 : i32
      %swap3A_203 = arith.index_cast %swap3A : i32 to index
      %swap3A_204 = arith.index_cast %add3A_202 : i32 to index
      %swap3A_205 = tpu.vector_load %arg12[%swap3A_203, %swap3A_204] {strides = array<i32>} : memref<8x2048xf32, #tpu.memory_space<vmem>>, vector<16xf32>,
      tpu.vector_store %arg12[%swap3A_203, %swap3A_204], %broadcast_in_dim3A_3 {strides = array<i32>} : memref<8x2048xf32, #tpu.memory_space<vmem>>, vector<16xf32>,
      %scan3A_206 = arith.constant 0 : i32
      scf.yield %scan3A_206 : i32
    }
    %scan3A_132 = arith.constant 64 : i32
    %scan3A_133 = arith.constant 0 : i32
    %scan3A_134 = arith.constant 0 : i32
    %scan3A_135 = arith.constant 64 : i32
    %scan3A_136 = arith.addi %scan3A_134, %scan3A_135 : i32
    %scan3A_137 = arith.constant 1 : i32
    %scan3A_138 = scf.for %scan3A_197 = %scan3A_134 to %scan3A_136 step %scan3A_137 iter_args(%scan3A_198 = %scan3A_133) -> (i32)  : i32 {
      %mul3A_199 = arith.constant 16 : i32
      %mul3A_200 = arith.muli %scan3A_197, %mul3A_199 : i32
      %add3A_201 = arith.constant 1024 : i32
      %add3A_202 = arith.addi %add3A_201, %mul3A_200 : i32
      %swap3A = arith.constant 7 : i32
      %swap3A_203 = arith.index_cast %swap3A : i32 to index
      %swap3A_204 = arith.index_cast %add3A_202 : i32 to index
      %swap3A_205 = tpu.vector_load %arg12[%swap3A_203, %swap3A_204] {strides = array<i32>} : memref<8x2048xf32, #tpu.memory_space<vmem>>, vector<16xf32>,
      tpu.vector_store %arg12[%swap3A_203, %swap3A_204], %broadcast_in_dim3A_3 {strides = array<i32>} : memref<8x2048xf32, #tpu.memory_space<vmem>>, vector<16xf32>,
      %scan3A_206 = arith.constant 0 : i32
      scf.yield %scan3A_206 : i32
    }
    %scan3A_139 = arith.constant 64 : i32
    %scan3A_140 = arith.constant 0 : i32
    %scan3A_141 = arith.constant 0 : i32
    %scan3A_142 = arith.constant 64 : i32
    %scan3A_143 = arith.addi %scan3A_141, %scan3A_142 : i32
    %scan3A_144 = arith.constant 1 : i32
    %scan3A_145 = scf.for %scan3A_197 = %scan3A_141 to %scan3A_143 step %scan3A_144 iter_args(%scan3A_198 = %scan3A_140) -> (i32)  : i32 {
      %mul3A_199 = arith.constant 16 : i32
      %mul3A_200 = arith.muli %scan3A_197, %mul3A_199 : i32
      %add3A_201 = arith.constant 1024 : i32
      %add3A_202 = arith.addi %add3A_201, %mul3A_200 : i32
      %swap3A = arith.index_cast %add3A_202 : i32 to index
      %swap3A_203 = tpu.vector_load %arg13[%swap3A] {strides = array<i32>} : memref<2048xf32, #tpu.memory_space<vmem>>, vector<16xf32>,
      tpu.vector_store %arg13[%swap3A], %broadcast_in_dim3A_3 {strides = array<i32>} : memref<2048xf32, #tpu.memory_space<vmem>>, vector<16xf32>,
      %scan3A_204 = arith.constant 0 : i32
      scf.yield %scan3A_204 : i32
    }
    %scan3A_146 = arith.constant 64 : i32
    %dma_start3A = arith.constant 0 : i32
    %dma_start3A_147 = arith.constant 0 : i32
    %dma_start3A_148 = tpu.memref_slice %arg10[%dma_start3A, %dma_start3A_147] : memref<2x3200xi32, #tpu.memory_space<vmem>> -> memref<1x3200xi32, #tpu.memory_space<vmem>>
    %dma_start3A_149 = tpu.memref_squeeze %dma_start3A_148 : memref<1x3200xi32, #tpu.memory_space<vmem>> -> memref<3200xi32, #tpu.memory_space<vmem>>
    %dma_start3A_150 = arith.constant 0 : i32
    %dma_start3A_151 = tpu.memref_slice %arg4[%dma_start3A_150] : memref<160000xi32, #tpu.memory_space<hbm>> -> memref<3200xi32, #tpu.memory_space<hbm>>
    %dma_start3A_152 = arith.constant 0 : i32
    %dma_start3A_153 = tpu.memref_slice %arg10[%dma_start3A, %dma_start3A_152] : memref<2x3200xi32, #tpu.memory_space<vmem>> -> memref<1x3200xi32, #tpu.memory_space<vmem>>
    %dma_start3A_154 = tpu.memref_squeeze %dma_start3A_153 : memref<1x3200xi32, #tpu.memory_space<vmem>> -> memref<3200xi32, #tpu.memory_space<vmem>>
    %dma_start3A_155 = arith.constant 0 : i32
    %dma_start3A_156 = tpu.memref_slice %arg4[%dma_start3A_155] : memref<160000xi32, #tpu.memory_space<hbm>> -> memref<3200xi32, #tpu.memory_space<hbm>>
    tpu.enqueue_dma source(%dma_start3A_156 : memref<3200xi32, #tpu.memory_space<hbm>>) target(%dma_start3A_154 : memref<3200xi32, #tpu.memory_space<vmem>>) target_semaphore(%arg14 : memref<!tpu.dma_semaphore, #tpu.memory_space<semaphore_mem>>)
    %dma_start3A_157 = arith.constant 0 : i32
    %dma_start3A_158 = arith.constant 0 : i32
    %dma_start3A_159 = tpu.memref_slice %arg11[%dma_start3A_157, %dma_start3A_158] : memref<2x3200xi32, #tpu.memory_space<vmem>> -> memref<1x3200xi32, #tpu.memory_space<vmem>>
    %dma_start3A_160 = tpu.memref_squeeze %dma_start3A_159 : memref<1x3200xi32, #tpu.memory_space<vmem>> -> memref<3200xi32, #tpu.memory_space<vmem>>
    %dma_start3A_161 = arith.constant 0 : i32
    %dma_start3A_162 = tpu.memref_slice %arg5[%dma_start3A_161] : memref<160000xi32, #tpu.memory_space<hbm>> -> memref<3200xi32, #tpu.memory_space<hbm>>
    %dma_start3A_163 = arith.constant 0 : i32
    %dma_start3A_164 = tpu.memref_slice %arg11[%dma_start3A_157, %dma_start3A_163] : memref<2x3200xi32, #tpu.memory_space<vmem>> -> memref<1x3200xi32, #tpu.memory_space<vmem>>
    %dma_start3A_165 = tpu.memref_squeeze %dma_start3A_164 : memref<1x3200xi32, #tpu.memory_space<vmem>> -> memref<3200xi32, #tpu.memory_space<vmem>>
    %dma_start3A_166 = arith.constant 0 : i32
    %dma_start3A_167 = tpu.memref_slice %arg5[%dma_start3A_166] : memref<160000xi32, #tpu.memory_space<hbm>> -> memref<3200xi32, #tpu.memory_space<hbm>>
    tpu.enqueue_dma source(%dma_start3A_167 : memref<3200xi32, #tpu.memory_space<hbm>>) target(%dma_start3A_165 : memref<3200xi32, #tpu.memory_space<vmem>>) target_semaphore(%arg16 : memref<!tpu.dma_semaphore, #tpu.memory_space<semaphore_mem>>)
    %dma_start3A_168 = arith.constant 1 : i32
    %dma_start3A_169 = arith.constant 0 : i32
    %dma_start3A_170 = tpu.memref_slice %arg10[%dma_start3A_168, %dma_start3A_169] : memref<2x3200xi32, #tpu.memory_space<vmem>> -> memref<1x3200xi32, #tpu.memory_space<vmem>>
    %dma_start3A_171 = tpu.memref_squeeze %dma_start3A_170 : memref<1x3200xi32, #tpu.memory_space<vmem>> -> memref<3200xi32, #tpu.memory_space<vmem>>
    %dma_start3A_172 = arith.constant 3200 : i32
    %dma_start3A_173 = tpu.memref_slice %arg4[%dma_start3A_172] : memref<160000xi32, #tpu.memory_space<hbm>> -> memref<3200xi32, #tpu.memory_space<hbm>>
    %dma_start3A_174 = arith.constant 0 : i32
    %dma_start3A_175 = tpu.memref_slice %arg10[%dma_start3A_168, %dma_start3A_174] : memref<2x3200xi32, #tpu.memory_space<vmem>> -> memref<1x3200xi32, #tpu.memory_space<vmem>>
    %dma_start3A_176 = tpu.memref_squeeze %dma_start3A_175 : memref<1x3200xi32, #tpu.memory_space<vmem>> -> memref<3200xi32, #tpu.memory_space<vmem>>
    %dma_start3A_177 = arith.constant 3200 : i32
    %dma_start3A_178 = tpu.memref_slice %arg4[%dma_start3A_177] : memref<160000xi32, #tpu.memory_space<hbm>> -> memref<3200xi32, #tpu.memory_space<hbm>>
    tpu.enqueue_dma source(%dma_start3A_178 : memref<3200xi32, #tpu.memory_space<hbm>>) target(%dma_start3A_176 : memref<3200xi32, #tpu.memory_space<vmem>>) target_semaphore(%arg15 : memref<!tpu.dma_semaphore, #tpu.memory_space<semaphore_mem>>)
    %dma_start3A_179 = arith.constant 1 : i32
    %dma_start3A_180 = arith.constant 0 : i32
    %dma_start3A_181 = tpu.memref_slice %arg11[%dma_start3A_179, %dma_start3A_180] : memref<2x3200xi32, #tpu.memory_space<vmem>> -> memref<1x3200xi32, #tpu.memory_space<vmem>>
    %dma_start3A_182 = tpu.memref_squeeze %dma_start3A_181 : memref<1x3200xi32, #tpu.memory_space<vmem>> -> memref<3200xi32, #tpu.memory_space<vmem>>
    %dma_start3A_183 = arith.constant 3200 : i32
    %dma_start3A_184 = tpu.memref_slice %arg5[%dma_start3A_183] : memref<160000xi32, #tpu.memory_space<hbm>> -> memref<3200xi32, #tpu.memory_space<hbm>>
    %dma_start3A_185 = arith.constant 0 : i32
    %dma_start3A_186 = tpu.memref_slice %arg11[%dma_start3A_179, %dma_start3A_185] : memref<2x3200xi32, #tpu.memory_space<vmem>> -> memref<1x3200xi32, #tpu.memory_space<vmem>>
    %dma_start3A_187 = tpu.memref_squeeze %dma_start3A_186 : memref<1x3200xi32, #tpu.memory_space<vmem>> -> memref<3200xi32, #tpu.memory_space<vmem>>
    %dma_start3A_188 = arith.constant 3200 : i32
    %dma_start3A_189 = tpu.memref_slice %arg5[%dma_start3A_188] : memref<160000xi32, #tpu.memory_space<hbm>> -> memref<3200xi32, #tpu.memory_space<hbm>>
    tpu.enqueue_dma source(%dma_start3A_189 : memref<3200xi32, #tpu.memory_space<hbm>>) target(%dma_start3A_187 : memref<3200xi32, #tpu.memory_space<vmem>>) target_semaphore(%arg17 : memref<!tpu.dma_semaphore, #tpu.memory_space<semaphore_mem>>)
    %scan3A_190 = arith.constant 0 : i32
    %scan3A_191 = arith.constant 0 : i32
    %scan3A_192 = arith.constant 25 : i32
    %scan3A_193 = arith.addi %scan3A_191, %scan3A_192 : i32
    %scan3A_194 = arith.constant 1 : i32
    %scan3A_195 = scf.for %scan3A_197 = %scan3A_191 to %scan3A_193 step %scan3A_194 iter_args(%scan3A_198 = %scan3A_190) -> (i32)  : i32 {
      %mul3A_199 = arith.constant 2 : i32
      %mul3A_200 = arith.muli %scan3A_197, %mul3A_199 : i32
      %add3A_201 = arith.constant 0 : i32
      %add3A_202 = arith.addi %mul3A_200, %add3A_201 : i32
      %mul3A_203 = arith.constant 3200 : i32
      %mul3A_204 = arith.muli %add3A_202, %mul3A_203 : i32
      %dma_wait3A = arith.constant 0 : i32
      %dma_wait3A_205 = arith.constant 0 : i32
      %dma_wait3A_206 = tpu.memref_slice %arg10[%dma_wait3A, %dma_wait3A_205] : memref<2x3200xi32, #tpu.memory_space<vmem>> -> memref<1x3200xi32, #tpu.memory_space<vmem>>
      %dma_wait3A_207 = tpu.memref_squeeze %dma_wait3A_206 : memref<1x3200xi32, #tpu.memory_space<vmem>> -> memref<3200xi32, #tpu.memory_space<vmem>>
      %dma_wait3A_208 = tpu.memref_slice %arg4[%mul3A_204] : memref<160000xi32, #tpu.memory_space<hbm>> -> memref<3200xi32, #tpu.memory_space<hbm>>
      %dma_wait3A_209 = arith.constant 0 : i32
      %dma_wait3A_210 = tpu.memref_slice %arg10[%dma_wait3A, %dma_wait3A_209] : memref<2x3200xi32, #tpu.memory_space<vmem>> -> memref<1x3200xi32, #tpu.memory_space<vmem>>
      %dma_wait3A_211 = tpu.memref_squeeze %dma_wait3A_210 : memref<1x3200xi32, #tpu.memory_space<vmem>> -> memref<3200xi32, #tpu.memory_space<vmem>>
      %dma_wait3A_212 = tpu.memref_slice %arg4[%mul3A_204] : memref<160000xi32, #tpu.memory_space<hbm>> -> memref<3200xi32, #tpu.memory_space<hbm>>
      tpu.wait_dma2 semaphore(%arg14 : memref<!tpu.dma_semaphore, #tpu.memory_space<semaphore_mem>>) src(%dma_wait3A_212 : memref<3200xi32, #tpu.memory_space<hbm>>) dst(%dma_wait3A_211 : memref<3200xi32, #tpu.memory_space<vmem>>)
      %mul3A_213 = arith.constant 3200 : i32
      %mul3A_214 = arith.muli %add3A_202, %mul3A_213 : i32
      %dma_wait3A_215 = arith.constant 0 : i32
      %dma_wait3A_216 = arith.constant 0 : i32
      %dma_wait3A_217 = tpu.memref_slice %arg11[%dma_wait3A_215, %dma_wait3A_216] : memref<2x3200xi32, #tpu.memory_space<vmem>> -> memref<1x3200xi32, #tpu.memory_space<vmem>>
      %dma_wait3A_218 = tpu.memref_squeeze %dma_wait3A_217 : memref<1x3200xi32, #tpu.memory_space<vmem>> -> memref<3200xi32, #tpu.memory_space<vmem>>
      %dma_wait3A_219 = tpu.memref_slice %arg5[%mul3A_214] : memref<160000xi32, #tpu.memory_space<hbm>> -> memref<3200xi32, #tpu.memory_space<hbm>>
      %dma_wait3A_220 = arith.constant 0 : i32
      %dma_wait3A_221 = tpu.memref_slice %arg11[%dma_wait3A_215, %dma_wait3A_220] : memref<2x3200xi32, #tpu.memory_space<vmem>> -> memref<1x3200xi32, #tpu.memory_space<vmem>>
      %dma_wait3A_222 = tpu.memref_squeeze %dma_wait3A_221 : memref<1x3200xi32, #tpu.memory_space<vmem>> -> memref<3200xi32, #tpu.memory_space<vmem>>
      %dma_wait3A_223 = tpu.memref_slice %arg5[%mul3A_214] : memref<160000xi32, #tpu.memory_space<hbm>> -> memref<3200xi32, #tpu.memory_space<hbm>>
      tpu.wait_dma2 semaphore(%arg16 : memref<!tpu.dma_semaphore, #tpu.memory_space<semaphore_mem>>) src(%dma_wait3A_223 : memref<3200xi32, #tpu.memory_space<hbm>>) dst(%dma_wait3A_222 : memref<3200xi32, #tpu.memory_space<vmem>>)
      %get3A = arith.constant 0 : i32
      %get3A_224 = arith.index_cast %get3A : i32 to index
      %get3A_225 = arith.constant 0 : index
      %get3A_226 = tpu.vector_load %arg11[%get3A_224, %get3A_225] {strides = array<i32>} : memref<2x3200xi32, #tpu.memory_space<vmem>>, vector<16xi32>,
      %reduce_min3A = arith.constant true
      %reduce_min3A_227 = vector.broadcast %reduce_min3A : i1 to vector<16xi1>
      %reduce_min3A_228 = arith.constant -2147483648 : i32
      %reduce_min3A_229 = vector.broadcast %reduce_min3A_228 : i32 to vector<16xi32>
      %reduce_min3A_230 = arith.xori %get3A_226, %reduce_min3A_229 : vector<16xi32>
      %reduce_min3A_231 = tpu.scan <min>, %reduce_min3A_230 masked %reduce_min3A_227 : vector<16xi32>, vector<16xi1> -> vector<16xi32>
      %reduce_min3A_232 = arith.xori %reduce_min3A_231, %reduce_min3A_229 : vector<16xi32>
      %reduce_min3A_233 = vector.extract %reduce_min3A_232[15] : i32 from vector<16xi32>
      %get3A_234 = arith.constant 0 : i32
      %get3A_235 = arith.index_cast %get3A_234 : i32 to index
      %get3A_236 = arith.constant 3184 : index
      %get3A_237 = tpu.vector_load %arg11[%get3A_235, %get3A_236] {strides = array<i32>} : memref<2x3200xi32, #tpu.memory_space<vmem>>, vector<16xi32>,
      %reduce_max3A = arith.constant true
      %reduce_max3A_238 = vector.broadcast %reduce_max3A : i1 to vector<16xi1>
      %reduce_max3A_239 = arith.constant -2147483648 : i32
      %reduce_max3A_240 = vector.broadcast %reduce_max3A_239 : i32 to vector<16xi32>
      %reduce_max3A_241 = arith.xori %get3A_237, %reduce_max3A_240 : vector<16xi32>
      %reduce_max3A_242 = tpu.scan <max>, %reduce_max3A_241 masked %reduce_max3A_238 : vector<16xi32>, vector<16xi1> -> vector<16xi32>
      %reduce_max3A_243 = arith.xori %reduce_max3A_242, %reduce_max3A_240 : vector<16xi32>
      %reduce_max3A_244 = vector.extract %reduce_max3A_243[15] : i32 from vector<16xi32>
      %while3A_245 = scf.while (%while3A_322 = %scan3A_198) : (i32) -> i32 {
        %add3A_323 = arith.constant 1024 : i32
        %add3A_324 = arith.addi %while3A_322, %add3A_323 : i32
        %le3A = arith.cmpi sle, %add3A_324, %reduce_min3A_233 : i32
        scf.condition(%le3A) %while3A_322 : i32
      } do {
      ^bb0(%while3A_322: i32):
        %multiple_of3A = tpu.assume_multiple %while3A_322, 1024 : i32
        %shift_right_logical3A = arith.constant 10 : i32
        %shift_right_logical3A_323 = arith.shrui %multiple_of3A, %shift_right_logical3A : i32
        %and3A = arith.constant 1 : i32
        %and3A_324 = arith.andi %shift_right_logical3A_323, %and3A : i32
        %mul3A_325 = arith.constant 1024 : i32
        %mul3A_326 = arith.muli %and3A_324, %mul3A_325 : i32
        "tpu.region"() ({
          %run_scoped3A = tpu.sem_alloc : memref<!tpu.dma_semaphore, #tpu.memory_space<semaphore_mem>>
          %dma_start3A_396 = arith.constant 0 : i32
          %dma_start3A_397 = tpu.memref_slice %arg12[%dma_start3A_396, %mul3A_326] : memref<8x2048xf32, #tpu.memory_space<vmem>> -> memref<8x1024xf32, #tpu.memory_space<vmem>>
          %dma_start3A_398 = tpu.memref_slice %arg6[%mul3A_2, %multiple_of3A] : memref<256x20480xf32, #tpu.memory_space<hbm>> -> memref<8x1024xf32, #tpu.memory_space<hbm>>
          %dma_start3A_399 = tpu.memref_slice %arg6[%mul3A_2, %multiple_of3A] : memref<256x20480xf32, #tpu.memory_space<hbm>> -> memref<8x1024xf32, #tpu.memory_space<hbm>>
          %dma_start3A_400 = arith.constant 0 : i32
          %dma_start3A_401 = tpu.memref_slice %arg12[%dma_start3A_400, %mul3A_326] : memref<8x2048xf32, #tpu.memory_space<vmem>> -> memref<8x1024xf32, #tpu.memory_space<vmem>>
          tpu.enqueue_dma source(%dma_start3A_401 : memref<8x1024xf32, #tpu.memory_space<vmem>>) target(%dma_start3A_399 : memref<8x1024xf32, #tpu.memory_space<hbm>>) target_semaphore(%run_scoped3A : memref<!tpu.dma_semaphore, #tpu.memory_space<semaphore_mem>>)
          %dma_wait3A_402 = arith.constant 0 : i32
          %dma_wait3A_403 = tpu.memref_slice %arg12[%dma_wait3A_402, %mul3A_326] : memref<8x2048xf32, #tpu.memory_space<vmem>> -> memref<8x1024xf32, #tpu.memory_space<vmem>>
          %dma_wait3A_404 = tpu.memref_slice %arg6[%mul3A_2, %multiple_of3A] : memref<256x20480xf32, #tpu.memory_space<hbm>> -> memref<8x1024xf32, #tpu.memory_space<hbm>>
          %dma_wait3A_405 = tpu.memref_slice %arg6[%mul3A_2, %multiple_of3A] : memref<256x20480xf32, #tpu.memory_space<hbm>> -> memref<8x1024xf32, #tpu.memory_space<hbm>>
          %dma_wait3A_406 = arith.constant 0 : i32
          %dma_wait3A_407 = tpu.memref_slice %arg12[%dma_wait3A_406, %mul3A_326] : memref<8x2048xf32, #tpu.memory_space<vmem>> -> memref<8x1024xf32, #tpu.memory_space<vmem>>
          tpu.wait_dma2 semaphore(%run_scoped3A : memref<!tpu.dma_semaphore, #tpu.memory_space<semaphore_mem>>) src(%dma_wait3A_407 : memref<8x1024xf32, #tpu.memory_space<vmem>>) dst(%dma_wait3A_405 : memref<8x1024xf32, #tpu.memory_space<hbm>>)
          tpu.yield
        }) : () -> ()
        %eq3A = arith.constant 0 : i32
        %eq3A_327 = arith.cmpi eq, %add3A, %eq3A : i32
        %convert_element_type3A_328 = arith.extui %eq3A_327 : i1 to i32
        %cond3A_329 = arith.constant 0 : i32
        %cond3A_330 = arith.cmpi ne, %convert_element_type3A_328, %cond3A_329 : i32
        scf.if %cond3A_330 {
          "tpu.region"() ({
            %run_scoped3A = tpu.sem_alloc : memref<!tpu.dma_semaphore, #tpu.memory_space<semaphore_mem>>
            %dma_start3A_396 = tpu.memref_slice %arg13[%mul3A_326] : memref<2048xf32, #tpu.memory_space<vmem>> -> memref<1024xf32, #tpu.memory_space<vmem>>
            %dma_start3A_397 = tpu.memref_slice %arg7[%multiple_of3A] : memref<20480xf32, #tpu.memory_space<hbm>> -> memref<1024xf32, #tpu.memory_space<hbm>>
            %dma_start3A_398 = tpu.memref_slice %arg7[%multiple_of3A] : memref<20480xf32, #tpu.memory_space<hbm>> -> memref<1024xf32, #tpu.memory_space<hbm>>
            %dma_start3A_399 = tpu.memref_slice %arg13[%mul3A_326] : memref<2048xf32, #tpu.memory_space<vmem>> -> memref<1024xf32, #tpu.memory_space<vmem>>
            tpu.enqueue_dma source(%dma_start3A_399 : memref<1024xf32, #tpu.memory_space<vmem>>) target(%dma_start3A_398 : memref<1024xf32, #tpu.memory_space<hbm>>) target_semaphore(%run_scoped3A : memref<!tpu.dma_semaphore, #tpu.memory_space<semaphore_mem>>)
            %dma_wait3A_400 = tpu.memref_slice %arg13[%mul3A_326] : memref<2048xf32, #tpu.memory_space<vmem>> -> memref<1024xf32, #tpu.memory_space<vmem>>
            %dma_wait3A_401 = tpu.memref_slice %arg7[%multiple_of3A] : memref<20480xf32, #tpu.memory_space<hbm>> -> memref<1024xf32, #tpu.memory_space<hbm>>
            %dma_wait3A_402 = tpu.memref_slice %arg7[%multiple_of3A] : memref<20480xf32, #tpu.memory_space<hbm>> -> memref<1024xf32, #tpu.memory_space<hbm>>
            %dma_wait3A_403 = tpu.memref_slice %arg13[%mul3A_326] : memref<2048xf32, #tpu.memory_space<vmem>> -> memref<1024xf32, #tpu.memory_space<vmem>>
            tpu.wait_dma2 semaphore(%run_scoped3A : memref<!tpu.dma_semaphore, #tpu.memory_space<semaphore_mem>>) src(%dma_wait3A_403 : memref<1024xf32, #tpu.memory_space<vmem>>) dst(%dma_wait3A_402 : memref<1024xf32, #tpu.memory_space<hbm>>)
            tpu.yield
          }) : () -> ()
        } else {
        }
        %scan3A_331 = arith.constant 0 : i32
        %scan3A_332 = arith.constant 0 : i32
        %scan3A_333 = arith.constant 64 : i32
        %scan3A_334 = arith.addi %scan3A_332, %scan3A_333 : i32
        %scan3A_335 = arith.constant 1 : i32
        %scan3A_336 = scf.for %scan3A_396 = %scan3A_332 to %scan3A_334 step %scan3A_335 iter_args(%scan3A_397 = %scan3A_331) -> (i32)  : i32 {
          %mul3A_398 = arith.constant 16 : i32
          %mul3A_399 = arith.muli %scan3A_396, %mul3A_398 : i32
          %add3A_400 = arith.addi %mul3A_326, %mul3A_399 : i32
          %swap3A = arith.constant 0 : i32
          %swap3A_401 = arith.index_cast %swap3A : i32 to index
          %swap3A_402 = arith.index_cast %add3A_400 : i32 to index
          %swap3A_403 = tpu.vector_load %arg12[%swap3A_401, %swap3A_402] {strides = array<i32>} : memref<8x2048xf32, #tpu.memory_space<vmem>>, vector<16xf32>,
          tpu.vector_store %arg12[%swap3A_401, %swap3A_402], %broadcast_in_dim3A_3 {strides = array<i32>} : memref<8x2048xf32, #tpu.memory_space<vmem>>, vector<16xf32>,
          %scan3A_404 = arith.constant 0 : i32
          scf.yield %scan3A_404 : i32
        }
        %scan3A_337 = arith.constant 64 : i32
        %scan3A_338 = arith.constant 0 : i32
        %scan3A_339 = arith.constant 0 : i32
        %scan3A_340 = arith.constant 64 : i32
        %scan3A_341 = arith.addi %scan3A_339, %scan3A_340 : i32
        %scan3A_342 = arith.constant 1 : i32
        %scan3A_343 = scf.for %scan3A_396 = %scan3A_339 to %scan3A_341 step %scan3A_342 iter_args(%scan3A_397 = %scan3A_338) -> (i32)  : i32 {
          %mul3A_398 = arith.constant 16 : i32
          %mul3A_399 = arith.muli %scan3A_396, %mul3A_398 : i32
          %add3A_400 = arith.addi %mul3A_326, %mul3A_399 : i32
          %swap3A = arith.constant 1 : i32
          %swap3A_401 = arith.index_cast %swap3A : i32 to index
          %swap3A_402 = arith.index_cast %add3A_400 : i32 to index
          %swap3A_403 = tpu.vector_load %arg12[%swap3A_401, %swap3A_402] {strides = array<i32>} : memref<8x2048xf32, #tpu.memory_space<vmem>>, vector<16xf32>,
          tpu.vector_store %arg12[%swap3A_401, %swap3A_402], %broadcast_in_dim3A_3 {strides = array<i32>} : memref<8x2048xf32, #tpu.memory_space<vmem>>, vector<16xf32>,
          %scan3A_404 = arith.constant 0 : i32
          scf.yield %scan3A_404 : i32
        }
        %scan3A_344 = arith.constant 64 : i32
        %scan3A_345 = arith.constant 0 : i32
        %scan3A_346 = arith.constant 0 : i32
        %scan3A_347 = arith.constant 64 : i32
        %scan3A_348 = arith.addi %scan3A_346, %scan3A_347 : i32
        %scan3A_349 = arith.constant 1 : i32
        %scan3A_350 = scf.for %scan3A_396 = %scan3A_346 to %scan3A_348 step %scan3A_349 iter_args(%scan3A_397 = %scan3A_345) -> (i32)  : i32 {
          %mul3A_398 = arith.constant 16 : i32
          %mul3A_399 = arith.muli %scan3A_396, %mul3A_398 : i32
          %add3A_400 = arith.addi %mul3A_326, %mul3A_399 : i32
          %swap3A = arith.constant 2 : i32
          %swap3A_401 = arith.index_cast %swap3A : i32 to index
          %swap3A_402 = arith.index_cast %add3A_400 : i32 to index
          %swap3A_403 = tpu.vector_load %arg12[%swap3A_401, %swap3A_402] {strides = array<i32>} : memref<8x2048xf32, #tpu.memory_space<vmem>>, vector<16xf32>,
          tpu.vector_store %arg12[%swap3A_401, %swap3A_402], %broadcast_in_dim3A_3 {strides = array<i32>} : memref<8x2048xf32, #tpu.memory_space<vmem>>, vector<16xf32>,
          %scan3A_404 = arith.constant 0 : i32
          scf.yield %scan3A_404 : i32
        }
        %scan3A_351 = arith.constant 64 : i32
        %scan3A_352 = arith.constant 0 : i32
        %scan3A_353 = arith.constant 0 : i32
        %scan3A_354 = arith.constant 64 : i32
        %scan3A_355 = arith.addi %scan3A_353, %scan3A_354 : i32
        %scan3A_356 = arith.constant 1 : i32
        %scan3A_357 = scf.for %scan3A_396 = %scan3A_353 to %scan3A_355 step %scan3A_356 iter_args(%scan3A_397 = %scan3A_352) -> (i32)  : i32 {
          %mul3A_398 = arith.constant 16 : i32
          %mul3A_399 = arith.muli %scan3A_396, %mul3A_398 : i32
          %add3A_400 = arith.addi %mul3A_326, %mul3A_399 : i32
          %swap3A = arith.constant 3 : i32
          %swap3A_401 = arith.index_cast %swap3A : i32 to index
          %swap3A_402 = arith.index_cast %add3A_400 : i32 to index
          %swap3A_403 = tpu.vector_load %arg12[%swap3A_401, %swap3A_402] {strides = array<i32>} : memref<8x2048xf32, #tpu.memory_space<vmem>>, vector<16xf32>,
          tpu.vector_store %arg12[%swap3A_401, %swap3A_402], %broadcast_in_dim3A_3 {strides = array<i32>} : memref<8x2048xf32, #tpu.memory_space<vmem>>, vector<16xf32>,
          %scan3A_404 = arith.constant 0 : i32
          scf.yield %scan3A_404 : i32
        }
        %scan3A_358 = arith.constant 64 : i32
        %scan3A_359 = arith.constant 0 : i32
        %scan3A_360 = arith.constant 0 : i32
        %scan3A_361 = arith.constant 64 : i32
        %scan3A_362 = arith.addi %scan3A_360, %scan3A_361 : i32
        %scan3A_363 = arith.constant 1 : i32
        %scan3A_364 = scf.for %scan3A_396 = %scan3A_360 to %scan3A_362 step %scan3A_363 iter_args(%scan3A_397 = %scan3A_359) -> (i32)  : i32 {
          %mul3A_398 = arith.constant 16 : i32
          %mul3A_399 = arith.muli %scan3A_396, %mul3A_398 : i32
          %add3A_400 = arith.addi %mul3A_326, %mul3A_399 : i32
          %swap3A = arith.constant 4 : i32
          %swap3A_401 = arith.index_cast %swap3A : i32 to index
          %swap3A_402 = arith.index_cast %add3A_400 : i32 to index
          %swap3A_403 = tpu.vector_load %arg12[%swap3A_401, %swap3A_402] {strides = array<i32>} : memref<8x2048xf32, #tpu.memory_space<vmem>>, vector<16xf32>,
          tpu.vector_store %arg12[%swap3A_401, %swap3A_402], %broadcast_in_dim3A_3 {strides = array<i32>} : memref<8x2048xf32, #tpu.memory_space<vmem>>, vector<16xf32>,
          %scan3A_404 = arith.constant 0 : i32
          scf.yield %scan3A_404 : i32
        }
        %scan3A_365 = arith.constant 64 : i32
        %scan3A_366 = arith.constant 0 : i32
        %scan3A_367 = arith.constant 0 : i32
        %scan3A_368 = arith.constant 64 : i32
        %scan3A_369 = arith.addi %scan3A_367, %scan3A_368 : i32
        %scan3A_370 = arith.constant 1 : i32
        %scan3A_371 = scf.for %scan3A_396 = %scan3A_367 to %scan3A_369 step %scan3A_370 iter_args(%scan3A_397 = %scan3A_366) -> (i32)  : i32 {
          %mul3A_398 = arith.constant 16 : i32
          %mul3A_399 = arith.muli %scan3A_396, %mul3A_398 : i32
          %add3A_400 = arith.addi %mul3A_326, %mul3A_399 : i32
          %swap3A = arith.constant 5 : i32
          %swap3A_401 = arith.index_cast %swap3A : i32 to index
          %swap3A_402 = arith.index_cast %add3A_400 : i32 to index
          %swap3A_403 = tpu.vector_load %arg12[%swap3A_401, %swap3A_402] {strides = array<i32>} : memref<8x2048xf32, #tpu.memory_space<vmem>>, vector<16xf32>,
          tpu.vector_store %arg12[%swap3A_401, %swap3A_402], %broadcast_in_dim3A_3 {strides = array<i32>} : memref<8x2048xf32, #tpu.memory_space<vmem>>, vector<16xf32>,
          %scan3A_404 = arith.constant 0 : i32
          scf.yield %scan3A_404 : i32
        }
        %scan3A_372 = arith.constant 64 : i32
        %scan3A_373 = arith.constant 0 : i32
        %scan3A_374 = arith.constant 0 : i32
        %scan3A_375 = arith.constant 64 : i32
        %scan3A_376 = arith.addi %scan3A_374, %scan3A_375 : i32
        %scan3A_377 = arith.constant 1 : i32
        %scan3A_378 = scf.for %scan3A_396 = %scan3A_374 to %scan3A_376 step %scan3A_377 iter_args(%scan3A_397 = %scan3A_373) -> (i32)  : i32 {
          %mul3A_398 = arith.constant 16 : i32
          %mul3A_399 = arith.muli %scan3A_396, %mul3A_398 : i32
          %add3A_400 = arith.addi %mul3A_326, %mul3A_399 : i32
          %swap3A = arith.constant 6 : i32
          %swap3A_401 = arith.index_cast %swap3A : i32 to index
          %swap3A_402 = arith.index_cast %add3A_400 : i32 to index
          %swap3A_403 = tpu.vector_load %arg12[%swap3A_401, %swap3A_402] {strides = array<i32>} : memref<8x2048xf32, #tpu.memory_space<vmem>>, vector<16xf32>,
          tpu.vector_store %arg12[%swap3A_401, %swap3A_402], %broadcast_in_dim3A_3 {strides = array<i32>} : memref<8x2048xf32, #tpu.memory_space<vmem>>, vector<16xf32>,
          %scan3A_404 = arith.constant 0 : i32
          scf.yield %scan3A_404 : i32
        }
        %scan3A_379 = arith.constant 64 : i32
        %scan3A_380 = arith.constant 0 : i32
        %scan3A_381 = arith.constant 0 : i32
        %scan3A_382 = arith.constant 64 : i32
        %scan3A_383 = arith.addi %scan3A_381, %scan3A_382 : i32
        %scan3A_384 = arith.constant 1 : i32
        %scan3A_385 = scf.for %scan3A_396 = %scan3A_381 to %scan3A_383 step %scan3A_384 iter_args(%scan3A_397 = %scan3A_380) -> (i32)  : i32 {
          %mul3A_398 = arith.constant 16 : i32
          %mul3A_399 = arith.muli %scan3A_396, %mul3A_398 : i32
          %add3A_400 = arith.addi %mul3A_326, %mul3A_399 : i32
          %swap3A = arith.constant 7 : i32
          %swap3A_401 = arith.index_cast %swap3A : i32 to index
          %swap3A_402 = arith.index_cast %add3A_400 : i32 to index
          %swap3A_403 = tpu.vector_load %arg12[%swap3A_401, %swap3A_402] {strides = array<i32>} : memref<8x2048xf32, #tpu.memory_space<vmem>>, vector<16xf32>,
          tpu.vector_store %arg12[%swap3A_401, %swap3A_402], %broadcast_in_dim3A_3 {strides = array<i32>} : memref<8x2048xf32, #tpu.memory_space<vmem>>, vector<16xf32>,
          %scan3A_404 = arith.constant 0 : i32
          scf.yield %scan3A_404 : i32
        }
        %scan3A_386 = arith.constant 64 : i32
        %scan3A_387 = arith.constant 0 : i32
        %scan3A_388 = arith.constant 0 : i32
        %scan3A_389 = arith.constant 64 : i32
        %scan3A_390 = arith.addi %scan3A_388, %scan3A_389 : i32
        %scan3A_391 = arith.constant 1 : i32
        %scan3A_392 = scf.for %scan3A_396 = %scan3A_388 to %scan3A_390 step %scan3A_391 iter_args(%scan3A_397 = %scan3A_387) -> (i32)  : i32 {
          %mul3A_398 = arith.constant 16 : i32
          %mul3A_399 = arith.muli %scan3A_396, %mul3A_398 : i32
          %add3A_400 = arith.addi %mul3A_326, %mul3A_399 : i32
          %swap3A = arith.index_cast %add3A_400 : i32 to index
          %swap3A_401 = tpu.vector_load %arg13[%swap3A] {strides = array<i32>} : memref<2048xf32, #tpu.memory_space<vmem>>, vector<16xf32>,
          tpu.vector_store %arg13[%swap3A], %broadcast_in_dim3A_3 {strides = array<i32>} : memref<2048xf32, #tpu.memory_space<vmem>>, vector<16xf32>,
          %scan3A_402 = arith.constant 0 : i32
          scf.yield %scan3A_402 : i32
        }
        %scan3A_393 = arith.constant 64 : i32
        %add3A_394 = arith.constant 1024 : i32
        %add3A_395 = arith.addi %multiple_of3A, %add3A_394 : i32
        scf.yield %add3A_395 : i32
      }
      %add3A_246 = arith.constant 2048 : i32
      %add3A_247 = arith.addi %while3A_245, %add3A_246 : i32
      %lt3A = arith.cmpi slt, %reduce_max3A_244, %add3A_247 : i32
      %convert_element_type3A = arith.extui %lt3A : i1 to i32
      %cond3A = arith.constant 0 : i32
      %cond3A_248 = arith.cmpi ne, %convert_element_type3A, %cond3A : i32
      %cond3A_249 = scf.if %cond3A_248 -> (i32) {
        %scan3A_322 = arith.constant 0 : i32
        %scan3A_323 = arith.constant 50 : i32
        %scan3A_324 = arith.addi %scan3A_322, %scan3A_323 : i32
        %scan3A_325 = arith.constant 1 : i32
        scf.for %scan3A_327 = %scan3A_322 to %scan3A_324 step %scan3A_325  : i32 {
          %mul3A_328 = arith.constant 4 : i32
          %mul3A_329 = arith.muli %scan3A_327, %mul3A_328 : i32
          %add3A_330 = arith.constant 0 : i32
          %add3A_331 = arith.addi %mul3A_329, %add3A_330 : i32
          %mul3A_332 = arith.constant 16 : i32
          %mul3A_333 = arith.muli %add3A_331, %mul3A_332 : i32
          %get3A_334 = arith.constant 0 : i32
          %get3A_335 = arith.index_cast %get3A_334 : i32 to index
          %get3A_336 = arith.index_cast %mul3A_333 : i32 to index
          %get3A_337 = tpu.vector_load %arg10[%get3A_335, %get3A_336] {strides = array<i32>} : memref<2x3200xi32, #tpu.memory_space<vmem>>, vector<16xi32>,
          %get3A_338 = arith.constant 0 : i32
          %get3A_339 = arith.index_cast %get3A_338 : i32 to index
          %get3A_340 = arith.index_cast %mul3A_333 : i32 to index
          %get3A_341 = tpu.vector_load %arg11[%get3A_339, %get3A_340] {strides = array<i32>} : memref<2x3200xi32, #tpu.memory_space<vmem>>, vector<16xi32>,
          %and3A = arith.constant 2047 : i32
          %and3A_342 = vector.broadcast %and3A : i32 to vector<16xi32>
          %and3A_343 = arith.andi %get3A_341, %and3A_342 : vector<16xi32>
          %gather3A = tpu.vector_load_idx %arg9[%get3A_337] : memref<10240xf32, #tpu.memory_space<vmem>>[vector<16xi32>], vector<16xf32>,
          %gather3A_344 = tpu.vector_load_idx %arg8[%broadcast_in_dim3A_7, %get3A_337] : memref<8x10240xf32, #tpu.memory_space<vmem>>[vector<16xi32>, vector<16xi32>], vector<16xf32>,
          %gather3A_345 = tpu.vector_load_idx %arg8[%broadcast_in_dim3A_9, %get3A_337] : memref<8x10240xf32, #tpu.memory_space<vmem>>[vector<16xi32>, vector<16xi32>], vector<16xf32>,
          %gather3A_346 = tpu.vector_load_idx %arg8[%broadcast_in_dim3A_11, %get3A_337] : memref<8x10240xf32, #tpu.memory_space<vmem>>[vector<16xi32>, vector<16xi32>], vector<16xf32>,
          %gather3A_347 = tpu.vector_load_idx %arg8[%broadcast_in_dim3A_13, %get3A_337] : memref<8x10240xf32, #tpu.memory_space<vmem>>[vector<16xi32>, vector<16xi32>], vector<16xf32>,
          %gather3A_348 = tpu.vector_load_idx %arg8[%broadcast_in_dim3A_15, %get3A_337] : memref<8x10240xf32, #tpu.memory_space<vmem>>[vector<16xi32>, vector<16xi32>], vector<16xf32>,
          %gather3A_349 = tpu.vector_load_idx %arg8[%broadcast_in_dim3A_17, %get3A_337] : memref<8x10240xf32, #tpu.memory_space<vmem>>[vector<16xi32>, vector<16xi32>], vector<16xf32>,
          %gather3A_350 = tpu.vector_load_idx %arg8[%broadcast_in_dim3A_19, %get3A_337] : memref<8x10240xf32, #tpu.memory_space<vmem>>[vector<16xi32>, vector<16xi32>], vector<16xf32>,
          %gather3A_351 = tpu.vector_load_idx %arg8[%broadcast_in_dim3A_21, %get3A_337] : memref<8x10240xf32, #tpu.memory_space<vmem>>[vector<16xi32>, vector<16xi32>], vector<16xf32>,
          tpu.vector_store_idx %arg13[%and3A_343], %gather3A {add = true} : memref<2048xf32, #tpu.memory_space<vmem>>[vector<16xi32>], vector<16xf32>,
          tpu.vector_store_idx %arg12[%broadcast_in_dim3A_7, %and3A_343], %gather3A_344 {add = true} : memref<8x2048xf32, #tpu.memory_space<vmem>>[vector<16xi32>, vector<16xi32>], vector<16xf32>,
          tpu.vector_store_idx %arg12[%broadcast_in_dim3A_9, %and3A_343], %gather3A_345 {add = true} : memref<8x2048xf32, #tpu.memory_space<vmem>>[vector<16xi32>, vector<16xi32>], vector<16xf32>,
          tpu.vector_store_idx %arg12[%broadcast_in_dim3A_11, %and3A_343], %gather3A_346 {add = true} : memref<8x2048xf32, #tpu.memory_space<vmem>>[vector<16xi32>, vector<16xi32>], vector<16xf32>,
          tpu.vector_store_idx %arg12[%broadcast_in_dim3A_13, %and3A_343], %gather3A_347 {add = true} : memref<8x2048xf32, #tpu.memory_space<vmem>>[vector<16xi32>, vector<16xi32>], vector<16xf32>,
          tpu.vector_store_idx %arg12[%broadcast_in_dim3A_15, %and3A_343], %gather3A_348 {add = true} : memref<8x2048xf32, #tpu.memory_space<vmem>>[vector<16xi32>, vector<16xi32>], vector<16xf32>,
          tpu.vector_store_idx %arg12[%broadcast_in_dim3A_17, %and3A_343], %gather3A_349 {add = true} : memref<8x2048xf32, #tpu.memory_space<vmem>>[vector<16xi32>, vector<16xi32>], vector<16xf32>,
          tpu.vector_store_idx %arg12[%broadcast_in_dim3A_19, %and3A_343], %gather3A_350 {add = true} : memref<8x2048xf32, #tpu.memory_space<vmem>>[vector<16xi32>, vector<16xi32>], vector<16xf32>,
          tpu.vector_store_idx %arg12[%broadcast_in_dim3A_21, %and3A_343], %gather3A_351 {add = true} : memref<8x2048xf32, #tpu.memory_space<vmem>>[vector<16xi32>, vector<16xi32>], vector<16xf32>,
          %mul3A_352 = arith.constant 4 : i32
          %mul3A_353 = arith.muli %scan3A_327, %mul3A_352 : i32
          %add3A_354 = arith.constant 1 : i32
          %add3A_355 = arith.addi %mul3A_353, %add3A_354 : i32
          %mul3A_356 = arith.constant 16 : i32
          %mul3A_357 = arith.muli %add3A_355, %mul3A_356 : i32
          %get3A_358 = arith.constant 0 : i32
          %get3A_359 = arith.index_cast %get3A_358 : i32 to index
          %get3A_360 = arith.index_cast %mul3A_357 : i32 to index
          %get3A_361 = tpu.vector_load %arg10[%get3A_359, %get3A_360] {strides = array<i32>} : memref<2x3200xi32, #tpu.memory_space<vmem>>, vector<16xi32>,
          %get3A_362 = arith.constant 0 : i32
          %get3A_363 = arith.index_cast %get3A_362 : i32 to index
          %get3A_364 = arith.index_cast %mul3A_357 : i32 to index
          %get3A_365 = tpu.vector_load %arg11[%get3A_363, %get3A_364] {strides = array<i32>} : memref<2x3200xi32, #tpu.memory_space<vmem>>, vector<16xi32>,
          %and3A_366 = arith.constant 2047 : i32
          %and3A_367 = vector.broadcast %and3A_366 : i32 to vector<16xi32>
          %and3A_368 = arith.andi %get3A_365, %and3A_367 : vector<16xi32>
          %gather3A_369 = tpu.vector_load_idx %arg9[%get3A_361] : memref<10240xf32, #tpu.memory_space<vmem>>[vector<16xi32>], vector<16xf32>,
          %gather3A_370 = tpu.vector_load_idx %arg8[%broadcast_in_dim3A_7, %get3A_361] : memref<8x10240xf32, #tpu.memory_space<vmem>>[vector<16xi32>, vector<16xi32>], vector<16xf32>,
          %gather3A_371 = tpu.vector_load_idx %arg8[%broadcast_in_dim3A_9, %get3A_361] : memref<8x10240xf32, #tpu.memory_space<vmem>>[vector<16xi32>, vector<16xi32>], vector<16xf32>,
          %gather3A_372 = tpu.vector_load_idx %arg8[%broadcast_in_dim3A_11, %get3A_361] : memref<8x10240xf32, #tpu.memory_space<vmem>>[vector<16xi32>, vector<16xi32>], vector<16xf32>,
          %gather3A_373 = tpu.vector_load_idx %arg8[%broadcast_in_dim3A_13, %get3A_361] : memref<8x10240xf32, #tpu.memory_space<vmem>>[vector<16xi32>, vector<16xi32>], vector<16xf32>,
          %gather3A_374 = tpu.vector_load_idx %arg8[%broadcast_in_dim3A_15, %get3A_361] : memref<8x10240xf32, #tpu.memory_space<vmem>>[vector<16xi32>, vector<16xi32>], vector<16xf32>,
          %gather3A_375 = tpu.vector_load_idx %arg8[%broadcast_in_dim3A_17, %get3A_361] : memref<8x10240xf32, #tpu.memory_space<vmem>>[vector<16xi32>, vector<16xi32>], vector<16xf32>,
          %gather3A_376 = tpu.vector_load_idx %arg8[%broadcast_in_dim3A_19, %get3A_361] : memref<8x10240xf32, #tpu.memory_space<vmem>>[vector<16xi32>, vector<16xi32>], vector<16xf32>,
          %gather3A_377 = tpu.vector_load_idx %arg8[%broadcast_in_dim3A_21, %get3A_361] : memref<8x10240xf32, #tpu.memory_space<vmem>>[vector<16xi32>, vector<16xi32>], vector<16xf32>,
          tpu.vector_store_idx %arg13[%and3A_368], %gather3A_369 {add = true} : memref<2048xf32, #tpu.memory_space<vmem>>[vector<16xi32>], vector<16xf32>,
          tpu.vector_store_idx %arg12[%broadcast_in_dim3A_7, %and3A_368], %gather3A_370 {add = true} : memref<8x2048xf32, #tpu.memory_space<vmem>>[vector<16xi32>, vector<16xi32>], vector<16xf32>,
          tpu.vector_store_idx %arg12[%broadcast_in_dim3A_9, %and3A_368], %gather3A_371 {add = true} : memref<8x2048xf32, #tpu.memory_space<vmem>>[vector<16xi32>, vector<16xi32>], vector<16xf32>,
          tpu.vector_store_idx %arg12[%broadcast_in_dim3A_11, %and3A_368], %gather3A_372 {add = true} : memref<8x2048xf32, #tpu.memory_space<vmem>>[vector<16xi32>, vector<16xi32>], vector<16xf32>,
          tpu.vector_store_idx %arg12[%broadcast_in_dim3A_13, %and3A_368], %gather3A_373 {add = true} : memref<8x2048xf32, #tpu.memory_space<vmem>>[vector<16xi32>, vector<16xi32>], vector<16xf32>,
          tpu.vector_store_idx %arg12[%broadcast_in_dim3A_15, %and3A_368], %gather3A_374 {add = true} : memref<8x2048xf32, #tpu.memory_space<vmem>>[vector<16xi32>, vector<16xi32>], vector<16xf32>,
          tpu.vector_store_idx %arg12[%broadcast_in_dim3A_17, %and3A_368], %gather3A_375 {add = true} : memref<8x2048xf32, #tpu.memory_space<vmem>>[vector<16xi32>, vector<16xi32>], vector<16xf32>,
          tpu.vector_store_idx %arg12[%broadcast_in_dim3A_19, %and3A_368], %gather3A_376 {add = true} : memref<8x2048xf32, #tpu.memory_space<vmem>>[vector<16xi32>, vector<16xi32>], vector<16xf32>,
          tpu.vector_store_idx %arg12[%broadcast_in_dim3A_21, %and3A_368], %gather3A_377 {add = true} : memref<8x2048xf32, #tpu.memory_space<vmem>>[vector<16xi32>, vector<16xi32>], vector<16xf32>,
          %mul3A_378 = arith.constant 4 : i32
          %mul3A_379 = arith.muli %scan3A_327, %mul3A_378 : i32
          %add3A_380 = arith.constant 2 : i32
          %add3A_381 = arith.addi %mul3A_379, %add3A_380 : i32
          %mul3A_382 = arith.constant 16 : i32
          %mul3A_383 = arith.muli %add3A_381, %mul3A_382 : i32
          %get3A_384 = arith.constant 0 : i32
          %get3A_385 = arith.index_cast %get3A_384 : i32 to index
          %get3A_386 = arith.index_cast %mul3A_383 : i32 to index
          %get3A_387 = tpu.vector_load %arg10[%get3A_385, %get3A_386] {strides = array<i32>} : memref<2x3200xi32, #tpu.memory_space<vmem>>, vector<16xi32>,
          %get3A_388 = arith.constant 0 : i32
          %get3A_389 = arith.index_cast %get3A_388 : i32 to index
          %get3A_390 = arith.index_cast %mul3A_383 : i32 to index
          %get3A_391 = tpu.vector_load %arg11[%get3A_389, %get3A_390] {strides = array<i32>} : memref<2x3200xi32, #tpu.memory_space<vmem>>, vector<16xi32>,
          %and3A_392 = arith.constant 2047 : i32
          %and3A_393 = vector.broadcast %and3A_392 : i32 to vector<16xi32>
          %and3A_394 = arith.andi %get3A_391, %and3A_393 : vector<16xi32>
          %gather3A_395 = tpu.vector_load_idx %arg9[%get3A_387] : memref<10240xf32, #tpu.memory_space<vmem>>[vector<16xi32>], vector<16xf32>,
          %gather3A_396 = tpu.vector_load_idx %arg8[%broadcast_in_dim3A_7, %get3A_387] : memref<8x10240xf32, #tpu.memory_space<vmem>>[vector<16xi32>, vector<16xi32>], vector<16xf32>,
          %gather3A_397 = tpu.vector_load_idx %arg8[%broadcast_in_dim3A_9, %get3A_387] : memref<8x10240xf32, #tpu.memory_space<vmem>>[vector<16xi32>, vector<16xi32>], vector<16xf32>,
          %gather3A_398 = tpu.vector_load_idx %arg8[%broadcast_in_dim3A_11, %get3A_387] : memref<8x10240xf32, #tpu.memory_space<vmem>>[vector<16xi32>, vector<16xi32>], vector<16xf32>,
          %gather3A_399 = tpu.vector_load_idx %arg8[%broadcast_in_dim3A_13, %get3A_387] : memref<8x10240xf32, #tpu.memory_space<vmem>>[vector<16xi32>, vector<16xi32>], vector<16xf32>,
          %gather3A_400 = tpu.vector_load_idx %arg8[%broadcast_in_dim3A_15, %get3A_387] : memref<8x10240xf32, #tpu.memory_space<vmem>>[vector<16xi32>, vector<16xi32>], vector<16xf32>,
          %gather3A_401 = tpu.vector_load_idx %arg8[%broadcast_in_dim3A_17, %get3A_387] : memref<8x10240xf32, #tpu.memory_space<vmem>>[vector<16xi32>, vector<16xi32>], vector<16xf32>,
          %gather3A_402 = tpu.vector_load_idx %arg8[%broadcast_in_dim3A_19, %get3A_387] : memref<8x10240xf32, #tpu.memory_space<vmem>>[vector<16xi32>, vector<16xi32>], vector<16xf32>,
          %gather3A_403 = tpu.vector_load_idx %arg8[%broadcast_in_dim3A_21, %get3A_387] : memref<8x10240xf32, #tpu.memory_space<vmem>>[vector<16xi32>, vector<16xi32>], vector<16xf32>,
          tpu.vector_store_idx %arg13[%and3A_394], %gather3A_395 {add = true} : memref<2048xf32, #tpu.memory_space<vmem>>[vector<16xi32>], vector<16xf32>,
          tpu.vector_store_idx %arg12[%broadcast_in_dim3A_7, %and3A_394], %gather3A_396 {add = true} : memref<8x2048xf32, #tpu.memory_space<vmem>>[vector<16xi32>, vector<16xi32>], vector<16xf32>,
          tpu.vector_store_idx %arg12[%broadcast_in_dim3A_9, %and3A_394], %gather3A_397 {add = true} : memref<8x2048xf32, #tpu.memory_space<vmem>>[vector<16xi32>, vector<16xi32>], vector<16xf32>,
          tpu.vector_store_idx %arg12[%broadcast_in_dim3A_11, %and3A_394], %gather3A_398 {add = true} : memref<8x2048xf32, #tpu.memory_space<vmem>>[vector<16xi32>, vector<16xi32>], vector<16xf32>,
          tpu.vector_store_idx %arg12[%broadcast_in_dim3A_13, %and3A_394], %gather3A_399 {add = true} : memref<8x2048xf32, #tpu.memory_space<vmem>>[vector<16xi32>, vector<16xi32>], vector<16xf32>,
          tpu.vector_store_idx %arg12[%broadcast_in_dim3A_15, %and3A_394], %gather3A_400 {add = true} : memref<8x2048xf32, #tpu.memory_space<vmem>>[vector<16xi32>, vector<16xi32>], vector<16xf32>,
          tpu.vector_store_idx %arg12[%broadcast_in_dim3A_17, %and3A_394], %gather3A_401 {add = true} : memref<8x2048xf32, #tpu.memory_space<vmem>>[vector<16xi32>, vector<16xi32>], vector<16xf32>,
          tpu.vector_store_idx %arg12[%broadcast_in_dim3A_19, %and3A_394], %gather3A_402 {add = true} : memref<8x2048xf32, #tpu.memory_space<vmem>>[vector<16xi32>, vector<16xi32>], vector<16xf32>,
          tpu.vector_store_idx %arg12[%broadcast_in_dim3A_21, %and3A_394], %gather3A_403 {add = true} : memref<8x2048xf32, #tpu.memory_space<vmem>>[vector<16xi32>, vector<16xi32>], vector<16xf32>,
          %mul3A_404 = arith.constant 4 : i32
          %mul3A_405 = arith.muli %scan3A_327, %mul3A_404 : i32
          %add3A_406 = arith.constant 3 : i32
          %add3A_407 = arith.addi %mul3A_405, %add3A_406 : i32
          %mul3A_408 = arith.constant 16 : i32
          %mul3A_409 = arith.muli %add3A_407, %mul3A_408 : i32
          %get3A_410 = arith.constant 0 : i32
          %get3A_411 = arith.index_cast %get3A_410 : i32 to index
          %get3A_412 = arith.index_cast %mul3A_409 : i32 to index
          %get3A_413 = tpu.vector_load %arg10[%get3A_411, %get3A_412] {strides = array<i32>} : memref<2x3200xi32, #tpu.memory_space<vmem>>, vector<16xi32>,
          %get3A_414 = arith.constant 0 : i32
          %get3A_415 = arith.index_cast %get3A_414 : i32 to index
          %get3A_416 = arith.index_cast %mul3A_409 : i32 to index
          %get3A_417 = tpu.vector_load %arg11[%get3A_415, %get3A_416] {strides = array<i32>} : memref<2x3200xi32, #tpu.memory_space<vmem>>, vector<16xi32>,
          %and3A_418 = arith.constant 2047 : i32
          %and3A_419 = vector.broadcast %and3A_418 : i32 to vector<16xi32>
          %and3A_420 = arith.andi %get3A_417, %and3A_419 : vector<16xi32>
          %gather3A_421 = tpu.vector_load_idx %arg9[%get3A_413] : memref<10240xf32, #tpu.memory_space<vmem>>[vector<16xi32>], vector<16xf32>,
          %gather3A_422 = tpu.vector_load_idx %arg8[%broadcast_in_dim3A_7, %get3A_413] : memref<8x10240xf32, #tpu.memory_space<vmem>>[vector<16xi32>, vector<16xi32>], vector<16xf32>,
          %gather3A_423 = tpu.vector_load_idx %arg8[%broadcast_in_dim3A_9, %get3A_413] : memref<8x10240xf32, #tpu.memory_space<vmem>>[vector<16xi32>, vector<16xi32>], vector<16xf32>,
          %gather3A_424 = tpu.vector_load_idx %arg8[%broadcast_in_dim3A_11, %get3A_413] : memref<8x10240xf32, #tpu.memory_space<vmem>>[vector<16xi32>, vector<16xi32>], vector<16xf32>,
          %gather3A_425 = tpu.vector_load_idx %arg8[%broadcast_in_dim3A_13, %get3A_413] : memref<8x10240xf32, #tpu.memory_space<vmem>>[vector<16xi32>, vector<16xi32>], vector<16xf32>,
          %gather3A_426 = tpu.vector_load_idx %arg8[%broadcast_in_dim3A_15, %get3A_413] : memref<8x10240xf32, #tpu.memory_space<vmem>>[vector<16xi32>, vector<16xi32>], vector<16xf32>,
          %gather3A_427 = tpu.vector_load_idx %arg8[%broadcast_in_dim3A_17, %get3A_413] : memref<8x10240xf32, #tpu.memory_space<vmem>>[vector<16xi32>, vector<16xi32>], vector<16xf32>,
          %gather3A_428 = tpu.vector_load_idx %arg8[%broadcast_in_dim3A_19, %get3A_413] : memref<8x10240xf32, #tpu.memory_space<vmem>>[vector<16xi32>, vector<16xi32>], vector<16xf32>,
          %gather3A_429 = tpu.vector_load_idx %arg8[%broadcast_in_dim3A_21, %get3A_413] : memref<8x10240xf32, #tpu.memory_space<vmem>>[vector<16xi32>, vector<16xi32>], vector<16xf32>,
          tpu.vector_store_idx %arg13[%and3A_420], %gather3A_421 {add = true} : memref<2048xf32, #tpu.memory_space<vmem>>[vector<16xi32>], vector<16xf32>,
          tpu.vector_store_idx %arg12[%broadcast_in_dim3A_7, %and3A_420], %gather3A_422 {add = true} : memref<8x2048xf32, #tpu.memory_space<vmem>>[vector<16xi32>, vector<16xi32>], vector<16xf32>,
          tpu.vector_store_idx %arg12[%broadcast_in_dim3A_9, %and3A_420], %gather3A_423 {add = true} : memref<8x2048xf32, #tpu.memory_space<vmem>>[vector<16xi32>, vector<16xi32>], vector<16xf32>,
          tpu.vector_store_idx %arg12[%broadcast_in_dim3A_11, %and3A_420], %gather3A_424 {add = true} : memref<8x2048xf32, #tpu.memory_space<vmem>>[vector<16xi32>, vector<16xi32>], vector<16xf32>,
          tpu.vector_store_idx %arg12[%broadcast_in_dim3A_13, %and3A_420], %gather3A_425 {add = true} : memref<8x2048xf32, #tpu.memory_space<vmem>>[vector<16xi32>, vector<16xi32>], vector<16xf32>,
          tpu.vector_store_idx %arg12[%broadcast_in_dim3A_15, %and3A_420], %gather3A_426 {add = true} : memref<8x2048xf32, #tpu.memory_space<vmem>>[vector<16xi32>, vector<16xi32>], vector<16xf32>,
          tpu.vector_store_idx %arg12[%broadcast_in_dim3A_17, %and3A_420], %gather3A_427 {add = true} : memref<8x2048xf32, #tpu.memory_space<vmem>>[vector<16xi32>, vector<16xi32>], vector<16xf32>,
          tpu.vector_store_idx %arg12[%broadcast_in_dim3A_19, %and3A_420], %gather3A_428 {add = true} : memref<8x2048xf32, #tpu.memory_space<vmem>>[vector<16xi32>, vector<16xi32>], vector<16xf32>,
          tpu.vector_store_idx %arg12[%broadcast_in_dim3A_21, %and3A_420], %gather3A_429 {add = true} : memref<8x2048xf32, #tpu.memory_space<vmem>>[vector<16xi32>, vector<16xi32>], vector<16xf32>,
        }
        %scan3A_326 = arith.constant 50 : i32
        scf.yield %while3A_245 : i32
      } else {
        %scan3A_322 = arith.constant 0 : i32
        %scan3A_323 = arith.constant 200 : i32
        %scan3A_324 = arith.addi %scan3A_322, %scan3A_323 : i32
        %scan3A_325 = arith.constant 1 : i32
        %scan3A_326 = scf.for %scan3A_328 = %scan3A_322 to %scan3A_324 step %scan3A_325 iter_args(%scan3A_329 = %while3A_245) -> (i32)  : i32 {
          %mul3A_330 = arith.constant 16 : i32
          %mul3A_331 = arith.muli %scan3A_328, %mul3A_330 : i32
          %get3A_332 = arith.constant 0 : i32
          %get3A_333 = arith.index_cast %get3A_332 : i32 to index
          %get3A_334 = arith.index_cast %mul3A_331 : i32 to index
          %get3A_335 = tpu.vector_load %arg10[%get3A_333, %get3A_334] {strides = array<i32>} : memref<2x3200xi32, #tpu.memory_space<vmem>>, vector<16xi32>,
          %get3A_336 = arith.constant 0 : i32
          %get3A_337 = arith.index_cast %get3A_336 : i32 to index
          %get3A_338 = arith.index_cast %mul3A_331 : i32 to index
          %get3A_339 = tpu.vector_load %arg11[%get3A_337, %get3A_338] {strides = array<i32>} : memref<2x3200xi32, #tpu.memory_space<vmem>>, vector<16xi32>,
          %gather3A = tpu.vector_load_idx %arg9[%get3A_335] : memref<10240xf32, #tpu.memory_space<vmem>>[vector<16xi32>], vector<16xf32>,
          %gather3A_340 = tpu.vector_load_idx %arg8[%broadcast_in_dim3A_7, %get3A_335] : memref<8x10240xf32, #tpu.memory_space<vmem>>[vector<16xi32>, vector<16xi32>], vector<16xf32>,
          %gather3A_341 = tpu.vector_load_idx %arg8[%broadcast_in_dim3A_9, %get3A_335] : memref<8x10240xf32, #tpu.memory_space<vmem>>[vector<16xi32>, vector<16xi32>], vector<16xf32>,
          %gather3A_342 = tpu.vector_load_idx %arg8[%broadcast_in_dim3A_11, %get3A_335] : memref<8x10240xf32, #tpu.memory_space<vmem>>[vector<16xi32>, vector<16xi32>], vector<16xf32>,
          %gather3A_343 = tpu.vector_load_idx %arg8[%broadcast_in_dim3A_13, %get3A_335] : memref<8x10240xf32, #tpu.memory_space<vmem>>[vector<16xi32>, vector<16xi32>], vector<16xf32>,
          %gather3A_344 = tpu.vector_load_idx %arg8[%broadcast_in_dim3A_15, %get3A_335] : memref<8x10240xf32, #tpu.memory_space<vmem>>[vector<16xi32>, vector<16xi32>], vector<16xf32>,
          %gather3A_345 = tpu.vector_load_idx %arg8[%broadcast_in_dim3A_17, %get3A_335] : memref<8x10240xf32, #tpu.memory_space<vmem>>[vector<16xi32>, vector<16xi32>], vector<16xf32>,
          %gather3A_346 = tpu.vector_load_idx %arg8[%broadcast_in_dim3A_19, %get3A_335] : memref<8x10240xf32, #tpu.memory_space<vmem>>[vector<16xi32>, vector<16xi32>], vector<16xf32>,
          %gather3A_347 = tpu.vector_load_idx %arg8[%broadcast_in_dim3A_21, %get3A_335] : memref<8x10240xf32, #tpu.memory_space<vmem>>[vector<16xi32>, vector<16xi32>], vector<16xf32>,
          %and3A = arith.constant 2047 : i32
          %and3A_348 = vector.broadcast %and3A : i32 to vector<16xi32>
          %and3A_349 = arith.andi %get3A_339, %and3A_348 : vector<16xi32>
          %broadcast_in_dim3A_350 = arith.constant 0 : i32
          %broadcast_in_dim3A_351 = vector.broadcast %broadcast_in_dim3A_350 : i32 to vector<16xi32>
          %while3A_352:2 = scf.while (%while3A_353 = %scan3A_329, %while3A_354 = %broadcast_in_dim3A_351) : (i32, vector<16xi32>) -> (i32, vector<16xi32>) {
            %reduce_sum3A = arith.constant true
            %reduce_sum3A_355 = vector.broadcast %reduce_sum3A : i1 to vector<16xi1>
            %reduce_sum3A_356 = tpu.scan <sum>, %while3A_354 masked %reduce_sum3A_355 : vector<16xi32>, vector<16xi1> -> vector<16xi32>
            %reduce_sum3A_357 = vector.extract %reduce_sum3A_356[15] : i32 from vector<16xi32>
            %lt3A_358 = arith.constant 16 : i32
            %lt3A_359 = arith.cmpi slt, %reduce_sum3A_357, %lt3A_358 : i32
            scf.condition(%lt3A_359) %while3A_353, %while3A_354 : i32, vector<16xi32>
          } do {
          ^bb0(%while3A_353: i32, %while3A_354: vector<16xi32>):
            %add3A_355 = arith.constant 2048 : i32
            %add3A_356 = arith.addi %while3A_353, %add3A_355 : i32
            %lt3A_357 = vector.broadcast %add3A_356 : i32 to vector<16xi32>
            %lt3A_358 = arith.cmpi slt, %get3A_339, %lt3A_357 : vector<16xi32>
            %eq3A = arith.constant 0 : i32
            %eq3A_359 = vector.broadcast %eq3A : i32 to vector<16xi32>
            %eq3A_360 = arith.cmpi eq, %while3A_354, %eq3A_359 : vector<16xi32>
            %and3A_361 = arith.andi %lt3A_358, %eq3A_360 : vector<16xi1>
            tpu.vector_store_idx %arg13[%and3A_349], %gather3A masked %and3A_361 {add = true} : memref<2048xf32, #tpu.memory_space<vmem>>[vector<16xi32>], vector<16xf32>, vector<16xi1>
            tpu.vector_store_idx %arg12[%broadcast_in_dim3A_7, %and3A_349], %gather3A_340 masked %and3A_361 {add = true} : memref<8x2048xf32, #tpu.memory_space<vmem>>[vector<16xi32>, vector<16xi32>], vector<16xf32>, vector<16xi1>
            tpu.vector_store_idx %arg12[%broadcast_in_dim3A_9, %and3A_349], %gather3A_341 masked %and3A_361 {add = true} : memref<8x2048xf32, #tpu.memory_space<vmem>>[vector<16xi32>, vector<16xi32>], vector<16xf32>, vector<16xi1>
            tpu.vector_store_idx %arg12[%broadcast_in_dim3A_11, %and3A_349], %gather3A_342 masked %and3A_361 {add = true} : memref<8x2048xf32, #tpu.memory_space<vmem>>[vector<16xi32>, vector<16xi32>], vector<16xf32>, vector<16xi1>
            tpu.vector_store_idx %arg12[%broadcast_in_dim3A_13, %and3A_349], %gather3A_343 masked %and3A_361 {add = true} : memref<8x2048xf32, #tpu.memory_space<vmem>>[vector<16xi32>, vector<16xi32>], vector<16xf32>, vector<16xi1>
            tpu.vector_store_idx %arg12[%broadcast_in_dim3A_15, %and3A_349], %gather3A_344 masked %and3A_361 {add = true} : memref<8x2048xf32, #tpu.memory_space<vmem>>[vector<16xi32>, vector<16xi32>], vector<16xf32>, vector<16xi1>
            tpu.vector_store_idx %arg12[%broadcast_in_dim3A_17, %and3A_349], %gather3A_345 masked %and3A_361 {add = true} : memref<8x2048xf32, #tpu.memory_space<vmem>>[vector<16xi32>, vector<16xi32>], vector<16xf32>, vector<16xi1>
            tpu.vector_store_idx %arg12[%broadcast_in_dim3A_19, %and3A_349], %gather3A_346 masked %and3A_361 {add = true} : memref<8x2048xf32, #tpu.memory_space<vmem>>[vector<16xi32>, vector<16xi32>], vector<16xf32>, vector<16xi1>
            tpu.vector_store_idx %arg12[%broadcast_in_dim3A_21, %and3A_349], %gather3A_347 masked %and3A_361 {add = true} : memref<8x2048xf32, #tpu.memory_space<vmem>>[vector<16xi32>, vector<16xi32>], vector<16xf32>, vector<16xi1>
            %jit3A = arith.constant 1 : i32
            %broadcast_in_dim3A_362 = vector.broadcast %jit3A : i32 to vector<16xi32>
            %select_n3A = arith.select %and3A_361, %broadcast_in_dim3A_362, %while3A_354 : vector<16xi1>, vector<16xi32>
            %reduce_sum3A = arith.constant true
            %reduce_sum3A_363 = vector.broadcast %reduce_sum3A : i1 to vector<16xi1>
            %reduce_sum3A_364 = tpu.scan <sum>, %select_n3A masked %reduce_sum3A_363 : vector<16xi32>, vector<16xi1> -> vector<16xi32>
            %reduce_sum3A_365 = vector.extract %reduce_sum3A_364[15] : i32 from vector<16xi32>
            %lt3A_366 = arith.constant 16 : i32
            %lt3A_367 = arith.cmpi slt, %reduce_sum3A_365, %lt3A_366 : i32
            %convert_element_type3A_368 = arith.extui %lt3A_367 : i1 to i32
            %cond3A_369 = arith.constant 0 : i32
            %cond3A_370 = arith.cmpi ne, %convert_element_type3A_368, %cond3A_369 : i32
            %cond3A_371 = scf.if %cond3A_370 -> (i32) {
              %multiple_of3A = tpu.assume_multiple %while3A_353, 1024 : i32
              %shift_right_logical3A = arith.constant 10 : i32
              %shift_right_logical3A_372 = arith.shrui %multiple_of3A, %shift_right_logical3A : i32
              %and3A_373 = arith.constant 1 : i32
              %and3A_374 = arith.andi %shift_right_logical3A_372, %and3A_373 : i32
              %mul3A_375 = arith.constant 1024 : i32
              %mul3A_376 = arith.muli %and3A_374, %mul3A_375 : i32
              "tpu.region"() ({
                %run_scoped3A = tpu.sem_alloc : memref<!tpu.dma_semaphore, #tpu.memory_space<semaphore_mem>>
                %dma_start3A_447 = arith.constant 0 : i32
                %dma_start3A_448 = tpu.memref_slice %arg12[%dma_start3A_447, %mul3A_376] : memref<8x2048xf32, #tpu.memory_space<vmem>> -> memref<8x1024xf32, #tpu.memory_space<vmem>>
                %dma_start3A_449 = tpu.memref_slice %arg6[%mul3A_2, %multiple_of3A] : memref<256x20480xf32, #tpu.memory_space<hbm>> -> memref<8x1024xf32, #tpu.memory_space<hbm>>
                %dma_start3A_450 = tpu.memref_slice %arg6[%mul3A_2, %multiple_of3A] : memref<256x20480xf32, #tpu.memory_space<hbm>> -> memref<8x1024xf32, #tpu.memory_space<hbm>>
                %dma_start3A_451 = arith.constant 0 : i32
                %dma_start3A_452 = tpu.memref_slice %arg12[%dma_start3A_451, %mul3A_376] : memref<8x2048xf32, #tpu.memory_space<vmem>> -> memref<8x1024xf32, #tpu.memory_space<vmem>>
                tpu.enqueue_dma source(%dma_start3A_452 : memref<8x1024xf32, #tpu.memory_space<vmem>>) target(%dma_start3A_450 : memref<8x1024xf32, #tpu.memory_space<hbm>>) target_semaphore(%run_scoped3A : memref<!tpu.dma_semaphore, #tpu.memory_space<semaphore_mem>>)
                %dma_wait3A_453 = arith.constant 0 : i32
                %dma_wait3A_454 = tpu.memref_slice %arg12[%dma_wait3A_453, %mul3A_376] : memref<8x2048xf32, #tpu.memory_space<vmem>> -> memref<8x1024xf32, #tpu.memory_space<vmem>>
                %dma_wait3A_455 = tpu.memref_slice %arg6[%mul3A_2, %multiple_of3A] : memref<256x20480xf32, #tpu.memory_space<hbm>> -> memref<8x1024xf32, #tpu.memory_space<hbm>>
                %dma_wait3A_456 = tpu.memref_slice %arg6[%mul3A_2, %multiple_of3A] : memref<256x20480xf32, #tpu.memory_space<hbm>> -> memref<8x1024xf32, #tpu.memory_space<hbm>>
                %dma_wait3A_457 = arith.constant 0 : i32
                %dma_wait3A_458 = tpu.memref_slice %arg12[%dma_wait3A_457, %mul3A_376] : memref<8x2048xf32, #tpu.memory_space<vmem>> -> memref<8x1024xf32, #tpu.memory_space<vmem>>
                tpu.wait_dma2 semaphore(%run_scoped3A : memref<!tpu.dma_semaphore, #tpu.memory_space<semaphore_mem>>) src(%dma_wait3A_458 : memref<8x1024xf32, #tpu.memory_space<vmem>>) dst(%dma_wait3A_456 : memref<8x1024xf32, #tpu.memory_space<hbm>>)
                tpu.yield
              }) : () -> ()
              %eq3A_377 = arith.constant 0 : i32
              %eq3A_378 = arith.cmpi eq, %add3A, %eq3A_377 : i32
              %convert_element_type3A_379 = arith.extui %eq3A_378 : i1 to i32
              %cond3A_380 = arith.constant 0 : i32
              %cond3A_381 = arith.cmpi ne, %convert_element_type3A_379, %cond3A_380 : i32
              scf.if %cond3A_381 {
                "tpu.region"() ({
                  %run_scoped3A = tpu.sem_alloc : memref<!tpu.dma_semaphore, #tpu.memory_space<semaphore_mem>>
                  %dma_start3A_447 = tpu.memref_slice %arg13[%mul3A_376] : memref<2048xf32, #tpu.memory_space<vmem>> -> memref<1024xf32, #tpu.memory_space<vmem>>
                  %dma_start3A_448 = tpu.memref_slice %arg7[%multiple_of3A] : memref<20480xf32, #tpu.memory_space<hbm>> -> memref<1024xf32, #tpu.memory_space<hbm>>
                  %dma_start3A_449 = tpu.memref_slice %arg7[%multiple_of3A] : memref<20480xf32, #tpu.memory_space<hbm>> -> memref<1024xf32, #tpu.memory_space<hbm>>
                  %dma_start3A_450 = tpu.memref_slice %arg13[%mul3A_376] : memref<2048xf32, #tpu.memory_space<vmem>> -> memref<1024xf32, #tpu.memory_space<vmem>>
                  tpu.enqueue_dma source(%dma_start3A_450 : memref<1024xf32, #tpu.memory_space<vmem>>) target(%dma_start3A_449 : memref<1024xf32, #tpu.memory_space<hbm>>) target_semaphore(%run_scoped3A : memref<!tpu.dma_semaphore, #tpu.memory_space<semaphore_mem>>)
                  %dma_wait3A_451 = tpu.memref_slice %arg13[%mul3A_376] : memref<2048xf32, #tpu.memory_space<vmem>> -> memref<1024xf32, #tpu.memory_space<vmem>>
                  %dma_wait3A_452 = tpu.memref_slice %arg7[%multiple_of3A] : memref<20480xf32, #tpu.memory_space<hbm>> -> memref<1024xf32, #tpu.memory_space<hbm>>
                  %dma_wait3A_453 = tpu.memref_slice %arg7[%multiple_of3A] : memref<20480xf32, #tpu.memory_space<hbm>> -> memref<1024xf32, #tpu.memory_space<hbm>>
                  %dma_wait3A_454 = tpu.memref_slice %arg13[%mul3A_376] : memref<2048xf32, #tpu.memory_space<vmem>> -> memref<1024xf32, #tpu.memory_space<vmem>>
                  tpu.wait_dma2 semaphore(%run_scoped3A : memref<!tpu.dma_semaphore, #tpu.memory_space<semaphore_mem>>) src(%dma_wait3A_454 : memref<1024xf32, #tpu.memory_space<vmem>>) dst(%dma_wait3A_453 : memref<1024xf32, #tpu.memory_space<hbm>>)
                  tpu.yield
                }) : () -> ()
              } else {
              }
              %scan3A_382 = arith.constant 0 : i32
              %scan3A_383 = arith.constant 0 : i32
              %scan3A_384 = arith.constant 64 : i32
              %scan3A_385 = arith.addi %scan3A_383, %scan3A_384 : i32
              %scan3A_386 = arith.constant 1 : i32
              %scan3A_387 = scf.for %scan3A_447 = %scan3A_383 to %scan3A_385 step %scan3A_386 iter_args(%scan3A_448 = %scan3A_382) -> (i32)  : i32 {
                %mul3A_449 = arith.constant 16 : i32
                %mul3A_450 = arith.muli %scan3A_447, %mul3A_449 : i32
                %add3A_451 = arith.addi %mul3A_376, %mul3A_450 : i32
                %swap3A = arith.constant 0 : i32
                %swap3A_452 = arith.index_cast %swap3A : i32 to index
                %swap3A_453 = arith.index_cast %add3A_451 : i32 to index
                %swap3A_454 = tpu.vector_load %arg12[%swap3A_452, %swap3A_453] {strides = array<i32>} : memref<8x2048xf32, #tpu.memory_space<vmem>>, vector<16xf32>,
                tpu.vector_store %arg12[%swap3A_452, %swap3A_453], %broadcast_in_dim3A_3 {strides = array<i32>} : memref<8x2048xf32, #tpu.memory_space<vmem>>, vector<16xf32>,
                %scan3A_455 = arith.constant 0 : i32
                scf.yield %scan3A_455 : i32
              }
              %scan3A_388 = arith.constant 64 : i32
              %scan3A_389 = arith.constant 0 : i32
              %scan3A_390 = arith.constant 0 : i32
              %scan3A_391 = arith.constant 64 : i32
              %scan3A_392 = arith.addi %scan3A_390, %scan3A_391 : i32
              %scan3A_393 = arith.constant 1 : i32
              %scan3A_394 = scf.for %scan3A_447 = %scan3A_390 to %scan3A_392 step %scan3A_393 iter_args(%scan3A_448 = %scan3A_389) -> (i32)  : i32 {
                %mul3A_449 = arith.constant 16 : i32
                %mul3A_450 = arith.muli %scan3A_447, %mul3A_449 : i32
                %add3A_451 = arith.addi %mul3A_376, %mul3A_450 : i32
                %swap3A = arith.constant 1 : i32
                %swap3A_452 = arith.index_cast %swap3A : i32 to index
                %swap3A_453 = arith.index_cast %add3A_451 : i32 to index
                %swap3A_454 = tpu.vector_load %arg12[%swap3A_452, %swap3A_453] {strides = array<i32>} : memref<8x2048xf32, #tpu.memory_space<vmem>>, vector<16xf32>,
                tpu.vector_store %arg12[%swap3A_452, %swap3A_453], %broadcast_in_dim3A_3 {strides = array<i32>} : memref<8x2048xf32, #tpu.memory_space<vmem>>, vector<16xf32>,
                %scan3A_455 = arith.constant 0 : i32
                scf.yield %scan3A_455 : i32
              }
              %scan3A_395 = arith.constant 64 : i32
              %scan3A_396 = arith.constant 0 : i32
              %scan3A_397 = arith.constant 0 : i32
              %scan3A_398 = arith.constant 64 : i32
              %scan3A_399 = arith.addi %scan3A_397, %scan3A_398 : i32
              %scan3A_400 = arith.constant 1 : i32
              %scan3A_401 = scf.for %scan3A_447 = %scan3A_397 to %scan3A_399 step %scan3A_400 iter_args(%scan3A_448 = %scan3A_396) -> (i32)  : i32 {
                %mul3A_449 = arith.constant 16 : i32
                %mul3A_450 = arith.muli %scan3A_447, %mul3A_449 : i32
                %add3A_451 = arith.addi %mul3A_376, %mul3A_450 : i32
                %swap3A = arith.constant 2 : i32
                %swap3A_452 = arith.index_cast %swap3A : i32 to index
                %swap3A_453 = arith.index_cast %add3A_451 : i32 to index
                %swap3A_454 = tpu.vector_load %arg12[%swap3A_452, %swap3A_453] {strides = array<i32>} : memref<8x2048xf32, #tpu.memory_space<vmem>>, vector<16xf32>,
                tpu.vector_store %arg12[%swap3A_452, %swap3A_453], %broadcast_in_dim3A_3 {strides = array<i32>} : memref<8x2048xf32, #tpu.memory_space<vmem>>, vector<16xf32>,
                %scan3A_455 = arith.constant 0 : i32
                scf.yield %scan3A_455 : i32
              }
              %scan3A_402 = arith.constant 64 : i32
              %scan3A_403 = arith.constant 0 : i32
              %scan3A_404 = arith.constant 0 : i32
              %scan3A_405 = arith.constant 64 : i32
              %scan3A_406 = arith.addi %scan3A_404, %scan3A_405 : i32
              %scan3A_407 = arith.constant 1 : i32
              %scan3A_408 = scf.for %scan3A_447 = %scan3A_404 to %scan3A_406 step %scan3A_407 iter_args(%scan3A_448 = %scan3A_403) -> (i32)  : i32 {
                %mul3A_449 = arith.constant 16 : i32
                %mul3A_450 = arith.muli %scan3A_447, %mul3A_449 : i32
                %add3A_451 = arith.addi %mul3A_376, %mul3A_450 : i32
                %swap3A = arith.constant 3 : i32
                %swap3A_452 = arith.index_cast %swap3A : i32 to index
                %swap3A_453 = arith.index_cast %add3A_451 : i32 to index
                %swap3A_454 = tpu.vector_load %arg12[%swap3A_452, %swap3A_453] {strides = array<i32>} : memref<8x2048xf32, #tpu.memory_space<vmem>>, vector<16xf32>,
                tpu.vector_store %arg12[%swap3A_452, %swap3A_453], %broadcast_in_dim3A_3 {strides = array<i32>} : memref<8x2048xf32, #tpu.memory_space<vmem>>, vector<16xf32>,
                %scan3A_455 = arith.constant 0 : i32
                scf.yield %scan3A_455 : i32
              }
              %scan3A_409 = arith.constant 64 : i32
              %scan3A_410 = arith.constant 0 : i32
              %scan3A_411 = arith.constant 0 : i32
              %scan3A_412 = arith.constant 64 : i32
              %scan3A_413 = arith.addi %scan3A_411, %scan3A_412 : i32
              %scan3A_414 = arith.constant 1 : i32
              %scan3A_415 = scf.for %scan3A_447 = %scan3A_411 to %scan3A_413 step %scan3A_414 iter_args(%scan3A_448 = %scan3A_410) -> (i32)  : i32 {
                %mul3A_449 = arith.constant 16 : i32
                %mul3A_450 = arith.muli %scan3A_447, %mul3A_449 : i32
                %add3A_451 = arith.addi %mul3A_376, %mul3A_450 : i32
                %swap3A = arith.constant 4 : i32
                %swap3A_452 = arith.index_cast %swap3A : i32 to index
                %swap3A_453 = arith.index_cast %add3A_451 : i32 to index
                %swap3A_454 = tpu.vector_load %arg12[%swap3A_452, %swap3A_453] {strides = array<i32>} : memref<8x2048xf32, #tpu.memory_space<vmem>>, vector<16xf32>,
                tpu.vector_store %arg12[%swap3A_452, %swap3A_453], %broadcast_in_dim3A_3 {strides = array<i32>} : memref<8x2048xf32, #tpu.memory_space<vmem>>, vector<16xf32>,
                %scan3A_455 = arith.constant 0 : i32
                scf.yield %scan3A_455 : i32
              }
              %scan3A_416 = arith.constant 64 : i32
              %scan3A_417 = arith.constant 0 : i32
              %scan3A_418 = arith.constant 0 : i32
              %scan3A_419 = arith.constant 64 : i32
              %scan3A_420 = arith.addi %scan3A_418, %scan3A_419 : i32
              %scan3A_421 = arith.constant 1 : i32
              %scan3A_422 = scf.for %scan3A_447 = %scan3A_418 to %scan3A_420 step %scan3A_421 iter_args(%scan3A_448 = %scan3A_417) -> (i32)  : i32 {
                %mul3A_449 = arith.constant 16 : i32
                %mul3A_450 = arith.muli %scan3A_447, %mul3A_449 : i32
                %add3A_451 = arith.addi %mul3A_376, %mul3A_450 : i32
                %swap3A = arith.constant 5 : i32
                %swap3A_452 = arith.index_cast %swap3A : i32 to index
                %swap3A_453 = arith.index_cast %add3A_451 : i32 to index
                %swap3A_454 = tpu.vector_load %arg12[%swap3A_452, %swap3A_453] {strides = array<i32>} : memref<8x2048xf32, #tpu.memory_space<vmem>>, vector<16xf32>,
                tpu.vector_store %arg12[%swap3A_452, %swap3A_453], %broadcast_in_dim3A_3 {strides = array<i32>} : memref<8x2048xf32, #tpu.memory_space<vmem>>, vector<16xf32>,
                %scan3A_455 = arith.constant 0 : i32
                scf.yield %scan3A_455 : i32
              }
              %scan3A_423 = arith.constant 64 : i32
              %scan3A_424 = arith.constant 0 : i32
              %scan3A_425 = arith.constant 0 : i32
              %scan3A_426 = arith.constant 64 : i32
              %scan3A_427 = arith.addi %scan3A_425, %scan3A_426 : i32
              %scan3A_428 = arith.constant 1 : i32
              %scan3A_429 = scf.for %scan3A_447 = %scan3A_425 to %scan3A_427 step %scan3A_428 iter_args(%scan3A_448 = %scan3A_424) -> (i32)  : i32 {
                %mul3A_449 = arith.constant 16 : i32
                %mul3A_450 = arith.muli %scan3A_447, %mul3A_449 : i32
                %add3A_451 = arith.addi %mul3A_376, %mul3A_450 : i32
                %swap3A = arith.constant 6 : i32
                %swap3A_452 = arith.index_cast %swap3A : i32 to index
                %swap3A_453 = arith.index_cast %add3A_451 : i32 to index
                %swap3A_454 = tpu.vector_load %arg12[%swap3A_452, %swap3A_453] {strides = array<i32>} : memref<8x2048xf32, #tpu.memory_space<vmem>>, vector<16xf32>,
                tpu.vector_store %arg12[%swap3A_452, %swap3A_453], %broadcast_in_dim3A_3 {strides = array<i32>} : memref<8x2048xf32, #tpu.memory_space<vmem>>, vector<16xf32>,
                %scan3A_455 = arith.constant 0 : i32
                scf.yield %scan3A_455 : i32
              }
              %scan3A_430 = arith.constant 64 : i32
              %scan3A_431 = arith.constant 0 : i32
              %scan3A_432 = arith.constant 0 : i32
              %scan3A_433 = arith.constant 64 : i32
              %scan3A_434 = arith.addi %scan3A_432, %scan3A_433 : i32
              %scan3A_435 = arith.constant 1 : i32
              %scan3A_436 = scf.for %scan3A_447 = %scan3A_432 to %scan3A_434 step %scan3A_435 iter_args(%scan3A_448 = %scan3A_431) -> (i32)  : i32 {
                %mul3A_449 = arith.constant 16 : i32
                %mul3A_450 = arith.muli %scan3A_447, %mul3A_449 : i32
                %add3A_451 = arith.addi %mul3A_376, %mul3A_450 : i32
                %swap3A = arith.constant 7 : i32
                %swap3A_452 = arith.index_cast %swap3A : i32 to index
                %swap3A_453 = arith.index_cast %add3A_451 : i32 to index
                %swap3A_454 = tpu.vector_load %arg12[%swap3A_452, %swap3A_453] {strides = array<i32>} : memref<8x2048xf32, #tpu.memory_space<vmem>>, vector<16xf32>,
                tpu.vector_store %arg12[%swap3A_452, %swap3A_453], %broadcast_in_dim3A_3 {strides = array<i32>} : memref<8x2048xf32, #tpu.memory_space<vmem>>, vector<16xf32>,
                %scan3A_455 = arith.constant 0 : i32
                scf.yield %scan3A_455 : i32
              }
              %scan3A_437 = arith.constant 64 : i32
              %scan3A_438 = arith.constant 0 : i32
              %scan3A_439 = arith.constant 0 : i32
              %scan3A_440 = arith.constant 64 : i32
              %scan3A_441 = arith.addi %scan3A_439, %scan3A_440 : i32
              %scan3A_442 = arith.constant 1 : i32
              %scan3A_443 = scf.for %scan3A_447 = %scan3A_439 to %scan3A_441 step %scan3A_442 iter_args(%scan3A_448 = %scan3A_438) -> (i32)  : i32 {
                %mul3A_449 = arith.constant 16 : i32
                %mul3A_450 = arith.muli %scan3A_447, %mul3A_449 : i32
                %add3A_451 = arith.addi %mul3A_376, %mul3A_450 : i32
                %swap3A = arith.index_cast %add3A_451 : i32 to index
                %swap3A_452 = tpu.vector_load %arg13[%swap3A] {strides = array<i32>} : memref<2048xf32, #tpu.memory_space<vmem>>, vector<16xf32>,
                tpu.vector_store %arg13[%swap3A], %broadcast_in_dim3A_3 {strides = array<i32>} : memref<2048xf32, #tpu.memory_space<vmem>>, vector<16xf32>,
                %scan3A_453 = arith.constant 0 : i32
                scf.yield %scan3A_453 : i32
              }
              %scan3A_444 = arith.constant 64 : i32
              %add3A_445 = arith.constant 1024 : i32
              %add3A_446 = arith.addi %multiple_of3A, %add3A_445 : i32
              scf.yield %add3A_446 : i32
            } else {
              scf.yield %while3A_353 : i32
            }
            scf.yield %cond3A_371, %select_n3A : i32, vector<16xi32>
          }
          scf.yield %while3A_352#0 : i32
        }
        %scan3A_327 = arith.constant 200 : i32
        scf.yield %scan3A_326 : i32
      }
      %add3A_250 = arith.constant 2 : i32
      %add3A_251 = arith.addi %add3A_202, %add3A_250 : i32
      %lt3A_252 = arith.constant 50 : i32
      %lt3A_253 = arith.cmpi slt, %add3A_251, %lt3A_252 : i32
      %convert_element_type3A_254 = arith.extui %lt3A_253 : i1 to i32
      %cond3A_255 = arith.constant 0 : i32
      %cond3A_256 = arith.cmpi ne, %convert_element_type3A_254, %cond3A_255 : i32
      scf.if %cond3A_256 {
        %add3A_322 = arith.constant 2 : i32
        %add3A_323 = arith.addi %add3A_202, %add3A_322 : i32
        %mul3A_324 = arith.constant 3200 : i32
        %mul3A_325 = arith.muli %add3A_323, %mul3A_324 : i32
        %dma_start3A_326 = arith.constant 0 : i32
        %dma_start3A_327 = arith.constant 0 : i32
        %dma_start3A_328 = tpu.memref_slice %arg10[%dma_start3A_326, %dma_start3A_327] : memref<2x3200xi32, #tpu.memory_space<vmem>> -> memref<1x3200xi32, #tpu.memory_space<vmem>>
        %dma_start3A_329 = tpu.memref_squeeze %dma_start3A_328 : memref<1x3200xi32, #tpu.memory_space<vmem>> -> memref<3200xi32, #tpu.memory_space<vmem>>
        %dma_start3A_330 = tpu.memref_slice %arg4[%mul3A_325] : memref<160000xi32, #tpu.memory_space<hbm>> -> memref<3200xi32, #tpu.memory_space<hbm>>
        %dma_start3A_331 = arith.constant 0 : i32
        %dma_start3A_332 = tpu.memref_slice %arg10[%dma_start3A_326, %dma_start3A_331] : memref<2x3200xi32, #tpu.memory_space<vmem>> -> memref<1x3200xi32, #tpu.memory_space<vmem>>
        %dma_start3A_333 = tpu.memref_squeeze %dma_start3A_332 : memref<1x3200xi32, #tpu.memory_space<vmem>> -> memref<3200xi32, #tpu.memory_space<vmem>>
        %dma_start3A_334 = tpu.memref_slice %arg4[%mul3A_325] : memref<160000xi32, #tpu.memory_space<hbm>> -> memref<3200xi32, #tpu.memory_space<hbm>>
        tpu.enqueue_dma source(%dma_start3A_334 : memref<3200xi32, #tpu.memory_space<hbm>>) target(%dma_start3A_333 : memref<3200xi32, #tpu.memory_space<vmem>>) target_semaphore(%arg14 : memref<!tpu.dma_semaphore, #tpu.memory_space<semaphore_mem>>)
        %add3A_335 = arith.constant 2 : i32
        %add3A_336 = arith.addi %add3A_202, %add3A_335 : i32
        %mul3A_337 = arith.constant 3200 : i32
        %mul3A_338 = arith.muli %add3A_336, %mul3A_337 : i32
        %dma_start3A_339 = arith.constant 0 : i32
        %dma_start3A_340 = arith.constant 0 : i32
        %dma_start3A_341 = tpu.memref_slice %arg11[%dma_start3A_339, %dma_start3A_340] : memref<2x3200xi32, #tpu.memory_space<vmem>> -> memref<1x3200xi32, #tpu.memory_space<vmem>>
        %dma_start3A_342 = tpu.memref_squeeze %dma_start3A_341 : memref<1x3200xi32, #tpu.memory_space<vmem>> -> memref<3200xi32, #tpu.memory_space<vmem>>
        %dma_start3A_343 = tpu.memref_slice %arg5[%mul3A_338] : memref<160000xi32, #tpu.memory_space<hbm>> -> memref<3200xi32, #tpu.memory_space<hbm>>
        %dma_start3A_344 = arith.constant 0 : i32
        %dma_start3A_345 = tpu.memref_slice %arg11[%dma_start3A_339, %dma_start3A_344] : memref<2x3200xi32, #tpu.memory_space<vmem>> -> memref<1x3200xi32, #tpu.memory_space<vmem>>
        %dma_start3A_346 = tpu.memref_squeeze %dma_start3A_345 : memref<1x3200xi32, #tpu.memory_space<vmem>> -> memref<3200xi32, #tpu.memory_space<vmem>>
        %dma_start3A_347 = tpu.memref_slice %arg5[%mul3A_338] : memref<160000xi32, #tpu.memory_space<hbm>> -> memref<3200xi32, #tpu.memory_space<hbm>>
        tpu.enqueue_dma source(%dma_start3A_347 : memref<3200xi32, #tpu.memory_space<hbm>>) target(%dma_start3A_346 : memref<3200xi32, #tpu.memory_space<vmem>>) target_semaphore(%arg16 : memref<!tpu.dma_semaphore, #tpu.memory_space<semaphore_mem>>)
      } else {
      }
      %mul3A_257 = arith.constant 2 : i32
      %mul3A_258 = arith.muli %scan3A_197, %mul3A_257 : i32
      %add3A_259 = arith.constant 1 : i32
      %add3A_260 = arith.addi %mul3A_258, %add3A_259 : i32
      %mul3A_261 = arith.constant 3200 : i32
      %mul3A_262 = arith.muli %add3A_260, %mul3A_261 : i32
      %dma_wait3A_263 = arith.constant 1 : i32
      %dma_wait3A_264 = arith.constant 0 : i32
      %dma_wait3A_265 = tpu.memref_slice %arg10[%dma_wait3A_263, %dma_wait3A_264] : memref<2x3200xi32, #tpu.memory_space<vmem>> -> memref<1x3200xi32, #tpu.memory_space<vmem>>
      %dma_wait3A_266 = tpu.memref_squeeze %dma_wait3A_265 : memref<1x3200xi32, #tpu.memory_space<vmem>> -> memref<3200xi32, #tpu.memory_space<vmem>>
      %dma_wait3A_267 = tpu.memref_slice %arg4[%mul3A_262] : memref<160000xi32, #tpu.memory_space<hbm>> -> memref<3200xi32, #tpu.memory_space<hbm>>
      %dma_wait3A_268 = arith.constant 0 : i32
      %dma_wait3A_269 = tpu.memref_slice %arg10[%dma_wait3A_263, %dma_wait3A_268] : memref<2x3200xi32, #tpu.memory_space<vmem>> -> memref<1x3200xi32, #tpu.memory_space<vmem>>
      %dma_wait3A_270 = tpu.memref_squeeze %dma_wait3A_269 : memref<1x3200xi32, #tpu.memory_space<vmem>> -> memref<3200xi32, #tpu.memory_space<vmem>>
      %dma_wait3A_271 = tpu.memref_slice %arg4[%mul3A_262] : memref<160000xi32, #tpu.memory_space<hbm>> -> memref<3200xi32, #tpu.memory_space<hbm>>
      tpu.wait_dma2 semaphore(%arg15 : memref<!tpu.dma_semaphore, #tpu.memory_space<semaphore_mem>>) src(%dma_wait3A_271 : memref<3200xi32, #tpu.memory_space<hbm>>) dst(%dma_wait3A_270 : memref<3200xi32, #tpu.memory_space<vmem>>)
      %mul3A_272 = arith.constant 3200 : i32
      %mul3A_273 = arith.muli %add3A_260, %mul3A_272 : i32
      %dma_wait3A_274 = arith.constant 1 : i32
      %dma_wait3A_275 = arith.constant 0 : i32
      %dma_wait3A_276 = tpu.memref_slice %arg11[%dma_wait3A_274, %dma_wait3A_275] : memref<2x3200xi32, #tpu.memory_space<vmem>> -> memref<1x3200xi32, #tpu.memory_space<vmem>>
      %dma_wait3A_277 = tpu.memref_squeeze %dma_wait3A_276 : memref<1x3200xi32, #tpu.memory_space<vmem>> -> memref<3200xi32, #tpu.memory_space<vmem>>
      %dma_wait3A_278 = tpu.memref_slice %arg5[%mul3A_273] : memref<160000xi32, #tpu.memory_space<hbm>> -> memref<3200xi32, #tpu.memory_space<hbm>>
      %dma_wait3A_279 = arith.constant 0 : i32
      %dma_wait3A_280 = tpu.memref_slice %arg11[%dma_wait3A_274, %dma_wait3A_279] : memref<2x3200xi32, #tpu.memory_space<vmem>> -> memref<1x3200xi32, #tpu.memory_space<vmem>>
      %dma_wait3A_281 = tpu.memref_squeeze %dma_wait3A_280 : memref<1x3200xi32, #tpu.memory_space<vmem>> -> memref<3200xi32, #tpu.memory_space<vmem>>
      %dma_wait3A_282 = tpu.memref_slice %arg5[%mul3A_273] : memref<160000xi32, #tpu.memory_space<hbm>> -> memref<3200xi32, #tpu.memory_space<hbm>>
      tpu.wait_dma2 semaphore(%arg17 : memref<!tpu.dma_semaphore, #tpu.memory_space<semaphore_mem>>) src(%dma_wait3A_282 : memref<3200xi32, #tpu.memory_space<hbm>>) dst(%dma_wait3A_281 : memref<3200xi32, #tpu.memory_space<vmem>>)
      %get3A_283 = arith.constant 1 : i32
      %get3A_284 = arith.index_cast %get3A_283 : i32 to index
      %get3A_285 = arith.constant 0 : index
      %get3A_286 = tpu.vector_load %arg11[%get3A_284, %get3A_285] {strides = array<i32>} : memref<2x3200xi32, #tpu.memory_space<vmem>>, vector<16xi32>,
      %reduce_min3A_287 = arith.constant true
      %reduce_min3A_288 = vector.broadcast %reduce_min3A_287 : i1 to vector<16xi1>
      %reduce_min3A_289 = arith.constant -2147483648 : i32
      %reduce_min3A_290 = vector.broadcast %reduce_min3A_289 : i32 to vector<16xi32>
      %reduce_min3A_291 = arith.xori %get3A_286, %reduce_min3A_290 : vector<16xi32>
      %reduce_min3A_292 = tpu.scan <min>, %reduce_min3A_291 masked %reduce_min3A_288 : vector<16xi32>, vector<16xi1> -> vector<16xi32>
      %reduce_min3A_293 = arith.xori %reduce_min3A_292, %reduce_min3A_290 : vector<16xi32>
      %reduce_min3A_294 = vector.extract %reduce_min3A_293[15] : i32 from vector<16xi32>
      %get3A_295 = arith.constant 1 : i32
      %get3A_296 = arith.index_cast %get3A_295 : i32 to index
      %get3A_297 = arith.constant 3184 : index
      %get3A_298 = tpu.vector_load %arg11[%get3A_296, %get3A_297] {strides = array<i32>} : memref<2x3200xi32, #tpu.memory_space<vmem>>, vector<16xi32>,
      %reduce_max3A_299 = arith.constant true
      %reduce_max3A_300 = vector.broadcast %reduce_max3A_299 : i1 to vector<16xi1>
      %reduce_max3A_301 = arith.constant -2147483648 : i32
      %reduce_max3A_302 = vector.broadcast %reduce_max3A_301 : i32 to vector<16xi32>
      %reduce_max3A_303 = arith.xori %get3A_298, %reduce_max3A_302 : vector<16xi32>
      %reduce_max3A_304 = tpu.scan <max>, %reduce_max3A_303 masked %reduce_max3A_300 : vector<16xi32>, vector<16xi1> -> vector<16xi32>
      %reduce_max3A_305 = arith.xori %reduce_max3A_304, %reduce_max3A_302 : vector<16xi32>
      %reduce_max3A_306 = vector.extract %reduce_max3A_305[15] : i32 from vector<16xi32>
      %while3A_307 = scf.while (%while3A_322 = %cond3A_249) : (i32) -> i32 {
        %add3A_323 = arith.constant 1024 : i32
        %add3A_324 = arith.addi %while3A_322, %add3A_323 : i32
        %le3A = arith.cmpi sle, %add3A_324, %reduce_min3A_294 : i32
        scf.condition(%le3A) %while3A_322 : i32
      } do {
      ^bb0(%while3A_322: i32):
        %multiple_of3A = tpu.assume_multiple %while3A_322, 1024 : i32
        %shift_right_logical3A = arith.constant 10 : i32
        %shift_right_logical3A_323 = arith.shrui %multiple_of3A, %shift_right_logical3A : i32
        %and3A = arith.constant 1 : i32
        %and3A_324 = arith.andi %shift_right_logical3A_323, %and3A : i32
        %mul3A_325 = arith.constant 1024 : i32
        %mul3A_326 = arith.muli %and3A_324, %mul3A_325 : i32
        "tpu.region"() ({
          %run_scoped3A = tpu.sem_alloc : memref<!tpu.dma_semaphore, #tpu.memory_space<semaphore_mem>>
          %dma_start3A_396 = arith.constant 0 : i32
          %dma_start3A_397 = tpu.memref_slice %arg12[%dma_start3A_396, %mul3A_326] : memref<8x2048xf32, #tpu.memory_space<vmem>> -> memref<8x1024xf32, #tpu.memory_space<vmem>>
          %dma_start3A_398 = tpu.memref_slice %arg6[%mul3A_2, %multiple_of3A] : memref<256x20480xf32, #tpu.memory_space<hbm>> -> memref<8x1024xf32, #tpu.memory_space<hbm>>
          %dma_start3A_399 = tpu.memref_slice %arg6[%mul3A_2, %multiple_of3A] : memref<256x20480xf32, #tpu.memory_space<hbm>> -> memref<8x1024xf32, #tpu.memory_space<hbm>>
          %dma_start3A_400 = arith.constant 0 : i32
          %dma_start3A_401 = tpu.memref_slice %arg12[%dma_start3A_400, %mul3A_326] : memref<8x2048xf32, #tpu.memory_space<vmem>> -> memref<8x1024xf32, #tpu.memory_space<vmem>>
          tpu.enqueue_dma source(%dma_start3A_401 : memref<8x1024xf32, #tpu.memory_space<vmem>>) target(%dma_start3A_399 : memref<8x1024xf32, #tpu.memory_space<hbm>>) target_semaphore(%run_scoped3A : memref<!tpu.dma_semaphore, #tpu.memory_space<semaphore_mem>>)
          %dma_wait3A_402 = arith.constant 0 : i32
          %dma_wait3A_403 = tpu.memref_slice %arg12[%dma_wait3A_402, %mul3A_326] : memref<8x2048xf32, #tpu.memory_space<vmem>> -> memref<8x1024xf32, #tpu.memory_space<vmem>>
          %dma_wait3A_404 = tpu.memref_slice %arg6[%mul3A_2, %multiple_of3A] : memref<256x20480xf32, #tpu.memory_space<hbm>> -> memref<8x1024xf32, #tpu.memory_space<hbm>>
          %dma_wait3A_405 = tpu.memref_slice %arg6[%mul3A_2, %multiple_of3A] : memref<256x20480xf32, #tpu.memory_space<hbm>> -> memref<8x1024xf32, #tpu.memory_space<hbm>>
          %dma_wait3A_406 = arith.constant 0 : i32
          %dma_wait3A_407 = tpu.memref_slice %arg12[%dma_wait3A_406, %mul3A_326] : memref<8x2048xf32, #tpu.memory_space<vmem>> -> memref<8x1024xf32, #tpu.memory_space<vmem>>
          tpu.wait_dma2 semaphore(%run_scoped3A : memref<!tpu.dma_semaphore, #tpu.memory_space<semaphore_mem>>) src(%dma_wait3A_407 : memref<8x1024xf32, #tpu.memory_space<vmem>>) dst(%dma_wait3A_405 : memref<8x1024xf32, #tpu.memory_space<hbm>>)
          tpu.yield
        }) : () -> ()
        %eq3A = arith.constant 0 : i32
        %eq3A_327 = arith.cmpi eq, %add3A, %eq3A : i32
        %convert_element_type3A_328 = arith.extui %eq3A_327 : i1 to i32
        %cond3A_329 = arith.constant 0 : i32
        %cond3A_330 = arith.cmpi ne, %convert_element_type3A_328, %cond3A_329 : i32
        scf.if %cond3A_330 {
          "tpu.region"() ({
            %run_scoped3A = tpu.sem_alloc : memref<!tpu.dma_semaphore, #tpu.memory_space<semaphore_mem>>
            %dma_start3A_396 = tpu.memref_slice %arg13[%mul3A_326] : memref<2048xf32, #tpu.memory_space<vmem>> -> memref<1024xf32, #tpu.memory_space<vmem>>
            %dma_start3A_397 = tpu.memref_slice %arg7[%multiple_of3A] : memref<20480xf32, #tpu.memory_space<hbm>> -> memref<1024xf32, #tpu.memory_space<hbm>>
            %dma_start3A_398 = tpu.memref_slice %arg7[%multiple_of3A] : memref<20480xf32, #tpu.memory_space<hbm>> -> memref<1024xf32, #tpu.memory_space<hbm>>
            %dma_start3A_399 = tpu.memref_slice %arg13[%mul3A_326] : memref<2048xf32, #tpu.memory_space<vmem>> -> memref<1024xf32, #tpu.memory_space<vmem>>
            tpu.enqueue_dma source(%dma_start3A_399 : memref<1024xf32, #tpu.memory_space<vmem>>) target(%dma_start3A_398 : memref<1024xf32, #tpu.memory_space<hbm>>) target_semaphore(%run_scoped3A : memref<!tpu.dma_semaphore, #tpu.memory_space<semaphore_mem>>)
            %dma_wait3A_400 = tpu.memref_slice %arg13[%mul3A_326] : memref<2048xf32, #tpu.memory_space<vmem>> -> memref<1024xf32, #tpu.memory_space<vmem>>
            %dma_wait3A_401 = tpu.memref_slice %arg7[%multiple_of3A] : memref<20480xf32, #tpu.memory_space<hbm>> -> memref<1024xf32, #tpu.memory_space<hbm>>
            %dma_wait3A_402 = tpu.memref_slice %arg7[%multiple_of3A] : memref<20480xf32, #tpu.memory_space<hbm>> -> memref<1024xf32, #tpu.memory_space<hbm>>
            %dma_wait3A_403 = tpu.memref_slice %arg13[%mul3A_326] : memref<2048xf32, #tpu.memory_space<vmem>> -> memref<1024xf32, #tpu.memory_space<vmem>>
            tpu.wait_dma2 semaphore(%run_scoped3A : memref<!tpu.dma_semaphore, #tpu.memory_space<semaphore_mem>>) src(%dma_wait3A_403 : memref<1024xf32, #tpu.memory_space<vmem>>) dst(%dma_wait3A_402 : memref<1024xf32, #tpu.memory_space<hbm>>)
            tpu.yield
          }) : () -> ()
        } else {
        }
        %scan3A_331 = arith.constant 0 : i32
        %scan3A_332 = arith.constant 0 : i32
        %scan3A_333 = arith.constant 64 : i32
        %scan3A_334 = arith.addi %scan3A_332, %scan3A_333 : i32
        %scan3A_335 = arith.constant 1 : i32
        %scan3A_336 = scf.for %scan3A_396 = %scan3A_332 to %scan3A_334 step %scan3A_335 iter_args(%scan3A_397 = %scan3A_331) -> (i32)  : i32 {
          %mul3A_398 = arith.constant 16 : i32
          %mul3A_399 = arith.muli %scan3A_396, %mul3A_398 : i32
          %add3A_400 = arith.addi %mul3A_326, %mul3A_399 : i32
          %swap3A = arith.constant 0 : i32
          %swap3A_401 = arith.index_cast %swap3A : i32 to index
          %swap3A_402 = arith.index_cast %add3A_400 : i32 to index
          %swap3A_403 = tpu.vector_load %arg12[%swap3A_401, %swap3A_402] {strides = array<i32>} : memref<8x2048xf32, #tpu.memory_space<vmem>>, vector<16xf32>,
          tpu.vector_store %arg12[%swap3A_401, %swap3A_402], %broadcast_in_dim3A_3 {strides = array<i32>} : memref<8x2048xf32, #tpu.memory_space<vmem>>, vector<16xf32>,
          %scan3A_404 = arith.constant 0 : i32
          scf.yield %scan3A_404 : i32
        }
        %scan3A_337 = arith.constant 64 : i32
        %scan3A_338 = arith.constant 0 : i32
        %scan3A_339 = arith.constant 0 : i32
        %scan3A_340 = arith.constant 64 : i32
        %scan3A_341 = arith.addi %scan3A_339, %scan3A_340 : i32
        %scan3A_342 = arith.constant 1 : i32
        %scan3A_343 = scf.for %scan3A_396 = %scan3A_339 to %scan3A_341 step %scan3A_342 iter_args(%scan3A_397 = %scan3A_338) -> (i32)  : i32 {
          %mul3A_398 = arith.constant 16 : i32
          %mul3A_399 = arith.muli %scan3A_396, %mul3A_398 : i32
          %add3A_400 = arith.addi %mul3A_326, %mul3A_399 : i32
          %swap3A = arith.constant 1 : i32
          %swap3A_401 = arith.index_cast %swap3A : i32 to index
          %swap3A_402 = arith.index_cast %add3A_400 : i32 to index
          %swap3A_403 = tpu.vector_load %arg12[%swap3A_401, %swap3A_402] {strides = array<i32>} : memref<8x2048xf32, #tpu.memory_space<vmem>>, vector<16xf32>,
          tpu.vector_store %arg12[%swap3A_401, %swap3A_402], %broadcast_in_dim3A_3 {strides = array<i32>} : memref<8x2048xf32, #tpu.memory_space<vmem>>, vector<16xf32>,
          %scan3A_404 = arith.constant 0 : i32
          scf.yield %scan3A_404 : i32
        }
        %scan3A_344 = arith.constant 64 : i32
        %scan3A_345 = arith.constant 0 : i32
        %scan3A_346 = arith.constant 0 : i32
        %scan3A_347 = arith.constant 64 : i32
        %scan3A_348 = arith.addi %scan3A_346, %scan3A_347 : i32
        %scan3A_349 = arith.constant 1 : i32
        %scan3A_350 = scf.for %scan3A_396 = %scan3A_346 to %scan3A_348 step %scan3A_349 iter_args(%scan3A_397 = %scan3A_345) -> (i32)  : i32 {
          %mul3A_398 = arith.constant 16 : i32
          %mul3A_399 = arith.muli %scan3A_396, %mul3A_398 : i32
          %add3A_400 = arith.addi %mul3A_326, %mul3A_399 : i32
          %swap3A = arith.constant 2 : i32
          %swap3A_401 = arith.index_cast %swap3A : i32 to index
          %swap3A_402 = arith.index_cast %add3A_400 : i32 to index
          %swap3A_403 = tpu.vector_load %arg12[%swap3A_401, %swap3A_402] {strides = array<i32>} : memref<8x2048xf32, #tpu.memory_space<vmem>>, vector<16xf32>,
          tpu.vector_store %arg12[%swap3A_401, %swap3A_402], %broadcast_in_dim3A_3 {strides = array<i32>} : memref<8x2048xf32, #tpu.memory_space<vmem>>, vector<16xf32>,
          %scan3A_404 = arith.constant 0 : i32
          scf.yield %scan3A_404 : i32
        }
        %scan3A_351 = arith.constant 64 : i32
        %scan3A_352 = arith.constant 0 : i32
        %scan3A_353 = arith.constant 0 : i32
        %scan3A_354 = arith.constant 64 : i32
        %scan3A_355 = arith.addi %scan3A_353, %scan3A_354 : i32
        %scan3A_356 = arith.constant 1 : i32
        %scan3A_357 = scf.for %scan3A_396 = %scan3A_353 to %scan3A_355 step %scan3A_356 iter_args(%scan3A_397 = %scan3A_352) -> (i32)  : i32 {
          %mul3A_398 = arith.constant 16 : i32
          %mul3A_399 = arith.muli %scan3A_396, %mul3A_398 : i32
          %add3A_400 = arith.addi %mul3A_326, %mul3A_399 : i32
          %swap3A = arith.constant 3 : i32
          %swap3A_401 = arith.index_cast %swap3A : i32 to index
          %swap3A_402 = arith.index_cast %add3A_400 : i32 to index
          %swap3A_403 = tpu.vector_load %arg12[%swap3A_401, %swap3A_402] {strides = array<i32>} : memref<8x2048xf32, #tpu.memory_space<vmem>>, vector<16xf32>,
          tpu.vector_store %arg12[%swap3A_401, %swap3A_402], %broadcast_in_dim3A_3 {strides = array<i32>} : memref<8x2048xf32, #tpu.memory_space<vmem>>, vector<16xf32>,
          %scan3A_404 = arith.constant 0 : i32
          scf.yield %scan3A_404 : i32
        }
        %scan3A_358 = arith.constant 64 : i32
        %scan3A_359 = arith.constant 0 : i32
        %scan3A_360 = arith.constant 0 : i32
        %scan3A_361 = arith.constant 64 : i32
        %scan3A_362 = arith.addi %scan3A_360, %scan3A_361 : i32
        %scan3A_363 = arith.constant 1 : i32
        %scan3A_364 = scf.for %scan3A_396 = %scan3A_360 to %scan3A_362 step %scan3A_363 iter_args(%scan3A_397 = %scan3A_359) -> (i32)  : i32 {
          %mul3A_398 = arith.constant 16 : i32
          %mul3A_399 = arith.muli %scan3A_396, %mul3A_398 : i32
          %add3A_400 = arith.addi %mul3A_326, %mul3A_399 : i32
          %swap3A = arith.constant 4 : i32
          %swap3A_401 = arith.index_cast %swap3A : i32 to index
          %swap3A_402 = arith.index_cast %add3A_400 : i32 to index
          %swap3A_403 = tpu.vector_load %arg12[%swap3A_401, %swap3A_402] {strides = array<i32>} : memref<8x2048xf32, #tpu.memory_space<vmem>>, vector<16xf32>,
          tpu.vector_store %arg12[%swap3A_401, %swap3A_402], %broadcast_in_dim3A_3 {strides = array<i32>} : memref<8x2048xf32, #tpu.memory_space<vmem>>, vector<16xf32>,
          %scan3A_404 = arith.constant 0 : i32
          scf.yield %scan3A_404 : i32
        }
        %scan3A_365 = arith.constant 64 : i32
        %scan3A_366 = arith.constant 0 : i32
        %scan3A_367 = arith.constant 0 : i32
        %scan3A_368 = arith.constant 64 : i32
        %scan3A_369 = arith.addi %scan3A_367, %scan3A_368 : i32
        %scan3A_370 = arith.constant 1 : i32
        %scan3A_371 = scf.for %scan3A_396 = %scan3A_367 to %scan3A_369 step %scan3A_370 iter_args(%scan3A_397 = %scan3A_366) -> (i32)  : i32 {
          %mul3A_398 = arith.constant 16 : i32
          %mul3A_399 = arith.muli %scan3A_396, %mul3A_398 : i32
          %add3A_400 = arith.addi %mul3A_326, %mul3A_399 : i32
          %swap3A = arith.constant 5 : i32
          %swap3A_401 = arith.index_cast %swap3A : i32 to index
          %swap3A_402 = arith.index_cast %add3A_400 : i32 to index
          %swap3A_403 = tpu.vector_load %arg12[%swap3A_401, %swap3A_402] {strides = array<i32>} : memref<8x2048xf32, #tpu.memory_space<vmem>>, vector<16xf32>,
          tpu.vector_store %arg12[%swap3A_401, %swap3A_402], %broadcast_in_dim3A_3 {strides = array<i32>} : memref<8x2048xf32, #tpu.memory_space<vmem>>, vector<16xf32>,
          %scan3A_404 = arith.constant 0 : i32
          scf.yield %scan3A_404 : i32
        }
        %scan3A_372 = arith.constant 64 : i32
        %scan3A_373 = arith.constant 0 : i32
        %scan3A_374 = arith.constant 0 : i32
        %scan3A_375 = arith.constant 64 : i32
        %scan3A_376 = arith.addi %scan3A_374, %scan3A_375 : i32
        %scan3A_377 = arith.constant 1 : i32
        %scan3A_378 = scf.for %scan3A_396 = %scan3A_374 to %scan3A_376 step %scan3A_377 iter_args(%scan3A_397 = %scan3A_373) -> (i32)  : i32 {
          %mul3A_398 = arith.constant 16 : i32
          %mul3A_399 = arith.muli %scan3A_396, %mul3A_398 : i32
          %add3A_400 = arith.addi %mul3A_326, %mul3A_399 : i32
          %swap3A = arith.constant 6 : i32
          %swap3A_401 = arith.index_cast %swap3A : i32 to index
          %swap3A_402 = arith.index_cast %add3A_400 : i32 to index
          %swap3A_403 = tpu.vector_load %arg12[%swap3A_401, %swap3A_402] {strides = array<i32>} : memref<8x2048xf32, #tpu.memory_space<vmem>>, vector<16xf32>,
          tpu.vector_store %arg12[%swap3A_401, %swap3A_402], %broadcast_in_dim3A_3 {strides = array<i32>} : memref<8x2048xf32, #tpu.memory_space<vmem>>, vector<16xf32>,
          %scan3A_404 = arith.constant 0 : i32
          scf.yield %scan3A_404 : i32
        }
        %scan3A_379 = arith.constant 64 : i32
        %scan3A_380 = arith.constant 0 : i32
        %scan3A_381 = arith.constant 0 : i32
        %scan3A_382 = arith.constant 64 : i32
        %scan3A_383 = arith.addi %scan3A_381, %scan3A_382 : i32
        %scan3A_384 = arith.constant 1 : i32
        %scan3A_385 = scf.for %scan3A_396 = %scan3A_381 to %scan3A_383 step %scan3A_384 iter_args(%scan3A_397 = %scan3A_380) -> (i32)  : i32 {
          %mul3A_398 = arith.constant 16 : i32
          %mul3A_399 = arith.muli %scan3A_396, %mul3A_398 : i32
          %add3A_400 = arith.addi %mul3A_326, %mul3A_399 : i32
          %swap3A = arith.constant 7 : i32
          %swap3A_401 = arith.index_cast %swap3A : i32 to index
          %swap3A_402 = arith.index_cast %add3A_400 : i32 to index
          %swap3A_403 = tpu.vector_load %arg12[%swap3A_401, %swap3A_402] {strides = array<i32>} : memref<8x2048xf32, #tpu.memory_space<vmem>>, vector<16xf32>,
          tpu.vector_store %arg12[%swap3A_401, %swap3A_402], %broadcast_in_dim3A_3 {strides = array<i32>} : memref<8x2048xf32, #tpu.memory_space<vmem>>, vector<16xf32>,
          %scan3A_404 = arith.constant 0 : i32
          scf.yield %scan3A_404 : i32
        }
        %scan3A_386 = arith.constant 64 : i32
        %scan3A_387 = arith.constant 0 : i32
        %scan3A_388 = arith.constant 0 : i32
        %scan3A_389 = arith.constant 64 : i32
        %scan3A_390 = arith.addi %scan3A_388, %scan3A_389 : i32
        %scan3A_391 = arith.constant 1 : i32
        %scan3A_392 = scf.for %scan3A_396 = %scan3A_388 to %scan3A_390 step %scan3A_391 iter_args(%scan3A_397 = %scan3A_387) -> (i32)  : i32 {
          %mul3A_398 = arith.constant 16 : i32
          %mul3A_399 = arith.muli %scan3A_396, %mul3A_398 : i32
          %add3A_400 = arith.addi %mul3A_326, %mul3A_399 : i32
          %swap3A = arith.index_cast %add3A_400 : i32 to index
          %swap3A_401 = tpu.vector_load %arg13[%swap3A] {strides = array<i32>} : memref<2048xf32, #tpu.memory_space<vmem>>, vector<16xf32>,
          tpu.vector_store %arg13[%swap3A], %broadcast_in_dim3A_3 {strides = array<i32>} : memref<2048xf32, #tpu.memory_space<vmem>>, vector<16xf32>,
          %scan3A_402 = arith.constant 0 : i32
          scf.yield %scan3A_402 : i32
        }
        %scan3A_393 = arith.constant 64 : i32
        %add3A_394 = arith.constant 1024 : i32
        %add3A_395 = arith.addi %multiple_of3A, %add3A_394 : i32
        scf.yield %add3A_395 : i32
      }
      %add3A_308 = arith.constant 2048 : i32
      %add3A_309 = arith.addi %while3A_307, %add3A_308 : i32
      %lt3A_310 = arith.cmpi slt, %reduce_max3A_306, %add3A_309 : i32
      %convert_element_type3A_311 = arith.extui %lt3A_310 : i1 to i32
      %cond3A_312 = arith.constant 0 : i32
      %cond3A_313 = arith.cmpi ne, %convert_element_type3A_311, %cond3A_312 : i32
      %cond3A_314 = scf.if %cond3A_313 -> (i32) {
        %scan3A_322 = arith.constant 0 : i32
        %scan3A_323 = arith.constant 50 : i32
        %scan3A_324 = arith.addi %scan3A_322, %scan3A_323 : i32
        %scan3A_325 = arith.constant 1 : i32
        scf.for %scan3A_327 = %scan3A_322 to %scan3A_324 step %scan3A_325  : i32 {
          %mul3A_328 = arith.constant 4 : i32
          %mul3A_329 = arith.muli %scan3A_327, %mul3A_328 : i32
          %add3A_330 = arith.constant 0 : i32
          %add3A_331 = arith.addi %mul3A_329, %add3A_330 : i32
          %mul3A_332 = arith.constant 16 : i32
          %mul3A_333 = arith.muli %add3A_331, %mul3A_332 : i32
          %get3A_334 = arith.constant 1 : i32
          %get3A_335 = arith.index_cast %get3A_334 : i32 to index
          %get3A_336 = arith.index_cast %mul3A_333 : i32 to index
          %get3A_337 = tpu.vector_load %arg10[%get3A_335, %get3A_336] {strides = array<i32>} : memref<2x3200xi32, #tpu.memory_space<vmem>>, vector<16xi32>,
          %get3A_338 = arith.constant 1 : i32
          %get3A_339 = arith.index_cast %get3A_338 : i32 to index
          %get3A_340 = arith.index_cast %mul3A_333 : i32 to index
          %get3A_341 = tpu.vector_load %arg11[%get3A_339, %get3A_340] {strides = array<i32>} : memref<2x3200xi32, #tpu.memory_space<vmem>>, vector<16xi32>,
          %and3A = arith.constant 2047 : i32
          %and3A_342 = vector.broadcast %and3A : i32 to vector<16xi32>
          %and3A_343 = arith.andi %get3A_341, %and3A_342 : vector<16xi32>
          %gather3A = tpu.vector_load_idx %arg9[%get3A_337] : memref<10240xf32, #tpu.memory_space<vmem>>[vector<16xi32>], vector<16xf32>,
          %gather3A_344 = tpu.vector_load_idx %arg8[%broadcast_in_dim3A_7, %get3A_337] : memref<8x10240xf32, #tpu.memory_space<vmem>>[vector<16xi32>, vector<16xi32>], vector<16xf32>,
          %gather3A_345 = tpu.vector_load_idx %arg8[%broadcast_in_dim3A_9, %get3A_337] : memref<8x10240xf32, #tpu.memory_space<vmem>>[vector<16xi32>, vector<16xi32>], vector<16xf32>,
          %gather3A_346 = tpu.vector_load_idx %arg8[%broadcast_in_dim3A_11, %get3A_337] : memref<8x10240xf32, #tpu.memory_space<vmem>>[vector<16xi32>, vector<16xi32>], vector<16xf32>,
          %gather3A_347 = tpu.vector_load_idx %arg8[%broadcast_in_dim3A_13, %get3A_337] : memref<8x10240xf32, #tpu.memory_space<vmem>>[vector<16xi32>, vector<16xi32>], vector<16xf32>,
          %gather3A_348 = tpu.vector_load_idx %arg8[%broadcast_in_dim3A_15, %get3A_337] : memref<8x10240xf32, #tpu.memory_space<vmem>>[vector<16xi32>, vector<16xi32>], vector<16xf32>,
          %gather3A_349 = tpu.vector_load_idx %arg8[%broadcast_in_dim3A_17, %get3A_337] : memref<8x10240xf32, #tpu.memory_space<vmem>>[vector<16xi32>, vector<16xi32>], vector<16xf32>,
          %gather3A_350 = tpu.vector_load_idx %arg8[%broadcast_in_dim3A_19, %get3A_337] : memref<8x10240xf32, #tpu.memory_space<vmem>>[vector<16xi32>, vector<16xi32>], vector<16xf32>,
          %gather3A_351 = tpu.vector_load_idx %arg8[%broadcast_in_dim3A_21, %get3A_337] : memref<8x10240xf32, #tpu.memory_space<vmem>>[vector<16xi32>, vector<16xi32>], vector<16xf32>,
          tpu.vector_store_idx %arg13[%and3A_343], %gather3A {add = true} : memref<2048xf32, #tpu.memory_space<vmem>>[vector<16xi32>], vector<16xf32>,
          tpu.vector_store_idx %arg12[%broadcast_in_dim3A_7, %and3A_343], %gather3A_344 {add = true} : memref<8x2048xf32, #tpu.memory_space<vmem>>[vector<16xi32>, vector<16xi32>], vector<16xf32>,
          tpu.vector_store_idx %arg12[%broadcast_in_dim3A_9, %and3A_343], %gather3A_345 {add = true} : memref<8x2048xf32, #tpu.memory_space<vmem>>[vector<16xi32>, vector<16xi32>], vector<16xf32>,
          tpu.vector_store_idx %arg12[%broadcast_in_dim3A_11, %and3A_343], %gather3A_346 {add = true} : memref<8x2048xf32, #tpu.memory_space<vmem>>[vector<16xi32>, vector<16xi32>], vector<16xf32>,
          tpu.vector_store_idx %arg12[%broadcast_in_dim3A_13, %and3A_343], %gather3A_347 {add = true} : memref<8x2048xf32, #tpu.memory_space<vmem>>[vector<16xi32>, vector<16xi32>], vector<16xf32>,
          tpu.vector_store_idx %arg12[%broadcast_in_dim3A_15, %and3A_343], %gather3A_348 {add = true} : memref<8x2048xf32, #tpu.memory_space<vmem>>[vector<16xi32>, vector<16xi32>], vector<16xf32>,
          tpu.vector_store_idx %arg12[%broadcast_in_dim3A_17, %and3A_343], %gather3A_349 {add = true} : memref<8x2048xf32, #tpu.memory_space<vmem>>[vector<16xi32>, vector<16xi32>], vector<16xf32>,
          tpu.vector_store_idx %arg12[%broadcast_in_dim3A_19, %and3A_343], %gather3A_350 {add = true} : memref<8x2048xf32, #tpu.memory_space<vmem>>[vector<16xi32>, vector<16xi32>], vector<16xf32>,
          tpu.vector_store_idx %arg12[%broadcast_in_dim3A_21, %and3A_343], %gather3A_351 {add = true} : memref<8x2048xf32, #tpu.memory_space<vmem>>[vector<16xi32>, vector<16xi32>], vector<16xf32>,
          %mul3A_352 = arith.constant 4 : i32
          %mul3A_353 = arith.muli %scan3A_327, %mul3A_352 : i32
          %add3A_354 = arith.constant 1 : i32
          %add3A_355 = arith.addi %mul3A_353, %add3A_354 : i32
          %mul3A_356 = arith.constant 16 : i32
          %mul3A_357 = arith.muli %add3A_355, %mul3A_356 : i32
          %get3A_358 = arith.constant 1 : i32
          %get3A_359 = arith.index_cast %get3A_358 : i32 to index
          %get3A_360 = arith.index_cast %mul3A_357 : i32 to index
          %get3A_361 = tpu.vector_load %arg10[%get3A_359, %get3A_360] {strides = array<i32>} : memref<2x3200xi32, #tpu.memory_space<vmem>>, vector<16xi32>,
          %get3A_362 = arith.constant 1 : i32
          %get3A_363 = arith.index_cast %get3A_362 : i32 to index
          %get3A_364 = arith.index_cast %mul3A_357 : i32 to index
          %get3A_365 = tpu.vector_load %arg11[%get3A_363, %get3A_364] {strides = array<i32>} : memref<2x3200xi32, #tpu.memory_space<vmem>>, vector<16xi32>,
          %and3A_366 = arith.constant 2047 : i32
          %and3A_367 = vector.broadcast %and3A_366 : i32 to vector<16xi32>
          %and3A_368 = arith.andi %get3A_365, %and3A_367 : vector<16xi32>
          %gather3A_369 = tpu.vector_load_idx %arg9[%get3A_361] : memref<10240xf32, #tpu.memory_space<vmem>>[vector<16xi32>], vector<16xf32>,
          %gather3A_370 = tpu.vector_load_idx %arg8[%broadcast_in_dim3A_7, %get3A_361] : memref<8x10240xf32, #tpu.memory_space<vmem>>[vector<16xi32>, vector<16xi32>], vector<16xf32>,
          %gather3A_371 = tpu.vector_load_idx %arg8[%broadcast_in_dim3A_9, %get3A_361] : memref<8x10240xf32, #tpu.memory_space<vmem>>[vector<16xi32>, vector<16xi32>], vector<16xf32>,
          %gather3A_372 = tpu.vector_load_idx %arg8[%broadcast_in_dim3A_11, %get3A_361] : memref<8x10240xf32, #tpu.memory_space<vmem>>[vector<16xi32>, vector<16xi32>], vector<16xf32>,
          %gather3A_373 = tpu.vector_load_idx %arg8[%broadcast_in_dim3A_13, %get3A_361] : memref<8x10240xf32, #tpu.memory_space<vmem>>[vector<16xi32>, vector<16xi32>], vector<16xf32>,
          %gather3A_374 = tpu.vector_load_idx %arg8[%broadcast_in_dim3A_15, %get3A_361] : memref<8x10240xf32, #tpu.memory_space<vmem>>[vector<16xi32>, vector<16xi32>], vector<16xf32>,
          %gather3A_375 = tpu.vector_load_idx %arg8[%broadcast_in_dim3A_17, %get3A_361] : memref<8x10240xf32, #tpu.memory_space<vmem>>[vector<16xi32>, vector<16xi32>], vector<16xf32>,
          %gather3A_376 = tpu.vector_load_idx %arg8[%broadcast_in_dim3A_19, %get3A_361] : memref<8x10240xf32, #tpu.memory_space<vmem>>[vector<16xi32>, vector<16xi32>], vector<16xf32>,
          %gather3A_377 = tpu.vector_load_idx %arg8[%broadcast_in_dim3A_21, %get3A_361] : memref<8x10240xf32, #tpu.memory_space<vmem>>[vector<16xi32>, vector<16xi32>], vector<16xf32>,
          tpu.vector_store_idx %arg13[%and3A_368], %gather3A_369 {add = true} : memref<2048xf32, #tpu.memory_space<vmem>>[vector<16xi32>], vector<16xf32>,
          tpu.vector_store_idx %arg12[%broadcast_in_dim3A_7, %and3A_368], %gather3A_370 {add = true} : memref<8x2048xf32, #tpu.memory_space<vmem>>[vector<16xi32>, vector<16xi32>], vector<16xf32>,
          tpu.vector_store_idx %arg12[%broadcast_in_dim3A_9, %and3A_368], %gather3A_371 {add = true} : memref<8x2048xf32, #tpu.memory_space<vmem>>[vector<16xi32>, vector<16xi32>], vector<16xf32>,
          tpu.vector_store_idx %arg12[%broadcast_in_dim3A_11, %and3A_368], %gather3A_372 {add = true} : memref<8x2048xf32, #tpu.memory_space<vmem>>[vector<16xi32>, vector<16xi32>], vector<16xf32>,
          tpu.vector_store_idx %arg12[%broadcast_in_dim3A_13, %and3A_368], %gather3A_373 {add = true} : memref<8x2048xf32, #tpu.memory_space<vmem>>[vector<16xi32>, vector<16xi32>], vector<16xf32>,
          tpu.vector_store_idx %arg12[%broadcast_in_dim3A_15, %and3A_368], %gather3A_374 {add = true} : memref<8x2048xf32, #tpu.memory_space<vmem>>[vector<16xi32>, vector<16xi32>], vector<16xf32>,
          tpu.vector_store_idx %arg12[%broadcast_in_dim3A_17, %and3A_368], %gather3A_375 {add = true} : memref<8x2048xf32, #tpu.memory_space<vmem>>[vector<16xi32>, vector<16xi32>], vector<16xf32>,
          tpu.vector_store_idx %arg12[%broadcast_in_dim3A_19, %and3A_368], %gather3A_376 {add = true} : memref<8x2048xf32, #tpu.memory_space<vmem>>[vector<16xi32>, vector<16xi32>], vector<16xf32>,
          tpu.vector_store_idx %arg12[%broadcast_in_dim3A_21, %and3A_368], %gather3A_377 {add = true} : memref<8x2048xf32, #tpu.memory_space<vmem>>[vector<16xi32>, vector<16xi32>], vector<16xf32>,
          %mul3A_378 = arith.constant 4 : i32
          %mul3A_379 = arith.muli %scan3A_327, %mul3A_378 : i32
          %add3A_380 = arith.constant 2 : i32
          %add3A_381 = arith.addi %mul3A_379, %add3A_380 : i32
          %mul3A_382 = arith.constant 16 : i32
          %mul3A_383 = arith.muli %add3A_381, %mul3A_382 : i32
          %get3A_384 = arith.constant 1 : i32
          %get3A_385 = arith.index_cast %get3A_384 : i32 to index
          %get3A_386 = arith.index_cast %mul3A_383 : i32 to index
          %get3A_387 = tpu.vector_load %arg10[%get3A_385, %get3A_386] {strides = array<i32>} : memref<2x3200xi32, #tpu.memory_space<vmem>>, vector<16xi32>,
          %get3A_388 = arith.constant 1 : i32
          %get3A_389 = arith.index_cast %get3A_388 : i32 to index
          %get3A_390 = arith.index_cast %mul3A_383 : i32 to index
          %get3A_391 = tpu.vector_load %arg11[%get3A_389, %get3A_390] {strides = array<i32>} : memref<2x3200xi32, #tpu.memory_space<vmem>>, vector<16xi32>,
          %and3A_392 = arith.constant 2047 : i32
          %and3A_393 = vector.broadcast %and3A_392 : i32 to vector<16xi32>
          %and3A_394 = arith.andi %get3A_391, %and3A_393 : vector<16xi32>
          %gather3A_395 = tpu.vector_load_idx %arg9[%get3A_387] : memref<10240xf32, #tpu.memory_space<vmem>>[vector<16xi32>], vector<16xf32>,
          %gather3A_396 = tpu.vector_load_idx %arg8[%broadcast_in_dim3A_7, %get3A_387] : memref<8x10240xf32, #tpu.memory_space<vmem>>[vector<16xi32>, vector<16xi32>], vector<16xf32>,
          %gather3A_397 = tpu.vector_load_idx %arg8[%broadcast_in_dim3A_9, %get3A_387] : memref<8x10240xf32, #tpu.memory_space<vmem>>[vector<16xi32>, vector<16xi32>], vector<16xf32>,
          %gather3A_398 = tpu.vector_load_idx %arg8[%broadcast_in_dim3A_11, %get3A_387] : memref<8x10240xf32, #tpu.memory_space<vmem>>[vector<16xi32>, vector<16xi32>], vector<16xf32>,
          %gather3A_399 = tpu.vector_load_idx %arg8[%broadcast_in_dim3A_13, %get3A_387] : memref<8x10240xf32, #tpu.memory_space<vmem>>[vector<16xi32>, vector<16xi32>], vector<16xf32>,
          %gather3A_400 = tpu.vector_load_idx %arg8[%broadcast_in_dim3A_15, %get3A_387] : memref<8x10240xf32, #tpu.memory_space<vmem>>[vector<16xi32>, vector<16xi32>], vector<16xf32>,
          %gather3A_401 = tpu.vector_load_idx %arg8[%broadcast_in_dim3A_17, %get3A_387] : memref<8x10240xf32, #tpu.memory_space<vmem>>[vector<16xi32>, vector<16xi32>], vector<16xf32>,
          %gather3A_402 = tpu.vector_load_idx %arg8[%broadcast_in_dim3A_19, %get3A_387] : memref<8x10240xf32, #tpu.memory_space<vmem>>[vector<16xi32>, vector<16xi32>], vector<16xf32>,
          %gather3A_403 = tpu.vector_load_idx %arg8[%broadcast_in_dim3A_21, %get3A_387] : memref<8x10240xf32, #tpu.memory_space<vmem>>[vector<16xi32>, vector<16xi32>], vector<16xf32>,
          tpu.vector_store_idx %arg13[%and3A_394], %gather3A_395 {add = true} : memref<2048xf32, #tpu.memory_space<vmem>>[vector<16xi32>], vector<16xf32>,
          tpu.vector_store_idx %arg12[%broadcast_in_dim3A_7, %and3A_394], %gather3A_396 {add = true} : memref<8x2048xf32, #tpu.memory_space<vmem>>[vector<16xi32>, vector<16xi32>], vector<16xf32>,
          tpu.vector_store_idx %arg12[%broadcast_in_dim3A_9, %and3A_394], %gather3A_397 {add = true} : memref<8x2048xf32, #tpu.memory_space<vmem>>[vector<16xi32>, vector<16xi32>], vector<16xf32>,
          tpu.vector_store_idx %arg12[%broadcast_in_dim3A_11, %and3A_394], %gather3A_398 {add = true} : memref<8x2048xf32, #tpu.memory_space<vmem>>[vector<16xi32>, vector<16xi32>], vector<16xf32>,
          tpu.vector_store_idx %arg12[%broadcast_in_dim3A_13, %and3A_394], %gather3A_399 {add = true} : memref<8x2048xf32, #tpu.memory_space<vmem>>[vector<16xi32>, vector<16xi32>], vector<16xf32>,
          tpu.vector_store_idx %arg12[%broadcast_in_dim3A_15, %and3A_394], %gather3A_400 {add = true} : memref<8x2048xf32, #tpu.memory_space<vmem>>[vector<16xi32>, vector<16xi32>], vector<16xf32>,
          tpu.vector_store_idx %arg12[%broadcast_in_dim3A_17, %and3A_394], %gather3A_401 {add = true} : memref<8x2048xf32, #tpu.memory_space<vmem>>[vector<16xi32>, vector<16xi32>], vector<16xf32>,
          tpu.vector_store_idx %arg12[%broadcast_in_dim3A_19, %and3A_394], %gather3A_402 {add = true} : memref<8x2048xf32, #tpu.memory_space<vmem>>[vector<16xi32>, vector<16xi32>], vector<16xf32>,
          tpu.vector_store_idx %arg12[%broadcast_in_dim3A_21, %and3A_394], %gather3A_403 {add = true} : memref<8x2048xf32, #tpu.memory_space<vmem>>[vector<16xi32>, vector<16xi32>], vector<16xf32>,
          %mul3A_404 = arith.constant 4 : i32
          %mul3A_405 = arith.muli %scan3A_327, %mul3A_404 : i32
          %add3A_406 = arith.constant 3 : i32
          %add3A_407 = arith.addi %mul3A_405, %add3A_406 : i32
          %mul3A_408 = arith.constant 16 : i32
          %mul3A_409 = arith.muli %add3A_407, %mul3A_408 : i32
          %get3A_410 = arith.constant 1 : i32
          %get3A_411 = arith.index_cast %get3A_410 : i32 to index
          %get3A_412 = arith.index_cast %mul3A_409 : i32 to index
          %get3A_413 = tpu.vector_load %arg10[%get3A_411, %get3A_412] {strides = array<i32>} : memref<2x3200xi32, #tpu.memory_space<vmem>>, vector<16xi32>,
          %get3A_414 = arith.constant 1 : i32
          %get3A_415 = arith.index_cast %get3A_414 : i32 to index
          %get3A_416 = arith.index_cast %mul3A_409 : i32 to index
          %get3A_417 = tpu.vector_load %arg11[%get3A_415, %get3A_416] {strides = array<i32>} : memref<2x3200xi32, #tpu.memory_space<vmem>>, vector<16xi32>,
          %and3A_418 = arith.constant 2047 : i32
          %and3A_419 = vector.broadcast %and3A_418 : i32 to vector<16xi32>
          %and3A_420 = arith.andi %get3A_417, %and3A_419 : vector<16xi32>
          %gather3A_421 = tpu.vector_load_idx %arg9[%get3A_413] : memref<10240xf32, #tpu.memory_space<vmem>>[vector<16xi32>], vector<16xf32>,
          %gather3A_422 = tpu.vector_load_idx %arg8[%broadcast_in_dim3A_7, %get3A_413] : memref<8x10240xf32, #tpu.memory_space<vmem>>[vector<16xi32>, vector<16xi32>], vector<16xf32>,
          %gather3A_423 = tpu.vector_load_idx %arg8[%broadcast_in_dim3A_9, %get3A_413] : memref<8x10240xf32, #tpu.memory_space<vmem>>[vector<16xi32>, vector<16xi32>], vector<16xf32>,
          %gather3A_424 = tpu.vector_load_idx %arg8[%broadcast_in_dim3A_11, %get3A_413] : memref<8x10240xf32, #tpu.memory_space<vmem>>[vector<16xi32>, vector<16xi32>], vector<16xf32>,
          %gather3A_425 = tpu.vector_load_idx %arg8[%broadcast_in_dim3A_13, %get3A_413] : memref<8x10240xf32, #tpu.memory_space<vmem>>[vector<16xi32>, vector<16xi32>], vector<16xf32>,
          %gather3A_426 = tpu.vector_load_idx %arg8[%broadcast_in_dim3A_15, %get3A_413] : memref<8x10240xf32, #tpu.memory_space<vmem>>[vector<16xi32>, vector<16xi32>], vector<16xf32>,
          %gather3A_427 = tpu.vector_load_idx %arg8[%broadcast_in_dim3A_17, %get3A_413] : memref<8x10240xf32, #tpu.memory_space<vmem>>[vector<16xi32>, vector<16xi32>], vector<16xf32>,
          %gather3A_428 = tpu.vector_load_idx %arg8[%broadcast_in_dim3A_19, %get3A_413] : memref<8x10240xf32, #tpu.memory_space<vmem>>[vector<16xi32>, vector<16xi32>], vector<16xf32>,
          %gather3A_429 = tpu.vector_load_idx %arg8[%broadcast_in_dim3A_21, %get3A_413] : memref<8x10240xf32, #tpu.memory_space<vmem>>[vector<16xi32>, vector<16xi32>], vector<16xf32>,
          tpu.vector_store_idx %arg13[%and3A_420], %gather3A_421 {add = true} : memref<2048xf32, #tpu.memory_space<vmem>>[vector<16xi32>], vector<16xf32>,
          tpu.vector_store_idx %arg12[%broadcast_in_dim3A_7, %and3A_420], %gather3A_422 {add = true} : memref<8x2048xf32, #tpu.memory_space<vmem>>[vector<16xi32>, vector<16xi32>], vector<16xf32>,
          tpu.vector_store_idx %arg12[%broadcast_in_dim3A_9, %and3A_420], %gather3A_423 {add = true} : memref<8x2048xf32, #tpu.memory_space<vmem>>[vector<16xi32>, vector<16xi32>], vector<16xf32>,
          tpu.vector_store_idx %arg12[%broadcast_in_dim3A_11, %and3A_420], %gather3A_424 {add = true} : memref<8x2048xf32, #tpu.memory_space<vmem>>[vector<16xi32>, vector<16xi32>], vector<16xf32>,
          tpu.vector_store_idx %arg12[%broadcast_in_dim3A_13, %and3A_420], %gather3A_425 {add = true} : memref<8x2048xf32, #tpu.memory_space<vmem>>[vector<16xi32>, vector<16xi32>], vector<16xf32>,
          tpu.vector_store_idx %arg12[%broadcast_in_dim3A_15, %and3A_420], %gather3A_426 {add = true} : memref<8x2048xf32, #tpu.memory_space<vmem>>[vector<16xi32>, vector<16xi32>], vector<16xf32>,
          tpu.vector_store_idx %arg12[%broadcast_in_dim3A_17, %and3A_420], %gather3A_427 {add = true} : memref<8x2048xf32, #tpu.memory_space<vmem>>[vector<16xi32>, vector<16xi32>], vector<16xf32>,
          tpu.vector_store_idx %arg12[%broadcast_in_dim3A_19, %and3A_420], %gather3A_428 {add = true} : memref<8x2048xf32, #tpu.memory_space<vmem>>[vector<16xi32>, vector<16xi32>], vector<16xf32>,
          tpu.vector_store_idx %arg12[%broadcast_in_dim3A_21, %and3A_420], %gather3A_429 {add = true} : memref<8x2048xf32, #tpu.memory_space<vmem>>[vector<16xi32>, vector<16xi32>], vector<16xf32>,
        }
        %scan3A_326 = arith.constant 50 : i32
        scf.yield %while3A_307 : i32
      } else {
        %scan3A_322 = arith.constant 0 : i32
        %scan3A_323 = arith.constant 200 : i32
        %scan3A_324 = arith.addi %scan3A_322, %scan3A_323 : i32
        %scan3A_325 = arith.constant 1 : i32
        %scan3A_326 = scf.for %scan3A_328 = %scan3A_322 to %scan3A_324 step %scan3A_325 iter_args(%scan3A_329 = %while3A_307) -> (i32)  : i32 {
          %mul3A_330 = arith.constant 16 : i32
          %mul3A_331 = arith.muli %scan3A_328, %mul3A_330 : i32
          %get3A_332 = arith.constant 1 : i32
          %get3A_333 = arith.index_cast %get3A_332 : i32 to index
          %get3A_334 = arith.index_cast %mul3A_331 : i32 to index
          %get3A_335 = tpu.vector_load %arg10[%get3A_333, %get3A_334] {strides = array<i32>} : memref<2x3200xi32, #tpu.memory_space<vmem>>, vector<16xi32>,
          %get3A_336 = arith.constant 1 : i32
          %get3A_337 = arith.index_cast %get3A_336 : i32 to index
          %get3A_338 = arith.index_cast %mul3A_331 : i32 to index
          %get3A_339 = tpu.vector_load %arg11[%get3A_337, %get3A_338] {strides = array<i32>} : memref<2x3200xi32, #tpu.memory_space<vmem>>, vector<16xi32>,
          %gather3A = tpu.vector_load_idx %arg9[%get3A_335] : memref<10240xf32, #tpu.memory_space<vmem>>[vector<16xi32>], vector<16xf32>,
          %gather3A_340 = tpu.vector_load_idx %arg8[%broadcast_in_dim3A_7, %get3A_335] : memref<8x10240xf32, #tpu.memory_space<vmem>>[vector<16xi32>, vector<16xi32>], vector<16xf32>,
          %gather3A_341 = tpu.vector_load_idx %arg8[%broadcast_in_dim3A_9, %get3A_335] : memref<8x10240xf32, #tpu.memory_space<vmem>>[vector<16xi32>, vector<16xi32>], vector<16xf32>,
          %gather3A_342 = tpu.vector_load_idx %arg8[%broadcast_in_dim3A_11, %get3A_335] : memref<8x10240xf32, #tpu.memory_space<vmem>>[vector<16xi32>, vector<16xi32>], vector<16xf32>,
          %gather3A_343 = tpu.vector_load_idx %arg8[%broadcast_in_dim3A_13, %get3A_335] : memref<8x10240xf32, #tpu.memory_space<vmem>>[vector<16xi32>, vector<16xi32>], vector<16xf32>,
          %gather3A_344 = tpu.vector_load_idx %arg8[%broadcast_in_dim3A_15, %get3A_335] : memref<8x10240xf32, #tpu.memory_space<vmem>>[vector<16xi32>, vector<16xi32>], vector<16xf32>,
          %gather3A_345 = tpu.vector_load_idx %arg8[%broadcast_in_dim3A_17, %get3A_335] : memref<8x10240xf32, #tpu.memory_space<vmem>>[vector<16xi32>, vector<16xi32>], vector<16xf32>,
          %gather3A_346 = tpu.vector_load_idx %arg8[%broadcast_in_dim3A_19, %get3A_335] : memref<8x10240xf32, #tpu.memory_space<vmem>>[vector<16xi32>, vector<16xi32>], vector<16xf32>,
          %gather3A_347 = tpu.vector_load_idx %arg8[%broadcast_in_dim3A_21, %get3A_335] : memref<8x10240xf32, #tpu.memory_space<vmem>>[vector<16xi32>, vector<16xi32>], vector<16xf32>,
          %and3A = arith.constant 2047 : i32
          %and3A_348 = vector.broadcast %and3A : i32 to vector<16xi32>
          %and3A_349 = arith.andi %get3A_339, %and3A_348 : vector<16xi32>
          %broadcast_in_dim3A_350 = arith.constant 0 : i32
          %broadcast_in_dim3A_351 = vector.broadcast %broadcast_in_dim3A_350 : i32 to vector<16xi32>
          %while3A_352:2 = scf.while (%while3A_353 = %scan3A_329, %while3A_354 = %broadcast_in_dim3A_351) : (i32, vector<16xi32>) -> (i32, vector<16xi32>) {
            %reduce_sum3A = arith.constant true
            %reduce_sum3A_355 = vector.broadcast %reduce_sum3A : i1 to vector<16xi1>
            %reduce_sum3A_356 = tpu.scan <sum>, %while3A_354 masked %reduce_sum3A_355 : vector<16xi32>, vector<16xi1> -> vector<16xi32>
            %reduce_sum3A_357 = vector.extract %reduce_sum3A_356[15] : i32 from vector<16xi32>
            %lt3A_358 = arith.constant 16 : i32
            %lt3A_359 = arith.cmpi slt, %reduce_sum3A_357, %lt3A_358 : i32
            scf.condition(%lt3A_359) %while3A_353, %while3A_354 : i32, vector<16xi32>
          } do {
          ^bb0(%while3A_353: i32, %while3A_354: vector<16xi32>):
            %add3A_355 = arith.constant 2048 : i32
            %add3A_356 = arith.addi %while3A_353, %add3A_355 : i32
            %lt3A_357 = vector.broadcast %add3A_356 : i32 to vector<16xi32>
            %lt3A_358 = arith.cmpi slt, %get3A_339, %lt3A_357 : vector<16xi32>
            %eq3A = arith.constant 0 : i32
            %eq3A_359 = vector.broadcast %eq3A : i32 to vector<16xi32>
            %eq3A_360 = arith.cmpi eq, %while3A_354, %eq3A_359 : vector<16xi32>
            %and3A_361 = arith.andi %lt3A_358, %eq3A_360 : vector<16xi1>
            tpu.vector_store_idx %arg13[%and3A_349], %gather3A masked %and3A_361 {add = true} : memref<2048xf32, #tpu.memory_space<vmem>>[vector<16xi32>], vector<16xf32>, vector<16xi1>
            tpu.vector_store_idx %arg12[%broadcast_in_dim3A_7, %and3A_349], %gather3A_340 masked %and3A_361 {add = true} : memref<8x2048xf32, #tpu.memory_space<vmem>>[vector<16xi32>, vector<16xi32>], vector<16xf32>, vector<16xi1>
            tpu.vector_store_idx %arg12[%broadcast_in_dim3A_9, %and3A_349], %gather3A_341 masked %and3A_361 {add = true} : memref<8x2048xf32, #tpu.memory_space<vmem>>[vector<16xi32>, vector<16xi32>], vector<16xf32>, vector<16xi1>
            tpu.vector_store_idx %arg12[%broadcast_in_dim3A_11, %and3A_349], %gather3A_342 masked %and3A_361 {add = true} : memref<8x2048xf32, #tpu.memory_space<vmem>>[vector<16xi32>, vector<16xi32>], vector<16xf32>, vector<16xi1>
            tpu.vector_store_idx %arg12[%broadcast_in_dim3A_13, %and3A_349], %gather3A_343 masked %and3A_361 {add = true} : memref<8x2048xf32, #tpu.memory_space<vmem>>[vector<16xi32>, vector<16xi32>], vector<16xf32>, vector<16xi1>
            tpu.vector_store_idx %arg12[%broadcast_in_dim3A_15, %and3A_349], %gather3A_344 masked %and3A_361 {add = true} : memref<8x2048xf32, #tpu.memory_space<vmem>>[vector<16xi32>, vector<16xi32>], vector<16xf32>, vector<16xi1>
            tpu.vector_store_idx %arg12[%broadcast_in_dim3A_17, %and3A_349], %gather3A_345 masked %and3A_361 {add = true} : memref<8x2048xf32, #tpu.memory_space<vmem>>[vector<16xi32>, vector<16xi32>], vector<16xf32>, vector<16xi1>
            tpu.vector_store_idx %arg12[%broadcast_in_dim3A_19, %and3A_349], %gather3A_346 masked %and3A_361 {add = true} : memref<8x2048xf32, #tpu.memory_space<vmem>>[vector<16xi32>, vector<16xi32>], vector<16xf32>, vector<16xi1>
            tpu.vector_store_idx %arg12[%broadcast_in_dim3A_21, %and3A_349], %gather3A_347 masked %and3A_361 {add = true} : memref<8x2048xf32, #tpu.memory_space<vmem>>[vector<16xi32>, vector<16xi32>], vector<16xf32>, vector<16xi1>
            %jit3A = arith.constant 1 : i32
            %broadcast_in_dim3A_362 = vector.broadcast %jit3A : i32 to vector<16xi32>
            %select_n3A = arith.select %and3A_361, %broadcast_in_dim3A_362, %while3A_354 : vector<16xi1>, vector<16xi32>
            %reduce_sum3A = arith.constant true
            %reduce_sum3A_363 = vector.broadcast %reduce_sum3A : i1 to vector<16xi1>
            %reduce_sum3A_364 = tpu.scan <sum>, %select_n3A masked %reduce_sum3A_363 : vector<16xi32>, vector<16xi1> -> vector<16xi32>
            %reduce_sum3A_365 = vector.extract %reduce_sum3A_364[15] : i32 from vector<16xi32>
            %lt3A_366 = arith.constant 16 : i32
            %lt3A_367 = arith.cmpi slt, %reduce_sum3A_365, %lt3A_366 : i32
            %convert_element_type3A_368 = arith.extui %lt3A_367 : i1 to i32
            %cond3A_369 = arith.constant 0 : i32
            %cond3A_370 = arith.cmpi ne, %convert_element_type3A_368, %cond3A_369 : i32
            %cond3A_371 = scf.if %cond3A_370 -> (i32) {
              %multiple_of3A = tpu.assume_multiple %while3A_353, 1024 : i32
              %shift_right_logical3A = arith.constant 10 : i32
              %shift_right_logical3A_372 = arith.shrui %multiple_of3A, %shift_right_logical3A : i32
              %and3A_373 = arith.constant 1 : i32
              %and3A_374 = arith.andi %shift_right_logical3A_372, %and3A_373 : i32
              %mul3A_375 = arith.constant 1024 : i32
              %mul3A_376 = arith.muli %and3A_374, %mul3A_375 : i32
              "tpu.region"() ({
                %run_scoped3A = tpu.sem_alloc : memref<!tpu.dma_semaphore, #tpu.memory_space<semaphore_mem>>
                %dma_start3A_447 = arith.constant 0 : i32
                %dma_start3A_448 = tpu.memref_slice %arg12[%dma_start3A_447, %mul3A_376] : memref<8x2048xf32, #tpu.memory_space<vmem>> -> memref<8x1024xf32, #tpu.memory_space<vmem>>
                %dma_start3A_449 = tpu.memref_slice %arg6[%mul3A_2, %multiple_of3A] : memref<256x20480xf32, #tpu.memory_space<hbm>> -> memref<8x1024xf32, #tpu.memory_space<hbm>>
                %dma_start3A_450 = tpu.memref_slice %arg6[%mul3A_2, %multiple_of3A] : memref<256x20480xf32, #tpu.memory_space<hbm>> -> memref<8x1024xf32, #tpu.memory_space<hbm>>
                %dma_start3A_451 = arith.constant 0 : i32
                %dma_start3A_452 = tpu.memref_slice %arg12[%dma_start3A_451, %mul3A_376] : memref<8x2048xf32, #tpu.memory_space<vmem>> -> memref<8x1024xf32, #tpu.memory_space<vmem>>
                tpu.enqueue_dma source(%dma_start3A_452 : memref<8x1024xf32, #tpu.memory_space<vmem>>) target(%dma_start3A_450 : memref<8x1024xf32, #tpu.memory_space<hbm>>) target_semaphore(%run_scoped3A : memref<!tpu.dma_semaphore, #tpu.memory_space<semaphore_mem>>)
                %dma_wait3A_453 = arith.constant 0 : i32
                %dma_wait3A_454 = tpu.memref_slice %arg12[%dma_wait3A_453, %mul3A_376] : memref<8x2048xf32, #tpu.memory_space<vmem>> -> memref<8x1024xf32, #tpu.memory_space<vmem>>
                %dma_wait3A_455 = tpu.memref_slice %arg6[%mul3A_2, %multiple_of3A] : memref<256x20480xf32, #tpu.memory_space<hbm>> -> memref<8x1024xf32, #tpu.memory_space<hbm>>
                %dma_wait3A_456 = tpu.memref_slice %arg6[%mul3A_2, %multiple_of3A] : memref<256x20480xf32, #tpu.memory_space<hbm>> -> memref<8x1024xf32, #tpu.memory_space<hbm>>
                %dma_wait3A_457 = arith.constant 0 : i32
                %dma_wait3A_458 = tpu.memref_slice %arg12[%dma_wait3A_457, %mul3A_376] : memref<8x2048xf32, #tpu.memory_space<vmem>> -> memref<8x1024xf32, #tpu.memory_space<vmem>>
                tpu.wait_dma2 semaphore(%run_scoped3A : memref<!tpu.dma_semaphore, #tpu.memory_space<semaphore_mem>>) src(%dma_wait3A_458 : memref<8x1024xf32, #tpu.memory_space<vmem>>) dst(%dma_wait3A_456 : memref<8x1024xf32, #tpu.memory_space<hbm>>)
                tpu.yield
              }) : () -> ()
              %eq3A_377 = arith.constant 0 : i32
              %eq3A_378 = arith.cmpi eq, %add3A, %eq3A_377 : i32
              %convert_element_type3A_379 = arith.extui %eq3A_378 : i1 to i32
              %cond3A_380 = arith.constant 0 : i32
              %cond3A_381 = arith.cmpi ne, %convert_element_type3A_379, %cond3A_380 : i32
              scf.if %cond3A_381 {
                "tpu.region"() ({
                  %run_scoped3A = tpu.sem_alloc : memref<!tpu.dma_semaphore, #tpu.memory_space<semaphore_mem>>
                  %dma_start3A_447 = tpu.memref_slice %arg13[%mul3A_376] : memref<2048xf32, #tpu.memory_space<vmem>> -> memref<1024xf32, #tpu.memory_space<vmem>>
                  %dma_start3A_448 = tpu.memref_slice %arg7[%multiple_of3A] : memref<20480xf32, #tpu.memory_space<hbm>> -> memref<1024xf32, #tpu.memory_space<hbm>>
                  %dma_start3A_449 = tpu.memref_slice %arg7[%multiple_of3A] : memref<20480xf32, #tpu.memory_space<hbm>> -> memref<1024xf32, #tpu.memory_space<hbm>>
                  %dma_start3A_450 = tpu.memref_slice %arg13[%mul3A_376] : memref<2048xf32, #tpu.memory_space<vmem>> -> memref<1024xf32, #tpu.memory_space<vmem>>
                  tpu.enqueue_dma source(%dma_start3A_450 : memref<1024xf32, #tpu.memory_space<vmem>>) target(%dma_start3A_449 : memref<1024xf32, #tpu.memory_space<hbm>>) target_semaphore(%run_scoped3A : memref<!tpu.dma_semaphore, #tpu.memory_space<semaphore_mem>>)
                  %dma_wait3A_451 = tpu.memref_slice %arg13[%mul3A_376] : memref<2048xf32, #tpu.memory_space<vmem>> -> memref<1024xf32, #tpu.memory_space<vmem>>
                  %dma_wait3A_452 = tpu.memref_slice %arg7[%multiple_of3A] : memref<20480xf32, #tpu.memory_space<hbm>> -> memref<1024xf32, #tpu.memory_space<hbm>>
                  %dma_wait3A_453 = tpu.memref_slice %arg7[%multiple_of3A] : memref<20480xf32, #tpu.memory_space<hbm>> -> memref<1024xf32, #tpu.memory_space<hbm>>
                  %dma_wait3A_454 = tpu.memref_slice %arg13[%mul3A_376] : memref<2048xf32, #tpu.memory_space<vmem>> -> memref<1024xf32, #tpu.memory_space<vmem>>
                  tpu.wait_dma2 semaphore(%run_scoped3A : memref<!tpu.dma_semaphore, #tpu.memory_space<semaphore_mem>>) src(%dma_wait3A_454 : memref<1024xf32, #tpu.memory_space<vmem>>) dst(%dma_wait3A_453 : memref<1024xf32, #tpu.memory_space<hbm>>)
                  tpu.yield
                }) : () -> ()
              } else {
              }
              %scan3A_382 = arith.constant 0 : i32
              %scan3A_383 = arith.constant 0 : i32
              %scan3A_384 = arith.constant 64 : i32
              %scan3A_385 = arith.addi %scan3A_383, %scan3A_384 : i32
              %scan3A_386 = arith.constant 1 : i32
              %scan3A_387 = scf.for %scan3A_447 = %scan3A_383 to %scan3A_385 step %scan3A_386 iter_args(%scan3A_448 = %scan3A_382) -> (i32)  : i32 {
                %mul3A_449 = arith.constant 16 : i32
                %mul3A_450 = arith.muli %scan3A_447, %mul3A_449 : i32
                %add3A_451 = arith.addi %mul3A_376, %mul3A_450 : i32
                %swap3A = arith.constant 0 : i32
                %swap3A_452 = arith.index_cast %swap3A : i32 to index
                %swap3A_453 = arith.index_cast %add3A_451 : i32 to index
                %swap3A_454 = tpu.vector_load %arg12[%swap3A_452, %swap3A_453] {strides = array<i32>} : memref<8x2048xf32, #tpu.memory_space<vmem>>, vector<16xf32>,
                tpu.vector_store %arg12[%swap3A_452, %swap3A_453], %broadcast_in_dim3A_3 {strides = array<i32>} : memref<8x2048xf32, #tpu.memory_space<vmem>>, vector<16xf32>,
                %scan3A_455 = arith.constant 0 : i32
                scf.yield %scan3A_455 : i32
              }
              %scan3A_388 = arith.constant 64 : i32
              %scan3A_389 = arith.constant 0 : i32
              %scan3A_390 = arith.constant 0 : i32
              %scan3A_391 = arith.constant 64 : i32
              %scan3A_392 = arith.addi %scan3A_390, %scan3A_391 : i32
              %scan3A_393 = arith.constant 1 : i32
              %scan3A_394 = scf.for %scan3A_447 = %scan3A_390 to %scan3A_392 step %scan3A_393 iter_args(%scan3A_448 = %scan3A_389) -> (i32)  : i32 {
                %mul3A_449 = arith.constant 16 : i32
                %mul3A_450 = arith.muli %scan3A_447, %mul3A_449 : i32
                %add3A_451 = arith.addi %mul3A_376, %mul3A_450 : i32
                %swap3A = arith.constant 1 : i32
                %swap3A_452 = arith.index_cast %swap3A : i32 to index
                %swap3A_453 = arith.index_cast %add3A_451 : i32 to index
                %swap3A_454 = tpu.vector_load %arg12[%swap3A_452, %swap3A_453] {strides = array<i32>} : memref<8x2048xf32, #tpu.memory_space<vmem>>, vector<16xf32>,
                tpu.vector_store %arg12[%swap3A_452, %swap3A_453], %broadcast_in_dim3A_3 {strides = array<i32>} : memref<8x2048xf32, #tpu.memory_space<vmem>>, vector<16xf32>,
                %scan3A_455 = arith.constant 0 : i32
                scf.yield %scan3A_455 : i32
              }
              %scan3A_395 = arith.constant 64 : i32
              %scan3A_396 = arith.constant 0 : i32
              %scan3A_397 = arith.constant 0 : i32
              %scan3A_398 = arith.constant 64 : i32
              %scan3A_399 = arith.addi %scan3A_397, %scan3A_398 : i32
              %scan3A_400 = arith.constant 1 : i32
              %scan3A_401 = scf.for %scan3A_447 = %scan3A_397 to %scan3A_399 step %scan3A_400 iter_args(%scan3A_448 = %scan3A_396) -> (i32)  : i32 {
                %mul3A_449 = arith.constant 16 : i32
                %mul3A_450 = arith.muli %scan3A_447, %mul3A_449 : i32
                %add3A_451 = arith.addi %mul3A_376, %mul3A_450 : i32
                %swap3A = arith.constant 2 : i32
                %swap3A_452 = arith.index_cast %swap3A : i32 to index
                %swap3A_453 = arith.index_cast %add3A_451 : i32 to index
                %swap3A_454 = tpu.vector_load %arg12[%swap3A_452, %swap3A_453] {strides = array<i32>} : memref<8x2048xf32, #tpu.memory_space<vmem>>, vector<16xf32>,
                tpu.vector_store %arg12[%swap3A_452, %swap3A_453], %broadcast_in_dim3A_3 {strides = array<i32>} : memref<8x2048xf32, #tpu.memory_space<vmem>>, vector<16xf32>,
                %scan3A_455 = arith.constant 0 : i32
                scf.yield %scan3A_455 : i32
              }
              %scan3A_402 = arith.constant 64 : i32
              %scan3A_403 = arith.constant 0 : i32
              %scan3A_404 = arith.constant 0 : i32
              %scan3A_405 = arith.constant 64 : i32
              %scan3A_406 = arith.addi %scan3A_404, %scan3A_405 : i32
              %scan3A_407 = arith.constant 1 : i32
              %scan3A_408 = scf.for %scan3A_447 = %scan3A_404 to %scan3A_406 step %scan3A_407 iter_args(%scan3A_448 = %scan3A_403) -> (i32)  : i32 {
                %mul3A_449 = arith.constant 16 : i32
                %mul3A_450 = arith.muli %scan3A_447, %mul3A_449 : i32
                %add3A_451 = arith.addi %mul3A_376, %mul3A_450 : i32
                %swap3A = arith.constant 3 : i32
                %swap3A_452 = arith.index_cast %swap3A : i32 to index
                %swap3A_453 = arith.index_cast %add3A_451 : i32 to index
                %swap3A_454 = tpu.vector_load %arg12[%swap3A_452, %swap3A_453] {strides = array<i32>} : memref<8x2048xf32, #tpu.memory_space<vmem>>, vector<16xf32>,
                tpu.vector_store %arg12[%swap3A_452, %swap3A_453], %broadcast_in_dim3A_3 {strides = array<i32>} : memref<8x2048xf32, #tpu.memory_space<vmem>>, vector<16xf32>,
                %scan3A_455 = arith.constant 0 : i32
                scf.yield %scan3A_455 : i32
              }
              %scan3A_409 = arith.constant 64 : i32
              %scan3A_410 = arith.constant 0 : i32
              %scan3A_411 = arith.constant 0 : i32
              %scan3A_412 = arith.constant 64 : i32
              %scan3A_413 = arith.addi %scan3A_411, %scan3A_412 : i32
              %scan3A_414 = arith.constant 1 : i32
              %scan3A_415 = scf.for %scan3A_447 = %scan3A_411 to %scan3A_413 step %scan3A_414 iter_args(%scan3A_448 = %scan3A_410) -> (i32)  : i32 {
                %mul3A_449 = arith.constant 16 : i32
                %mul3A_450 = arith.muli %scan3A_447, %mul3A_449 : i32
                %add3A_451 = arith.addi %mul3A_376, %mul3A_450 : i32
                %swap3A = arith.constant 4 : i32
                %swap3A_452 = arith.index_cast %swap3A : i32 to index
                %swap3A_453 = arith.index_cast %add3A_451 : i32 to index
                %swap3A_454 = tpu.vector_load %arg12[%swap3A_452, %swap3A_453] {strides = array<i32>} : memref<8x2048xf32, #tpu.memory_space<vmem>>, vector<16xf32>,
                tpu.vector_store %arg12[%swap3A_452, %swap3A_453], %broadcast_in_dim3A_3 {strides = array<i32>} : memref<8x2048xf32, #tpu.memory_space<vmem>>, vector<16xf32>,
                %scan3A_455 = arith.constant 0 : i32
                scf.yield %scan3A_455 : i32
              }
              %scan3A_416 = arith.constant 64 : i32
              %scan3A_417 = arith.constant 0 : i32
              %scan3A_418 = arith.constant 0 : i32
              %scan3A_419 = arith.constant 64 : i32
              %scan3A_420 = arith.addi %scan3A_418, %scan3A_419 : i32
              %scan3A_421 = arith.constant 1 : i32
              %scan3A_422 = scf.for %scan3A_447 = %scan3A_418 to %scan3A_420 step %scan3A_421 iter_args(%scan3A_448 = %scan3A_417) -> (i32)  : i32 {
                %mul3A_449 = arith.constant 16 : i32
                %mul3A_450 = arith.muli %scan3A_447, %mul3A_449 : i32
                %add3A_451 = arith.addi %mul3A_376, %mul3A_450 : i32
                %swap3A = arith.constant 5 : i32
                %swap3A_452 = arith.index_cast %swap3A : i32 to index
                %swap3A_453 = arith.index_cast %add3A_451 : i32 to index
                %swap3A_454 = tpu.vector_load %arg12[%swap3A_452, %swap3A_453] {strides = array<i32>} : memref<8x2048xf32, #tpu.memory_space<vmem>>, vector<16xf32>,
                tpu.vector_store %arg12[%swap3A_452, %swap3A_453], %broadcast_in_dim3A_3 {strides = array<i32>} : memref<8x2048xf32, #tpu.memory_space<vmem>>, vector<16xf32>,
                %scan3A_455 = arith.constant 0 : i32
                scf.yield %scan3A_455 : i32
              }
              %scan3A_423 = arith.constant 64 : i32
              %scan3A_424 = arith.constant 0 : i32
              %scan3A_425 = arith.constant 0 : i32
              %scan3A_426 = arith.constant 64 : i32
              %scan3A_427 = arith.addi %scan3A_425, %scan3A_426 : i32
              %scan3A_428 = arith.constant 1 : i32
              %scan3A_429 = scf.for %scan3A_447 = %scan3A_425 to %scan3A_427 step %scan3A_428 iter_args(%scan3A_448 = %scan3A_424) -> (i32)  : i32 {
                %mul3A_449 = arith.constant 16 : i32
                %mul3A_450 = arith.muli %scan3A_447, %mul3A_449 : i32
                %add3A_451 = arith.addi %mul3A_376, %mul3A_450 : i32
                %swap3A = arith.constant 6 : i32
                %swap3A_452 = arith.index_cast %swap3A : i32 to index
                %swap3A_453 = arith.index_cast %add3A_451 : i32 to index
                %swap3A_454 = tpu.vector_load %arg12[%swap3A_452, %swap3A_453] {strides = array<i32>} : memref<8x2048xf32, #tpu.memory_space<vmem>>, vector<16xf32>,
                tpu.vector_store %arg12[%swap3A_452, %swap3A_453], %broadcast_in_dim3A_3 {strides = array<i32>} : memref<8x2048xf32, #tpu.memory_space<vmem>>, vector<16xf32>,
                %scan3A_455 = arith.constant 0 : i32
                scf.yield %scan3A_455 : i32
              }
              %scan3A_430 = arith.constant 64 : i32
              %scan3A_431 = arith.constant 0 : i32
              %scan3A_432 = arith.constant 0 : i32
              %scan3A_433 = arith.constant 64 : i32
              %scan3A_434 = arith.addi %scan3A_432, %scan3A_433 : i32
              %scan3A_435 = arith.constant 1 : i32
              %scan3A_436 = scf.for %scan3A_447 = %scan3A_432 to %scan3A_434 step %scan3A_435 iter_args(%scan3A_448 = %scan3A_431) -> (i32)  : i32 {
                %mul3A_449 = arith.constant 16 : i32
                %mul3A_450 = arith.muli %scan3A_447, %mul3A_449 : i32
                %add3A_451 = arith.addi %mul3A_376, %mul3A_450 : i32
                %swap3A = arith.constant 7 : i32
                %swap3A_452 = arith.index_cast %swap3A : i32 to index
                %swap3A_453 = arith.index_cast %add3A_451 : i32 to index
                %swap3A_454 = tpu.vector_load %arg12[%swap3A_452, %swap3A_453] {strides = array<i32>} : memref<8x2048xf32, #tpu.memory_space<vmem>>, vector<16xf32>,
                tpu.vector_store %arg12[%swap3A_452, %swap3A_453], %broadcast_in_dim3A_3 {strides = array<i32>} : memref<8x2048xf32, #tpu.memory_space<vmem>>, vector<16xf32>,
                %scan3A_455 = arith.constant 0 : i32
                scf.yield %scan3A_455 : i32
              }
              %scan3A_437 = arith.constant 64 : i32
              %scan3A_438 = arith.constant 0 : i32
              %scan3A_439 = arith.constant 0 : i32
              %scan3A_440 = arith.constant 64 : i32
              %scan3A_441 = arith.addi %scan3A_439, %scan3A_440 : i32
              %scan3A_442 = arith.constant 1 : i32
              %scan3A_443 = scf.for %scan3A_447 = %scan3A_439 to %scan3A_441 step %scan3A_442 iter_args(%scan3A_448 = %scan3A_438) -> (i32)  : i32 {
                %mul3A_449 = arith.constant 16 : i32
                %mul3A_450 = arith.muli %scan3A_447, %mul3A_449 : i32
                %add3A_451 = arith.addi %mul3A_376, %mul3A_450 : i32
                %swap3A = arith.index_cast %add3A_451 : i32 to index
                %swap3A_452 = tpu.vector_load %arg13[%swap3A] {strides = array<i32>} : memref<2048xf32, #tpu.memory_space<vmem>>, vector<16xf32>,
                tpu.vector_store %arg13[%swap3A], %broadcast_in_dim3A_3 {strides = array<i32>} : memref<2048xf32, #tpu.memory_space<vmem>>, vector<16xf32>,
                %scan3A_453 = arith.constant 0 : i32
                scf.yield %scan3A_453 : i32
              }
              %scan3A_444 = arith.constant 64 : i32
              %add3A_445 = arith.constant 1024 : i32
              %add3A_446 = arith.addi %multiple_of3A, %add3A_445 : i32
              scf.yield %add3A_446 : i32
            } else {
              scf.yield %while3A_353 : i32
            }
            scf.yield %cond3A_371, %select_n3A : i32, vector<16xi32>
          }
          scf.yield %while3A_352#0 : i32
        }
        %scan3A_327 = arith.constant 200 : i32
        scf.yield %scan3A_326 : i32
      }
      %add3A_315 = arith.constant 2 : i32
      %add3A_316 = arith.addi %add3A_260, %add3A_315 : i32
      %lt3A_317 = arith.constant 50 : i32
      %lt3A_318 = arith.cmpi slt, %add3A_316, %lt3A_317 : i32
      %convert_element_type3A_319 = arith.extui %lt3A_318 : i1 to i32
      %cond3A_320 = arith.constant 0 : i32
      %cond3A_321 = arith.cmpi ne, %convert_element_type3A_319, %cond3A_320 : i32
      scf.if %cond3A_321 {
        %add3A_322 = arith.constant 2 : i32
        %add3A_323 = arith.addi %add3A_260, %add3A_322 : i32
        %mul3A_324 = arith.constant 3200 : i32
        %mul3A_325 = arith.muli %add3A_323, %mul3A_324 : i32
        %dma_start3A_326 = arith.constant 1 : i32
        %dma_start3A_327 = arith.constant 0 : i32
        %dma_start3A_328 = tpu.memref_slice %arg10[%dma_start3A_326, %dma_start3A_327] : memref<2x3200xi32, #tpu.memory_space<vmem>> -> memref<1x3200xi32, #tpu.memory_space<vmem>>
        %dma_start3A_329 = tpu.memref_squeeze %dma_start3A_328 : memref<1x3200xi32, #tpu.memory_space<vmem>> -> memref<3200xi32, #tpu.memory_space<vmem>>
        %dma_start3A_330 = tpu.memref_slice %arg4[%mul3A_325] : memref<160000xi32, #tpu.memory_space<hbm>> -> memref<3200xi32, #tpu.memory_space<hbm>>
        %dma_start3A_331 = arith.constant 0 : i32
        %dma_start3A_332 = tpu.memref_slice %arg10[%dma_start3A_326, %dma_start3A_331] : memref<2x3200xi32, #tpu.memory_space<vmem>> -> memref<1x3200xi32, #tpu.memory_space<vmem>>
        %dma_start3A_333 = tpu.memref_squeeze %dma_start3A_332 : memref<1x3200xi32, #tpu.memory_space<vmem>> -> memref<3200xi32, #tpu.memory_space<vmem>>
        %dma_start3A_334 = tpu.memref_slice %arg4[%mul3A_325] : memref<160000xi32, #tpu.memory_space<hbm>> -> memref<3200xi32, #tpu.memory_space<hbm>>
        tpu.enqueue_dma source(%dma_start3A_334 : memref<3200xi32, #tpu.memory_space<hbm>>) target(%dma_start3A_333 : memref<3200xi32, #tpu.memory_space<vmem>>) target_semaphore(%arg15 : memref<!tpu.dma_semaphore, #tpu.memory_space<semaphore_mem>>)
        %add3A_335 = arith.constant 2 : i32
        %add3A_336 = arith.addi %add3A_260, %add3A_335 : i32
        %mul3A_337 = arith.constant 3200 : i32
        %mul3A_338 = arith.muli %add3A_336, %mul3A_337 : i32
        %dma_start3A_339 = arith.constant 1 : i32
        %dma_start3A_340 = arith.constant 0 : i32
        %dma_start3A_341 = tpu.memref_slice %arg11[%dma_start3A_339, %dma_start3A_340] : memref<2x3200xi32, #tpu.memory_space<vmem>> -> memref<1x3200xi32, #tpu.memory_space<vmem>>
        %dma_start3A_342 = tpu.memref_squeeze %dma_start3A_341 : memref<1x3200xi32, #tpu.memory_space<vmem>> -> memref<3200xi32, #tpu.memory_space<vmem>>
        %dma_start3A_343 = tpu.memref_slice %arg5[%mul3A_338] : memref<160000xi32, #tpu.memory_space<hbm>> -> memref<3200xi32, #tpu.memory_space<hbm>>
        %dma_start3A_344 = arith.constant 0 : i32
        %dma_start3A_345 = tpu.memref_slice %arg11[%dma_start3A_339, %dma_start3A_344] : memref<2x3200xi32, #tpu.memory_space<vmem>> -> memref<1x3200xi32, #tpu.memory_space<vmem>>
        %dma_start3A_346 = tpu.memref_squeeze %dma_start3A_345 : memref<1x3200xi32, #tpu.memory_space<vmem>> -> memref<3200xi32, #tpu.memory_space<vmem>>
        %dma_start3A_347 = tpu.memref_slice %arg5[%mul3A_338] : memref<160000xi32, #tpu.memory_space<hbm>> -> memref<3200xi32, #tpu.memory_space<hbm>>
        tpu.enqueue_dma source(%dma_start3A_347 : memref<3200xi32, #tpu.memory_space<hbm>>) target(%dma_start3A_346 : memref<3200xi32, #tpu.memory_space<vmem>>) target_semaphore(%arg17 : memref<!tpu.dma_semaphore, #tpu.memory_space<semaphore_mem>>)
      } else {
      }
      scf.yield %cond3A_314 : i32
    }
    %scan3A_196 = arith.constant 25 : i32
    %while3A = scf.while (%while3A_197 = %scan3A_195) : (i32) -> i32 {
      %lt3A = arith.constant 20480 : i32
      %lt3A_198 = arith.cmpi slt, %while3A_197, %lt3A : i32
      scf.condition(%lt3A_198) %while3A_197 : i32
    } do {
    ^bb0(%while3A_197: i32):
      %multiple_of3A = tpu.assume_multiple %while3A_197, 1024 : i32
      %shift_right_logical3A = arith.constant 10 : i32
      %shift_right_logical3A_198 = arith.shrui %multiple_of3A, %shift_right_logical3A : i32
      %and3A = arith.constant 1 : i32
      %and3A_199 = arith.andi %shift_right_logical3A_198, %and3A : i32
      %mul3A_200 = arith.constant 1024 : i32
      %mul3A_201 = arith.muli %and3A_199, %mul3A_200 : i32
      "tpu.region"() ({
        %run_scoped3A = tpu.sem_alloc : memref<!tpu.dma_semaphore, #tpu.memory_space<semaphore_mem>>
        %dma_start3A_269 = arith.constant 0 : i32
        %dma_start3A_270 = tpu.memref_slice %arg12[%dma_start3A_269, %mul3A_201] : memref<8x2048xf32, #tpu.memory_space<vmem>> -> memref<8x1024xf32, #tpu.memory_space<vmem>>
        %dma_start3A_271 = tpu.memref_slice %arg6[%mul3A_2, %multiple_of3A] : memref<256x20480xf32, #tpu.memory_space<hbm>> -> memref<8x1024xf32, #tpu.memory_space<hbm>>
        %dma_start3A_272 = tpu.memref_slice %arg6[%mul3A_2, %multiple_of3A] : memref<256x20480xf32, #tpu.memory_space<hbm>> -> memref<8x1024xf32, #tpu.memory_space<hbm>>
        %dma_start3A_273 = arith.constant 0 : i32
        %dma_start3A_274 = tpu.memref_slice %arg12[%dma_start3A_273, %mul3A_201] : memref<8x2048xf32, #tpu.memory_space<vmem>> -> memref<8x1024xf32, #tpu.memory_space<vmem>>
        tpu.enqueue_dma source(%dma_start3A_274 : memref<8x1024xf32, #tpu.memory_space<vmem>>) target(%dma_start3A_272 : memref<8x1024xf32, #tpu.memory_space<hbm>>) target_semaphore(%run_scoped3A : memref<!tpu.dma_semaphore, #tpu.memory_space<semaphore_mem>>)
        %dma_wait3A = arith.constant 0 : i32
        %dma_wait3A_275 = tpu.memref_slice %arg12[%dma_wait3A, %mul3A_201] : memref<8x2048xf32, #tpu.memory_space<vmem>> -> memref<8x1024xf32, #tpu.memory_space<vmem>>
        %dma_wait3A_276 = tpu.memref_slice %arg6[%mul3A_2, %multiple_of3A] : memref<256x20480xf32, #tpu.memory_space<hbm>> -> memref<8x1024xf32, #tpu.memory_space<hbm>>
        %dma_wait3A_277 = tpu.memref_slice %arg6[%mul3A_2, %multiple_of3A] : memref<256x20480xf32, #tpu.memory_space<hbm>> -> memref<8x1024xf32, #tpu.memory_space<hbm>>
        %dma_wait3A_278 = arith.constant 0 : i32
        %dma_wait3A_279 = tpu.memref_slice %arg12[%dma_wait3A_278, %mul3A_201] : memref<8x2048xf32, #tpu.memory_space<vmem>> -> memref<8x1024xf32, #tpu.memory_space<vmem>>
        tpu.wait_dma2 semaphore(%run_scoped3A : memref<!tpu.dma_semaphore, #tpu.memory_space<semaphore_mem>>) src(%dma_wait3A_279 : memref<8x1024xf32, #tpu.memory_space<vmem>>) dst(%dma_wait3A_277 : memref<8x1024xf32, #tpu.memory_space<hbm>>)
        tpu.yield
      }) : () -> ()
      %eq3A = arith.constant 0 : i32
      %eq3A_202 = arith.cmpi eq, %add3A, %eq3A : i32
      %convert_element_type3A = arith.extui %eq3A_202 : i1 to i32
      %cond3A = arith.constant 0 : i32
      %cond3A_203 = arith.cmpi ne, %convert_element_type3A, %cond3A : i32
      scf.if %cond3A_203 {
        "tpu.region"() ({
          %run_scoped3A = tpu.sem_alloc : memref<!tpu.dma_semaphore, #tpu.memory_space<semaphore_mem>>
          %dma_start3A_269 = tpu.memref_slice %arg13[%mul3A_201] : memref<2048xf32, #tpu.memory_space<vmem>> -> memref<1024xf32, #tpu.memory_space<vmem>>
          %dma_start3A_270 = tpu.memref_slice %arg7[%multiple_of3A] : memref<20480xf32, #tpu.memory_space<hbm>> -> memref<1024xf32, #tpu.memory_space<hbm>>
          %dma_start3A_271 = tpu.memref_slice %arg7[%multiple_of3A] : memref<20480xf32, #tpu.memory_space<hbm>> -> memref<1024xf32, #tpu.memory_space<hbm>>
          %dma_start3A_272 = tpu.memref_slice %arg13[%mul3A_201] : memref<2048xf32, #tpu.memory_space<vmem>> -> memref<1024xf32, #tpu.memory_space<vmem>>
          tpu.enqueue_dma source(%dma_start3A_272 : memref<1024xf32, #tpu.memory_space<vmem>>) target(%dma_start3A_271 : memref<1024xf32, #tpu.memory_space<hbm>>) target_semaphore(%run_scoped3A : memref<!tpu.dma_semaphore, #tpu.memory_space<semaphore_mem>>)
          %dma_wait3A = tpu.memref_slice %arg13[%mul3A_201] : memref<2048xf32, #tpu.memory_space<vmem>> -> memref<1024xf32, #tpu.memory_space<vmem>>
          %dma_wait3A_273 = tpu.memref_slice %arg7[%multiple_of3A] : memref<20480xf32, #tpu.memory_space<hbm>> -> memref<1024xf32, #tpu.memory_space<hbm>>
          %dma_wait3A_274 = tpu.memref_slice %arg7[%multiple_of3A] : memref<20480xf32, #tpu.memory_space<hbm>> -> memref<1024xf32, #tpu.memory_space<hbm>>
          %dma_wait3A_275 = tpu.memref_slice %arg13[%mul3A_201] : memref<2048xf32, #tpu.memory_space<vmem>> -> memref<1024xf32, #tpu.memory_space<vmem>>
          tpu.wait_dma2 semaphore(%run_scoped3A : memref<!tpu.dma_semaphore, #tpu.memory_space<semaphore_mem>>) src(%dma_wait3A_275 : memref<1024xf32, #tpu.memory_space<vmem>>) dst(%dma_wait3A_274 : memref<1024xf32, #tpu.memory_space<hbm>>)
          tpu.yield
        }) : () -> ()
      } else {
      }
      %scan3A_204 = arith.constant 0 : i32
      %scan3A_205 = arith.constant 0 : i32
      %scan3A_206 = arith.constant 64 : i32
      %scan3A_207 = arith.addi %scan3A_205, %scan3A_206 : i32
      %scan3A_208 = arith.constant 1 : i32
      %scan3A_209 = scf.for %scan3A_269 = %scan3A_205 to %scan3A_207 step %scan3A_208 iter_args(%scan3A_270 = %scan3A_204) -> (i32)  : i32 {
        %mul3A_271 = arith.constant 16 : i32
        %mul3A_272 = arith.muli %scan3A_269, %mul3A_271 : i32
        %add3A_273 = arith.addi %mul3A_201, %mul3A_272 : i32
        %swap3A = arith.constant 0 : i32
        %swap3A_274 = arith.index_cast %swap3A : i32 to index
        %swap3A_275 = arith.index_cast %add3A_273 : i32 to index
        %swap3A_276 = tpu.vector_load %arg12[%swap3A_274, %swap3A_275] {strides = array<i32>} : memref<8x2048xf32, #tpu.memory_space<vmem>>, vector<16xf32>,
        tpu.vector_store %arg12[%swap3A_274, %swap3A_275], %broadcast_in_dim3A_3 {strides = array<i32>} : memref<8x2048xf32, #tpu.memory_space<vmem>>, vector<16xf32>,
        %scan3A_277 = arith.constant 0 : i32
        scf.yield %scan3A_277 : i32
      }
      %scan3A_210 = arith.constant 64 : i32
      %scan3A_211 = arith.constant 0 : i32
      %scan3A_212 = arith.constant 0 : i32
      %scan3A_213 = arith.constant 64 : i32
      %scan3A_214 = arith.addi %scan3A_212, %scan3A_213 : i32
      %scan3A_215 = arith.constant 1 : i32
      %scan3A_216 = scf.for %scan3A_269 = %scan3A_212 to %scan3A_214 step %scan3A_215 iter_args(%scan3A_270 = %scan3A_211) -> (i32)  : i32 {
        %mul3A_271 = arith.constant 16 : i32
        %mul3A_272 = arith.muli %scan3A_269, %mul3A_271 : i32
        %add3A_273 = arith.addi %mul3A_201, %mul3A_272 : i32
        %swap3A = arith.constant 1 : i32
        %swap3A_274 = arith.index_cast %swap3A : i32 to index
        %swap3A_275 = arith.index_cast %add3A_273 : i32 to index
        %swap3A_276 = tpu.vector_load %arg12[%swap3A_274, %swap3A_275] {strides = array<i32>} : memref<8x2048xf32, #tpu.memory_space<vmem>>, vector<16xf32>,
        tpu.vector_store %arg12[%swap3A_274, %swap3A_275], %broadcast_in_dim3A_3 {strides = array<i32>} : memref<8x2048xf32, #tpu.memory_space<vmem>>, vector<16xf32>,
        %scan3A_277 = arith.constant 0 : i32
        scf.yield %scan3A_277 : i32
      }
      %scan3A_217 = arith.constant 64 : i32
      %scan3A_218 = arith.constant 0 : i32
      %scan3A_219 = arith.constant 0 : i32
      %scan3A_220 = arith.constant 64 : i32
      %scan3A_221 = arith.addi %scan3A_219, %scan3A_220 : i32
      %scan3A_222 = arith.constant 1 : i32
      %scan3A_223 = scf.for %scan3A_269 = %scan3A_219 to %scan3A_221 step %scan3A_222 iter_args(%scan3A_270 = %scan3A_218) -> (i32)  : i32 {
        %mul3A_271 = arith.constant 16 : i32
        %mul3A_272 = arith.muli %scan3A_269, %mul3A_271 : i32
        %add3A_273 = arith.addi %mul3A_201, %mul3A_272 : i32
        %swap3A = arith.constant 2 : i32
        %swap3A_274 = arith.index_cast %swap3A : i32 to index
        %swap3A_275 = arith.index_cast %add3A_273 : i32 to index
        %swap3A_276 = tpu.vector_load %arg12[%swap3A_274, %swap3A_275] {strides = array<i32>} : memref<8x2048xf32, #tpu.memory_space<vmem>>, vector<16xf32>,
        tpu.vector_store %arg12[%swap3A_274, %swap3A_275], %broadcast_in_dim3A_3 {strides = array<i32>} : memref<8x2048xf32, #tpu.memory_space<vmem>>, vector<16xf32>,
        %scan3A_277 = arith.constant 0 : i32
        scf.yield %scan3A_277 : i32
      }
      %scan3A_224 = arith.constant 64 : i32
      %scan3A_225 = arith.constant 0 : i32
      %scan3A_226 = arith.constant 0 : i32
      %scan3A_227 = arith.constant 64 : i32
      %scan3A_228 = arith.addi %scan3A_226, %scan3A_227 : i32
      %scan3A_229 = arith.constant 1 : i32
      %scan3A_230 = scf.for %scan3A_269 = %scan3A_226 to %scan3A_228 step %scan3A_229 iter_args(%scan3A_270 = %scan3A_225) -> (i32)  : i32 {
        %mul3A_271 = arith.constant 16 : i32
        %mul3A_272 = arith.muli %scan3A_269, %mul3A_271 : i32
        %add3A_273 = arith.addi %mul3A_201, %mul3A_272 : i32
        %swap3A = arith.constant 3 : i32
        %swap3A_274 = arith.index_cast %swap3A : i32 to index
        %swap3A_275 = arith.index_cast %add3A_273 : i32 to index
        %swap3A_276 = tpu.vector_load %arg12[%swap3A_274, %swap3A_275] {strides = array<i32>} : memref<8x2048xf32, #tpu.memory_space<vmem>>, vector<16xf32>,
        tpu.vector_store %arg12[%swap3A_274, %swap3A_275], %broadcast_in_dim3A_3 {strides = array<i32>} : memref<8x2048xf32, #tpu.memory_space<vmem>>, vector<16xf32>,
        %scan3A_277 = arith.constant 0 : i32
        scf.yield %scan3A_277 : i32
      }
      %scan3A_231 = arith.constant 64 : i32
      %scan3A_232 = arith.constant 0 : i32
      %scan3A_233 = arith.constant 0 : i32
      %scan3A_234 = arith.constant 64 : i32
      %scan3A_235 = arith.addi %scan3A_233, %scan3A_234 : i32
      %scan3A_236 = arith.constant 1 : i32
      %scan3A_237 = scf.for %scan3A_269 = %scan3A_233 to %scan3A_235 step %scan3A_236 iter_args(%scan3A_270 = %scan3A_232) -> (i32)  : i32 {
        %mul3A_271 = arith.constant 16 : i32
        %mul3A_272 = arith.muli %scan3A_269, %mul3A_271 : i32
        %add3A_273 = arith.addi %mul3A_201, %mul3A_272 : i32
        %swap3A = arith.constant 4 : i32
        %swap3A_274 = arith.index_cast %swap3A : i32 to index
        %swap3A_275 = arith.index_cast %add3A_273 : i32 to index
        %swap3A_276 = tpu.vector_load %arg12[%swap3A_274, %swap3A_275] {strides = array<i32>} : memref<8x2048xf32, #tpu.memory_space<vmem>>, vector<16xf32>,
        tpu.vector_store %arg12[%swap3A_274, %swap3A_275], %broadcast_in_dim3A_3 {strides = array<i32>} : memref<8x2048xf32, #tpu.memory_space<vmem>>, vector<16xf32>,
        %scan3A_277 = arith.constant 0 : i32
        scf.yield %scan3A_277 : i32
      }
      %scan3A_238 = arith.constant 64 : i32
      %scan3A_239 = arith.constant 0 : i32
      %scan3A_240 = arith.constant 0 : i32
      %scan3A_241 = arith.constant 64 : i32
      %scan3A_242 = arith.addi %scan3A_240, %scan3A_241 : i32
      %scan3A_243 = arith.constant 1 : i32
      %scan3A_244 = scf.for %scan3A_269 = %scan3A_240 to %scan3A_242 step %scan3A_243 iter_args(%scan3A_270 = %scan3A_239) -> (i32)  : i32 {
        %mul3A_271 = arith.constant 16 : i32
        %mul3A_272 = arith.muli %scan3A_269, %mul3A_271 : i32
        %add3A_273 = arith.addi %mul3A_201, %mul3A_272 : i32
        %swap3A = arith.constant 5 : i32
        %swap3A_274 = arith.index_cast %swap3A : i32 to index
        %swap3A_275 = arith.index_cast %add3A_273 : i32 to index
        %swap3A_276 = tpu.vector_load %arg12[%swap3A_274, %swap3A_275] {strides = array<i32>} : memref<8x2048xf32, #tpu.memory_space<vmem>>, vector<16xf32>,
        tpu.vector_store %arg12[%swap3A_274, %swap3A_275], %broadcast_in_dim3A_3 {strides = array<i32>} : memref<8x2048xf32, #tpu.memory_space<vmem>>, vector<16xf32>,
        %scan3A_277 = arith.constant 0 : i32
        scf.yield %scan3A_277 : i32
      }
      %scan3A_245 = arith.constant 64 : i32
      %scan3A_246 = arith.constant 0 : i32
      %scan3A_247 = arith.constant 0 : i32
      %scan3A_248 = arith.constant 64 : i32
      %scan3A_249 = arith.addi %scan3A_247, %scan3A_248 : i32
      %scan3A_250 = arith.constant 1 : i32
      %scan3A_251 = scf.for %scan3A_269 = %scan3A_247 to %scan3A_249 step %scan3A_250 iter_args(%scan3A_270 = %scan3A_246) -> (i32)  : i32 {
        %mul3A_271 = arith.constant 16 : i32
        %mul3A_272 = arith.muli %scan3A_269, %mul3A_271 : i32
        %add3A_273 = arith.addi %mul3A_201, %mul3A_272 : i32
        %swap3A = arith.constant 6 : i32
        %swap3A_274 = arith.index_cast %swap3A : i32 to index
        %swap3A_275 = arith.index_cast %add3A_273 : i32 to index
        %swap3A_276 = tpu.vector_load %arg12[%swap3A_274, %swap3A_275] {strides = array<i32>} : memref<8x2048xf32, #tpu.memory_space<vmem>>, vector<16xf32>,
        tpu.vector_store %arg12[%swap3A_274, %swap3A_275], %broadcast_in_dim3A_3 {strides = array<i32>} : memref<8x2048xf32, #tpu.memory_space<vmem>>, vector<16xf32>,
        %scan3A_277 = arith.constant 0 : i32
        scf.yield %scan3A_277 : i32
      }
      %scan3A_252 = arith.constant 64 : i32
      %scan3A_253 = arith.constant 0 : i32
      %scan3A_254 = arith.constant 0 : i32
      %scan3A_255 = arith.constant 64 : i32
      %scan3A_256 = arith.addi %scan3A_254, %scan3A_255 : i32
      %scan3A_257 = arith.constant 1 : i32
      %scan3A_258 = scf.for %scan3A_269 = %scan3A_254 to %scan3A_256 step %scan3A_257 iter_args(%scan3A_270 = %scan3A_253) -> (i32)  : i32 {
        %mul3A_271 = arith.constant 16 : i32
        %mul3A_272 = arith.muli %scan3A_269, %mul3A_271 : i32
        %add3A_273 = arith.addi %mul3A_201, %mul3A_272 : i32
        %swap3A = arith.constant 7 : i32
        %swap3A_274 = arith.index_cast %swap3A : i32 to index
        %swap3A_275 = arith.index_cast %add3A_273 : i32 to index
        %swap3A_276 = tpu.vector_load %arg12[%swap3A_274, %swap3A_275] {strides = array<i32>} : memref<8x2048xf32, #tpu.memory_space<vmem>>, vector<16xf32>,
        tpu.vector_store %arg12[%swap3A_274, %swap3A_275], %broadcast_in_dim3A_3 {strides = array<i32>} : memref<8x2048xf32, #tpu.memory_space<vmem>>, vector<16xf32>,
        %scan3A_277 = arith.constant 0 : i32
        scf.yield %scan3A_277 : i32
      }
      %scan3A_259 = arith.constant 64 : i32
      %scan3A_260 = arith.constant 0 : i32
      %scan3A_261 = arith.constant 0 : i32
      %scan3A_262 = arith.constant 64 : i32
      %scan3A_263 = arith.addi %scan3A_261, %scan3A_262 : i32
      %scan3A_264 = arith.constant 1 : i32
      %scan3A_265 = scf.for %scan3A_269 = %scan3A_261 to %scan3A_263 step %scan3A_264 iter_args(%scan3A_270 = %scan3A_260) -> (i32)  : i32 {
        %mul3A_271 = arith.constant 16 : i32
        %mul3A_272 = arith.muli %scan3A_269, %mul3A_271 : i32
        %add3A_273 = arith.addi %mul3A_201, %mul3A_272 : i32
        %swap3A = arith.index_cast %add3A_273 : i32 to index
        %swap3A_274 = tpu.vector_load %arg13[%swap3A] {strides = array<i32>} : memref<2048xf32, #tpu.memory_space<vmem>>, vector<16xf32>,
        tpu.vector_store %arg13[%swap3A], %broadcast_in_dim3A_3 {strides = array<i32>} : memref<2048xf32, #tpu.memory_space<vmem>>, vector<16xf32>,
        %scan3A_275 = arith.constant 0 : i32
        scf.yield %scan3A_275 : i32
      }
      %scan3A_266 = arith.constant 64 : i32
      %add3A_267 = arith.constant 1024 : i32
      %add3A_268 = arith.addi %multiple_of3A, %add3A_267 : i32
      scf.yield %add3A_268 : i32
    }
    return
  }
}

module attributes {stable_mosaic.version = 14 : i64} {
  func.func @_prep_body(%arg0: i32, %arg1: memref<1280x256xf32, #tpu.memory_space<vmem>>, %arg2: memref<256x128xf32, #tpu.memory_space<vmem>>, %arg3: memref<128x1xf32, #tpu.memory_space<vmem>>, %arg4: memref<128x1xf32, #tpu.memory_space<vmem>>, %arg5: memref<1x1xf32, #tpu.memory_space<vmem>>, %arg6: memref<256x256xf32, #tpu.memory_space<vmem>>, %arg7: memref<256x1xf32, #tpu.memory_space<vmem>>, %arg8: memref<256x1280xf32, #tpu.memory_space<vmem>>, %arg9: memref<1x1280xf32, #tpu.memory_space<vmem>>) attributes {dimension_semantics = [#tpu.dimension_semantics<arbitrary>], iteration_bounds = array<i64: 8>, scalar_prefetch = 0 : i64, scratch_operands = 0 : i64, tpu.core_type = #tpu.core_type<tc>, window_params = [{transform_indices = @transform_0, window_bounds = array<i64: 1280, 256>}, {pipeline_mode = #tpu.pipeline_mode<synchronous>, transform_indices = @transform_1, window_bounds = array<i64: 256, 128>}, {pipeline_mode = #tpu.pipeline_mode<synchronous>, transform_indices = @transform_2, window_bounds = array<i64: 128, 1>}, {pipeline_mode = #tpu.pipeline_mode<synchronous>, transform_indices = @transform_3, window_bounds = array<i64: 128, 1>}, {pipeline_mode = #tpu.pipeline_mode<synchronous>, transform_indices = @transform_4, window_bounds = array<i64: 1, 1>}, {pipeline_mode = #tpu.pipeline_mode<synchronous>, transform_indices = @transform_5, window_bounds = array<i64: 256, 256>}, {pipeline_mode = #tpu.pipeline_mode<synchronous>, transform_indices = @transform_6, window_bounds = array<i64: 256, 1>}, {transform_indices = @transform_7, window_bounds = array<i64: 256, 1280>}, {transform_indices = @transform_8, window_bounds = array<i64: 1, 1280>}]} {
    %get3A = arith.constant 0 : index
    %get3A_0 = arith.constant 0 : index
    %get3A_1 = vector.load %arg1[%get3A, %get3A_0] : memref<1280x256xf32, #tpu.memory_space<vmem>>, vector<1280x256xf32>
    %get3A_2 = arith.constant 0 : index
    %get3A_3 = arith.constant 0 : index
    %get3A_4 = vector.load %arg2[%get3A_2, %get3A_3] : memref<256x128xf32, #tpu.memory_space<vmem>>, vector<256x128xf32>
    %dot_general3A = arith.constant dense<0.000000e+00> : vector<128x1280xf32>
    %dot_general3A_5 = tpu.matmul %get3A_4, %get3A_1, %dot_general3A {dimension_numbers = #tpu.dot_dimension_numbers<[0], [1], [1], [0], [0, 1, 1, 0], [], []>, precision = #tpu.contract_precision<fp32>, transpose_lhs_hint = false} : vector<256x128xf32>, vector<1280x256xf32>, vector<128x1280xf32> -> vector<128x1280xf32>
    %get3A_6 = arith.constant 0 : index
    %get3A_7 = arith.constant 0 : index
    %get3A_8 = vector.load %arg3[%get3A_6, %get3A_7] : memref<128x1xf32, #tpu.memory_space<vmem>>, vector<128x1xf32>
    %add3A = vector.broadcast %get3A_8 : vector<128x1xf32> to vector<128x1280xf32>
    %add3A_9 = arith.addf %dot_general3A_5, %add3A : vector<128x1280xf32>
    %max3A = arith.constant 0.000000e+00 : f32
    %max3A_10 = vector.broadcast %max3A : f32 to vector<128x1280xf32>
    %max3A_11 = arith.maximumf %add3A_9, %max3A_10 : vector<128x1280xf32>
    %get3A_12 = arith.constant 0 : index
    %get3A_13 = arith.constant 0 : index
    %get3A_14 = vector.load %arg4[%get3A_12, %get3A_13] : memref<128x1xf32, #tpu.memory_space<vmem>>, vector<128x1xf32>
    %dot_general3A_15 = arith.constant dense<0.000000e+00> : vector<1x1280xf32>
    %dot_general3A_16 = tpu.matmul %get3A_14, %max3A_11, %dot_general3A_15 {dimension_numbers = #tpu.dot_dimension_numbers<[0], [0], [1], [1], [0, 1, 1, 1], [], []>, precision = #tpu.contract_precision<fp32>, transpose_lhs_hint = false} : vector<128x1xf32>, vector<128x1280xf32>, vector<1x1280xf32> -> vector<1x1280xf32>
    %get3A_17 = arith.constant 0 : index
    %get3A_18 = arith.constant 0 : index
    %get3A_19 = vector.load %arg5[%get3A_17, %get3A_18] : memref<1x1xf32, #tpu.memory_space<vmem>>, vector<1x1xf32>
    %add3A_20 = vector.broadcast %get3A_19 : vector<1x1xf32> to vector<1x1280xf32>
    %add3A_21 = arith.addf %dot_general3A_16, %add3A_20 : vector<1x1280xf32>
    %exp3A = math.exp %add3A_21 : vector<1x1280xf32>
    %swap3A = arith.constant 0 : index
    %swap3A_22 = arith.constant 0 : index
    %swap3A_23 = vector.load %arg9[%swap3A, %swap3A_22] : memref<1x1280xf32, #tpu.memory_space<vmem>>, vector<1x1280xf32>
    tpu.vector_store %arg9[%swap3A, %swap3A_22], %exp3A {strides = array<i32>} : memref<1x1280xf32, #tpu.memory_space<vmem>>, vector<1x1280xf32>,
    %get3A_24 = arith.constant 0 : index
    %get3A_25 = arith.constant 0 : index
    %get3A_26 = vector.load %arg6[%get3A_24, %get3A_25] : memref<256x256xf32, #tpu.memory_space<vmem>>, vector<256x256xf32>
    %dot_general3A_27 = arith.constant dense<0.000000e+00> : vector<256x1280xf32>
    %dot_general3A_28 = tpu.matmul %get3A_26, %get3A_1, %dot_general3A_27 {dimension_numbers = #tpu.dot_dimension_numbers<[0], [1], [1], [0], [0, 1, 1, 0], [], []>, precision = #tpu.contract_precision<fp32>, transpose_lhs_hint = false} : vector<256x256xf32>, vector<1280x256xf32>, vector<256x1280xf32> -> vector<256x1280xf32>
    %get3A_29 = arith.constant 0 : index
    %get3A_30 = arith.constant 0 : index
    %get3A_31 = vector.load %arg7[%get3A_29, %get3A_30] : memref<256x1xf32, #tpu.memory_space<vmem>>, vector<256x1xf32>
    %add3A_32 = vector.broadcast %get3A_31 : vector<256x1xf32> to vector<256x1280xf32>
    %add3A_33 = arith.addf %dot_general3A_28, %add3A_32 : vector<256x1280xf32>
    %max3A_34 = arith.constant 0.000000e+00 : f32
    %max3A_35 = vector.broadcast %max3A_34 : f32 to vector<256x1280xf32>
    %max3A_36 = arith.maximumf %add3A_33, %max3A_35 : vector<256x1280xf32>
    %mul3A = vector.broadcast %exp3A : vector<1x1280xf32> to vector<256x1280xf32>
    %mul3A_37 = arith.mulf %max3A_36, %mul3A : vector<256x1280xf32>
    %swap3A_38 = arith.constant 0 : index
    %swap3A_39 = arith.constant 0 : index
    %swap3A_40 = vector.load %arg8[%swap3A_38, %swap3A_39] : memref<256x1280xf32, #tpu.memory_space<vmem>>, vector<256x1280xf32>
    tpu.vector_store %arg8[%swap3A_38, %swap3A_39], %mul3A_37 {strides = array<i32>} : memref<256x1280xf32, #tpu.memory_space<vmem>>, vector<256x1280xf32>,
    return
  }
  func.func @transform_0(%arg0: i32) -> (i32, i32) {
    %c0_i32 = arith.constant 0 : i32
    %c0_i32_0 = arith.constant 0 : i32
    return %arg0, %c0_i32 : i32, i32
  }
  func.func @transform_1(%arg0: i32) -> (i32, i32) {
    %c0_i32 = arith.constant 0 : i32
    %c0_i32_0 = arith.constant 0 : i32
    %c0_i32_1 = arith.constant 0 : i32
    return %c0_i32, %c0_i32_0 : i32, i32
  }
  func.func @transform_2(%arg0: i32) -> (i32, i32) {
    %c0_i32 = arith.constant 0 : i32
    %c0_i32_0 = arith.constant 0 : i32
    %c0_i32_1 = arith.constant 0 : i32
    return %c0_i32, %c0_i32_0 : i32, i32
  }
  func.func @transform_3(%arg0: i32) -> (i32, i32) {
    %c0_i32 = arith.constant 0 : i32
    %c0_i32_0 = arith.constant 0 : i32
    %c0_i32_1 = arith.constant 0 : i32
    return %c0_i32, %c0_i32_0 : i32, i32
  }
  func.func @transform_4(%arg0: i32) -> (i32, i32) {
    %c0_i32 = arith.constant 0 : i32
    %c0_i32_0 = arith.constant 0 : i32
    %c0_i32_1 = arith.constant 0 : i32
    return %c0_i32, %c0_i32_0 : i32, i32
  }
  func.func @transform_5(%arg0: i32) -> (i32, i32) {
    %c0_i32 = arith.constant 0 : i32
    %c0_i32_0 = arith.constant 0 : i32
    %c0_i32_1 = arith.constant 0 : i32
    return %c0_i32, %c0_i32_0 : i32, i32
  }
  func.func @transform_6(%arg0: i32) -> (i32, i32) {
    %c0_i32 = arith.constant 0 : i32
    %c0_i32_0 = arith.constant 0 : i32
    %c0_i32_1 = arith.constant 0 : i32
    return %c0_i32, %c0_i32_0 : i32, i32
  }
  func.func @transform_7(%arg0: i32) -> (i32, i32) {
    %c0_i32 = arith.constant 0 : i32
    %c0_i32_0 = arith.constant 0 : i32
    return %c0_i32, %arg0 : i32, i32
  }
  func.func @transform_8(%arg0: i32) -> (i32, i32) {
    %c0_i32 = arith.constant 0 : i32
    %c0_i32_0 = arith.constant 0 : i32
    return %c0_i32, %arg0 : i32, i32
  }
}

module attributes {stable_mosaic.version = 14 : i64} {
  func.func @_div_body(%arg0: i32, %arg1: memref<256x2048xf32, #tpu.memory_space<vmem>>, %arg2: memref<1x2048xf32, #tpu.memory_space<vmem>>, %arg3: memref<2048x256xf32, #tpu.memory_space<vmem>>) attributes {dimension_semantics = [#tpu.dimension_semantics<arbitrary>], iteration_bounds = array<i64: 10>, scalar_prefetch = 0 : i64, scratch_operands = 0 : i64, tpu.core_type = #tpu.core_type<tc>, window_params = [{transform_indices = @transform_0, window_bounds = array<i64: 256, 2048>}, {transform_indices = @transform_1, window_bounds = array<i64: 1, 2048>}, {transform_indices = @transform_2, window_bounds = array<i64: 2048, 256>}]} {
    %get3A = arith.constant 0 : index
    %get3A_0 = arith.constant 0 : index
    %get3A_1 = vector.load %arg1[%get3A, %get3A_0] : memref<256x2048xf32, #tpu.memory_space<vmem>>, vector<256x2048xf32>
    %get3A_2 = arith.constant 0 : index
    %get3A_3 = arith.constant 0 : index
    %get3A_4 = vector.load %arg2[%get3A_2, %get3A_3] : memref<1x2048xf32, #tpu.memory_space<vmem>>, vector<1x2048xf32>
    %add3A = arith.constant 1.000000e-16 : f32
    %add3A_5 = vector.broadcast %add3A : f32 to vector<1x2048xf32>
    %add3A_6 = arith.addf %get3A_4, %add3A_5 : vector<1x2048xf32>
    %div3A = vector.broadcast %add3A_6 : vector<1x2048xf32> to vector<256x2048xf32>
    %div3A_7 = arith.divf %get3A_1, %div3A : vector<256x2048xf32>
    %transpose3A = tpu.transpose %div3A_7, [1, 0] : vector<256x2048xf32> -> vector<2048x256xf32>
    %swap3A = arith.constant 0 : index
    %swap3A_8 = arith.constant 0 : index
    %swap3A_9 = vector.load %arg3[%swap3A, %swap3A_8] : memref<2048x256xf32, #tpu.memory_space<vmem>>, vector<2048x256xf32>
    tpu.vector_store %arg3[%swap3A, %swap3A_8], %transpose3A {strides = array<i32>} : memref<2048x256xf32, #tpu.memory_space<vmem>>, vector<2048x256xf32>,
    return
  }
  func.func @transform_0(%arg0: i32) -> (i32, i32) {
    %c0_i32 = arith.constant 0 : i32
    %c0_i32_0 = arith.constant 0 : i32
    return %c0_i32, %arg0 : i32, i32
  }
  func.func @transform_1(%arg0: i32) -> (i32, i32) {
    %c0_i32 = arith.constant 0 : i32
    %c0_i32_0 = arith.constant 0 : i32
    return %c0_i32, %arg0 : i32, i32
  }
  func.func @transform_2(%arg0: i32) -> (i32, i32) {
    %c0_i32 = arith.constant 0 : i32
    %c0_i32_0 = arith.constant 0 : i32
    return %arg0, %c0_i32 : i32, i32
  }
}

</mosaic_0001>

<sc_bundles>
// kernel: kernel.5.cloned.1.call-start
scs
__scs_entry_jumppad:
0x0: {  	(pc) =	sbr.rel $0x88, $3  }
0x1: {  	(tag) =	ssettag $0x0;
	lr =	simm.s32 $0x1  }
0x2: {  	[smem:$0x3F98] =	sst lr;
	_ =	strace $0xD0000000  }
0x3: {  	_ = 	snop  }
0x4: {  	_ = 	snop  }
0x5: {  	_ = 	snop  }
0x6: {  	_ = 	snop  }
0x7: {  	_ = 	snop  }
__scs_overlays_trampoline_lowered:
0x8: {  	[smem:$0x3FA7] =	sst s0  }
0x9: {  	[smem:$0x3FA8] =	sst s1  }
0xa: {  	[smem:$0x3FA9] =	sst s2  }
0xb: {  	[smem:$0x3FAA] =	sst s3  }
0xc: {  	[smem:$0x3FAB] =	sst s4  }
0xd: {  	[smem:$0x3FAC] =	sst s5  }
0xe: {  	[smem:$0x3FAD] =	sst s6  }
0xf: {  	[smem:$0x3FAE] =	sst s7  }
0x10: {  	[smem:$0x3FAF] =	sst s8  }
0x11: {  	[smem:$0x3FB0] =	sst s9;
	s0 =	simm.s32 @!p0 $0x0  }
0x12: {  	s1 =	sld [smem:$0x3F96];
	s0 =	simm.s32 @p0 $0x1  }
0x13: {  	[smem:$0x3FB1] =	sst s0;
	s0 =	simm.s32 @!p1 $0x0  }
0x14: {  	s2 =	sld [smem:$0x3F95];
	s0 =	simm.s32 @p1 $0x1  }
0x15: {  	[smem:$0x3FB2] =	sst s0;
	s0 =	simm.s32 @!p2 $0x0  }
0x16: {  	s3 =	sld [smem:$0x3FDB];
	s0 =	simm.s32 @p2 $0x1  }
0x17: {  	s4 =	simm.s32 $0x1BF5;
	[smem:$0x3FB4] =	sst s0  }
0x18: {  	s0 =	sld [smem:$0x3F97];
	_ =	swait.ge [sflag:s4], $0x0  }
0x19: {  	s7 =	sld [smem:$0x3F98]  }
0x1a: {  	s8 =	sadd.s32 $0xFFFFE003, lr  }
0x1b: {  	s9 =	sadd.s32 $0xFFFFFEF7, lr;
	s5 =	simm.s32 $0xFFFFFFFF;
	p2 =	slt.u32 s8, $0xFFFFF086  }
0x1c: {  	p1 =	slt.u32 s9, $0xF7A;
	s5 =	simm.s32 @!p2 $0x0  }
0x1d: {  	s5 =	simm.s32 @p1 $0x1;
	p0 =	seq.s32 s7, s2  }
0x1e: {  	s7 =	smul.u32 @!p0 $0xF7A, s2;
	p2 =	seq.s32 @!p0 s5, $0x0  }
0x1f: {  	s9 =	smul.u32 $0xF7A, s1;
	s8 =	simm.s32 @!p0 $0x1BF5;
	p2 =	por !p2, p0  }
0x20: {  	[sflag:s8] =	ssyncset.s32 @!p0 $0xFFFFF086;
	s6 =	sadd.s32 @!p0 s3, s7;
	s7 =	simm.s32 @!p0 $0x108  }
0x21: {  	s3 =	sadd.s32 s3, s9;
	s6 =	sadd.s32 @!p0 $0x88, s6;
	s7 =	simm.s32 @p2 $0x1082  }
0x22: {  	[simem:s7], [sflag:s8] =	dma.local @!p0 [hbm:s6], $0xF7A  }
0x23: {  	s9 =	sor.u32 $0xD0000000, s2;
	s6 =	simm.s32 $0x108;
	_ =	swait.ge @!p0 [sflag:s8], $0x0  }
0x24: {  	s3 =	sadd.s32 $0x88, s3;
	s6 =	simm.s32 @!p1 $0x1082;
	[sflag:s4] =	ssyncset.s32 $0xFFFFF086  }
0x25: {  	[simem:s6], [sflag:s4] =	dma.local [hbm:s3], $0xF7A  }
0x26: {  	[smem:$0x3F98] =	sst s1;
	(tag) =	ssettag s2;
	_ =	strace s9  }
0x27: {  	s1 =	sld [smem:$0x3FA8]  }
0x28: {  	s2 =	sld [smem:$0x3FA9]  }
0x29: {  	s4 =	sld [smem:$0x3FAB]  }
0x2a: {  	p0 =	seq.s32 s5, $0x0;
	s5 =	sld [smem:$0x3FAC]  }
0x2b: {  	s6 =	sld [smem:$0x3FAD]  }
0x2c: {  	s7 =	sld [smem:$0x3FAE]  }
0x2d: {  	s3 =	simm.s32 $0x108;
	s8 =	sld [smem:$0x3FAF]  }
0x2e: {  	s3 =	simm.s32 @!p0 $0x1082;
	s9 =	sld [smem:$0x3FB0]  }
0x2f: {  	lr =	sadd.s32 s0, s3;
	s0 =	sld [smem:$0x3FA7]  }
0x30: {  	s3 =	sld [smem:$0x3FAA]  }
0x31: {  	[smem:$0x3FB3] =	sst s10  }
0x32: {  	s10 =	sld [smem:$0x3FB1];
	_ =	sdelay $0x3  }
0x33: {  	p0 =	seq.s32 s10, $0x1;
	s10 =	sld [smem:$0x3FB3];
	_ =	sdelay $0x3  }
0x34: {  	[smem:$0x3FB3] =	sst s10  }
0x35: {  	s10 =	sld [smem:$0x3FB2];
	_ =	sdelay $0x3  }
0x36: {  	p1 =	seq.s32 s10, $0x1;
	s10 =	sld [smem:$0x3FB3];
	_ =	sdelay $0x3  }
0x37: {  	[smem:$0x3FB3] =	sst s10  }
0x38: {  	s10 =	sld [smem:$0x3FB4]  }
0x39: {  	_ = 	snop;
	(pc) =	sbr.ind lr, $3  }
0x3a: {  	_ = 	snop  }
0x3b: {  	_ = 	snop  }
0x3c: {  	p2 =	seq.s32 s10, $0x1;
	s10 =	sld [smem:$0x3FB3]  }
0x3d: {  	_ =	shalt  }
0x3e: {  	_ =	shalt  }
0x3f: {  	_ =	shalt  }
0x40: {  	_ =	shalt  }
0x41: {  	_ =	shalt  }
0x42: {  	_ =	shalt  }
0x43: {  	_ =	shalt  }
0x44: {  	_ =	shalt  }
0x45: {  	_ =	shalt  }
0x46: {  	_ =	shalt  }
0x47: {  	_ =	shalt  }
0x48: {  	_ =	shalt  }
0x49: {  	_ =	shalt  }
0x4a: {  	_ =	shalt  }
0x4b: {  	_ =	shalt  }
0x4c: {  	_ =	shalt  }
0x4d: {  	_ =	shalt  }
0x4e: {  	_ =	shalt  }
0x4f: {  	_ =	shalt  }
0x50: {  	_ =	shalt  }
0x51: {  	_ =	shalt  }
0x52: {  	_ =	shalt  }
0x53: {  	_ =	shalt  }
0x54: {  	_ =	shalt  }
0x55: {  	_ =	shalt  }
0x56: {  	_ =	shalt  }
0x57: {  	_ =	shalt  }
0x58: {  	_ =	shalt  }
0x59: {  	_ =	shalt  }
0x5a: {  	_ =	shalt  }
0x5b: {  	_ =	shalt  }
0x5c: {  	_ =	shalt  }
0x5d: {  	_ =	shalt  }
0x5e: {  	_ =	shalt  }
0x5f: {  	_ =	shalt  }
0x60: {  	_ =	shalt  }
0x61: {  	_ =	shalt  }
0x62: {  	_ =	shalt  }
0x63: {  	_ =	shalt  }
0x64: {  	_ =	shalt  }
0x65: {  	_ =	shalt  }
0x66: {  	_ =	shalt  }
0x67: {  	_ =	shalt  }
0x68: {  	_ =	shalt  }
0x69: {  	_ =	shalt  }
0x6a: {  	_ =	shalt  }
0x6b: {  	_ =	shalt  }
0x6c: {  	_ =	shalt  }
0x6d: {  	_ =	shalt  }
0x6e: {  	_ =	shalt  }
0x6f: {  	_ =	shalt  }
0x70: {  	_ =	shalt  }
0x71: {  	_ =	shalt  }
0x72: {  	_ =	shalt  }
0x73: {  	_ =	shalt  }
0x74: {  	_ =	shalt  }
0x75: {  	_ =	shalt  }
0x76: {  	_ =	shalt  }
0x77: {  	_ =	shalt  }
0x78: {  	_ =	shalt  }
0x79: {  	_ =	shalt  }
0x7a: {  	_ =	shalt  }
0x7b: {  	_ =	shalt  }
0x7c: {  	_ =	shalt  }
0x7d: {  	_ =	shalt  }
0x7e: {  	_ =	shalt  }
0x7f: {  	_ =	shalt  }
0x80: {  	_ =	shalt  }
0x81: {  	_ =	shalt  }
0x82: {  	_ =	shalt  }
0x83: {  	_ =	shalt  }
0x84: {  	_ =	shalt  }
0x85: {  	_ =	shalt  }
0x86: {  	_ =	shalt  }
0x87: {  	_ =	shalt  }
.Lfunc_end0:
.L_simem_size_0:
called_computation_lowered:
.L_overlay_start_0:
0x88: {  	s2 =	sld [smem:$0x3FD9]  }
0x89: {  	s3 =	sld [smem:$0x3FFE];
	_ =	sdelay $0x1  }
0x8a: {  	s1 =	srdreg.scid  }
0x8b: {  	s0 =	sand.u32 $0x1, s1  }
0x8c: {  	s17 =	sshll.u32 s0, $0xA;
	s2 =	sadd.s32 s3, s2  }
0x8d: {  	s2 =	sadd.s32 s2, s17  }
0x8e: {  	[smem:$0x3FBF] =	sst s2  }
0x8f: {  	_ = 	snop  }
0x90: {  	s2 =	sld [smem:$0x3FD0];
	(tm) =	ssettm $0x1  }
0x91: {  	s18 =	sld [smem:$0x3FFB];
	_ =	sdelay $0x3  }
0x92: {  	_ =	strace s18  }
0x93: {  	s3 =	sld [smem:$0x3FFC];
	_ =	sdelay $0x3  }
0x94: {  	_ =	strace s3  }
0x95: {  	s3 =	sld [smem:$0x3FFD];
	_ =	sdelay $0x3  }
0x96: {  	_ =	strace s3  }
0x97: {  	_ =	strace $0x8FFFFFFF  }
0x98: {  	s19 =	sld [smem:$0x3FDB];
	_ =	sdelay $0x1  }
0x99: {  	s4 =	simm.s32 $_scs_section_size  }
0x9a: {  	s5 =	simm.s32 $_size__tile_overlayer_lowered;
	s6 =	simm.s32 $_tile_overlayer_lowered  }
0x9b: {  	s22 =	simm.s32 $0x1BFF;
	s21 =	sshll.u32 s6, $0x1;
	s3 =	sadd.s32 s4, s19  }
0x9c: {  	s7 =	simm.s32 $0x0;
	s20 =	sshll.u32 s5, $0x1;
	s5 =	sadd.s32 s21, s3  }
0x9d: {  	[timem:s7], [sflag:s22] =	dma.local [hbm:s5], s20  }
0x9e: {  	_ =	swait.ge [sflag:s22], s20  }
0x9f: {  	s4 =	ssub.s32 $0x0, s20;
	[sflag:s22] =	ssyncset.done $0x0  }
0xa0: {  	[sflag:s22] =	ssyncadd.s32 s4;
	_ =	sdelay $0x1  }
0xa1: {  	s23 =	simm.s32 $0x1B8B  }
0xa2: {  	_ =	swait.ge [sflag:s23], $0x1  }
0xa3: {  	[sflag:s23] =	ssyncset.done $0x0  }
0xa4: {  	s25 =	simm.s32 $0x1B8E;
	s24 =	sld [smem:$0x3FFE];
	[sflag:s23] =	ssyncadd.s32 $0xFFFFFFFF  }
0xa5: {  	s26 =	simm.s32 $execute0_lowered;
	[smem:$0x3FD2] =	sst s25  }
0xa6: {  	s5 =	sshll.u32 s26, $0x1;
	_ =	strace $0x80000046;
	[dreg:$0x1] =	wrdreg $0xFFFFFFFF  }
0xa7: {  	s28 =	simm.s32 $_size_execute0_lowered;
	s3 =	sadd.s32 s3, s5;
	[dreg:$0x0] =	wrdreg $0x0  }
0xa8: {  	s5 =	sshll.u32 s28, $0x1;
	[dreg:$0x2] =	wrdreg s3  }
0xa9: {  	[dreg:$0x3] =	wrdreg s5  }
0xaa: {  	[dreg:$0x4] =	wrdreg $0xC0  }
0xab: {  	_ =	task [dreg:s7], $0x5FFFF  }
0xac: {  	[dreg:$0x1] =	wrdreg $0xFFFFFFFF  }
0xad: {  	[dreg:$0x0] =	wrdreg $0x60  }
0xae: {  	[dreg:$0x2] =	wrdreg s2  }
0xaf: {  	[dreg:$0x3] =	wrdreg s24  }
0xb0: {  	[dreg:$0x4] =	wrdreg $0x9  }
0xb1: {  	_ =	task.clear_ibuf [dreg:s7], $0x5FFFF;
	_ =	strace $0x90000046  }
0xb2: {  	s29 =	simm.s32 $0x9;
	_ =	strace $0x80000048  }
0xb3: {  	_ =	swait.ge [sflag:s29], $0x1  }
0xb4: {  	[sflag:s29] =	ssyncadd.s32 $0xFFFFFFFF  }
0xb5: {  	_ =	strace $0x90000048  }
0xb6: {  	_ =	sfence  }
0xb7: {  	s30 =	sld [smem:$0x0];
	_ =	sdelay $0x2  }
0xb8: {  	s31 =	sshll.u32 s1, $0xD;
	s1 =	sshrl.u32 s1, $0x2  }
0xb9: {  	s3 =	sand.u32 $0x4000, s31;
	s1 =	sadd.s32 s1, s30  }
0xba: {  	s0 =	sor.u32 s3, s0;
	s1 =	sshll.u32 s1, $0x11  }
0xbb: {  	s0 =	sor.u32 s1, s0  }
0xbc: {  	s0 =	sadd.s32 $0x8F2B, s0  }
0xbd: {  	[sflag:s0] =	ssyncadd.remote.s32 $0x1  }
0xbe: {  	_ =	sfence.sel $0xFFFF  }
0xbf: {  	[dreg:$0x0] =	wrdreg $0xFFFFFFFF;
	(pc) =	sbr.abs _section_cstart, $3  }
0xc0: {  	[dreg:$0x1] =	wrdreg $0xFFFFFFFF  }
0xc1: {  	_ =	task.clear_ibuf [dreg:s7], $0x2FFFF;
	_ =	strace $0x9FFFFFFF  }
0xc2: {  	(tm) =	ssettm $0x7FFFFFFF  }
0xc3: {  	_ =	shalt  }
tec
execute0_lowered:
.L_overlay_start_1:
0x0: {  	(tag) =	ssettag $0x1  }
0x1: {  	s0 =	rddreg [dreg:$0x0];
	s1 =	simm.s32 $0x0  }
0x2: {  	[smem:$0x7FF] =	sst s1  }
0x3: {  	s2 =	rddreg [dreg:$0x1];
	v0 =	vimm.s32 $0x0;
	_ =	strace $0x80000047  }
0x4: {  	(xrf0) =	vadd.scan.msk.s32 $0xffff, v0;
	_ =	sdelay $0x5  }
0x5: {  	v0, _, _ =	vpop (xrf0)  }
0x6: {  	(v2sf) =	vpush v0, $0xF;
	_ =	sdelay $0x3  }
0x7: {  	s3 =	srdreg.scid  }
0x8: {  	s6 =	stileid.u32;
	s13 =	simm.s32 $0x5;
	s14 =	simm.s32 $0x14000  }
0x9: {  	s19 =	simm.s32 $0x1;
	s20 =	simm.s32 $0x3;
	s21 =	simm.s32 $0x1DA00  }
0xa: {  	s22 =	simm.s32 $0x19A00;
	s23 =	simm.s32 $0x2;
	s24 =	simm.s32 $0x4  }
0xb: {  	s3 =	sand.u32 $0x1, s3;
	s4 =	sadd.s32 $0xBE00, s2;
	s7 =	sadd.s32 $0xAC400, s2  }
0xc: {  	s28 =	sadd.s32 $0x6F90, s2;
	s29 =	sadd.s32 $0x1F90, s2;
	[dreg:$0x3] =	wrdreg s4  }
0xd: {  	s5 =	sshll.u32 s3, $0x4;
	s4 =	sadd.s32 $0x6E00, s2;
	[dreg:$0x5] =	wrdreg s28  }
0xe: {  	s3 =	ssub.s32 $0x2, s3;
	[dreg:$0x6] =	wrdreg s29;
	s8 =	sor.u32 s6, s5  }
.Ltmp0:
0xf: {  	s5 =	sadd.s32 $0x1E00, s2;
	s9 =	sshrl.u32 s3, $0x1;
	(pc) =	sbr.rel .LBB2_1-.Ltmp0, $4  }
0x10: {  	s6 =	sadd.s32 $0xC400, s2;
	s10 =	smul.u32 $0x2800, s8;
	s3 =	ssub.s32 s3, s9  }
0x11: {  	s2 =	simm.s32 $0x0;
	s11 =	smul.u32 $0x28000, s8;
	s31 =	smax.u32 s3, $0x1  }
0x12: {  	s0 =	sadd.s32 s0, s10;
	[dreg:$0x7] =	wrdreg s31;
	s30 =	spop (v2sf)  }
0x13: {  	p0 =	sne.s32 s8, $0x0;
	[dreg:$0x4] =	wrdreg s0;
	v0 =	vimm.f32 $0.0e+00;
	p1 =	sgt.s32 s30, $0xF  }
.LBB2_152:
0x14: {  	s2 =	rddreg [dreg:$0x8]  }
0x15: {  	s0 =	rddreg [dreg:$0x7];
	s2 =	sadd.s32 $0x1, s2  }
0x16: {  	p2 =	sne.s32 s2, s0  }
.Ltmp1:
0x17: {  	_ = 	snop;
	(pc) =	sbr.rel @!p2 .LBB2_153-.Ltmp1, $1  }
0x18: {  	_ =	sdelay $0x3  }
.LBB2_1:
0x19: {  	[dreg:$0x8] =	wrdreg s2  }
0x1a: {  	s0 =	rddreg [dreg:$0x4]  }
0x1b: {  	[tilespmem:s1], [sflag:$0x5] =	stream.linear.gather [hbm4b:s0+s1], $0x14000, $0x38;
	[tilespmem:$0x1E200] =	vst v63  }
0x1c: {  	_ =	swait.ge [sflag:s13], $0x14000  }
0x1d: {  	[sflag:s13] =	ssyncset.done $0x0  }
0x1e: {  	s31 =	rddreg [dreg:$0x3];
	[sflag:s13] =	ssyncadd.s32 $0xFFFEC000  }
0x1f: {  	[tilespmem:s14], [sflag:$0x5] =	stream.linear.gather [hbm4b:s31+s1], $0x2800, $0x38;
	[tilespmem:$0x1E200] =	vst v63  }
0x20: {  	_ =	swait.ge [sflag:s13], $0x2800  }
0x21: {  	[sflag:s13] =	ssyncset.done $0x0  }
0x22: {  	s2 =	simm.s32 $0x0;
	s0 =	simm.s32 $0x40;
	[sflag:s13] =	ssyncadd.s32 $0xFFFFD800  }
.LBB2_2:
0x23: {  	p2 =	sne.s32 s0, $0xFC0;
	[tilespmem:s2+$0x19A00] =	vst v0;
	s2 =	smov.u32 s0;
	s0 =	sadd.s32 $0x40, s0  }
.Ltmp2:
0x24: {  	(pc) =	sbr.rel @p2 .LBB2_2-.Ltmp2, $2  }
0x25: {  	_ =	sdelay $0x2  }
0x26: {  	s2 =	sshra.s32 s2, $0x2  }
0x27: {  	[tilespmem:s2+$0x19A00] =	vst v0;
	s0 =	simm.s32 $0x40;
	s2 =	simm.s32 $0x0  }
.LBB2_4:
0x28: {  	p2 =	sne.s32 s0, $0xFC0;
	[tilespmem:s2+$0x1A200] =	vst v0;
	s2 =	smov.u32 s0;
	s0 =	sadd.s32 $0x40, s0  }
.Ltmp3:
0x29: {  	(pc) =	sbr.rel @p2 .LBB2_4-.Ltmp3, $2  }
0x2a: {  	_ =	sdelay $0x2  }
0x2b: {  	s2 =	sshra.s32 s2, $0x2  }
0x2c: {  	[tilespmem:s2+$0x1A200] =	vst v0;
	s0 =	simm.s32 $0x40;
	s2 =	simm.s32 $0x0  }
.LBB2_6:
0x2d: {  	p2 =	sne.s32 s0, $0xFC0;
	[tilespmem:s2+$0x1AA00] =	vst v0;
	s2 =	smov.u32 s0;
	s0 =	sadd.s32 $0x40, s0  }
.Ltmp4:
0x2e: {  	(pc) =	sbr.rel @p2 .LBB2_6-.Ltmp4, $2  }
0x2f: {  	_ =	sdelay $0x2  }
0x30: {  	s2 =	sshra.s32 s2, $0x2  }
0x31: {  	[tilespmem:s2+$0x1AA00] =	vst v0;
	s0 =	simm.s32 $0x40;
	s2 =	simm.s32 $0x0  }
.LBB2_8:
0x32: {  	p2 =	sne.s32 s0, $0xFC0;
	[tilespmem:s2+$0x1B200] =	vst v0;
	s2 =	smov.u32 s0;
	s0 =	sadd.s32 $0x40, s0  }
.Ltmp5:
0x33: {  	(pc) =	sbr.rel @p2 .LBB2_8-.Ltmp5, $2  }
0x34: {  	_ =	sdelay $0x2  }
0x35: {  	s2 =	sshra.s32 s2, $0x2  }
0x36: {  	[tilespmem:s2+$0x1B200] =	vst v0;
	s0 =	simm.s32 $0x40;
	s2 =	simm.s32 $0x0  }
.LBB2_10:
0x37: {  	p2 =	sne.s32 s0, $0xFC0;
	[tilespmem:s2+$0x1BA00] =	vst v0;
	s2 =	smov.u32 s0;
	s0 =	sadd.s32 $0x40, s0  }
.Ltmp6:
0x38: {  	(pc) =	sbr.rel @p2 .LBB2_10-.Ltmp6, $2  }
0x39: {  	_ =	sdelay $0x2  }
0x3a: {  	s2 =	sshra.s32 s2, $0x2  }
0x3b: {  	[tilespmem:s2+$0x1BA00] =	vst v0;
	s0 =	simm.s32 $0x40;
	s2 =	simm.s32 $0x0  }
.LBB2_12:
0x3c: {  	p2 =	sne.s32 s0, $0xFC0;
	[tilespmem:s2+$0x1C200] =	vst v0;
	s2 =	smov.u32 s0;
	s0 =	sadd.s32 $0x40, s0  }
.Ltmp7:
0x3d: {  	(pc) =	sbr.rel @p2 .LBB2_12-.Ltmp7, $2  }
0x3e: {  	_ =	sdelay $0x2  }
0x3f: {  	s2 =	sshra.s32 s2, $0x2  }
0x40: {  	[tilespmem:s2+$0x1C200] =	vst v0;
	s0 =	simm.s32 $0x40;
	s2 =	simm.s32 $0x0  }
.LBB2_14:
0x41: {  	p2 =	sne.s32 s0, $0xFC0;
	[tilespmem:s2+$0x1CA00] =	vst v0;
	s2 =	smov.u32 s0;
	s0 =	sadd.s32 $0x40, s0  }
.Ltmp8:
0x42: {  	(pc) =	sbr.rel @p2 .LBB2_14-.Ltmp8, $2  }
0x43: {  	_ =	sdelay $0x2  }
0x44: {  	s2 =	sshra.s32 s2, $0x2  }
0x45: {  	[tilespmem:s2+$0x1CA00] =	vst v0;
	s0 =	simm.s32 $0x40;
	s2 =	simm.s32 $0x0  }
.LBB2_16:
0x46: {  	p2 =	sne.s32 s0, $0xFC0;
	[tilespmem:s2+$0x1D200] =	vst v0;
	s2 =	smov.u32 s0;
	s0 =	sadd.s32 $0x40, s0  }
.Ltmp9:
0x47: {  	(pc) =	sbr.rel @p2 .LBB2_16-.Ltmp9, $2  }
0x48: {  	_ =	sdelay $0x2  }
0x49: {  	s2 =	sshra.s32 s2, $0x2  }
0x4a: {  	[tilespmem:s2+$0x1D200] =	vst v0;
	s0 =	simm.s32 $0x40;
	s2 =	simm.s32 $0x0  }
.LBB2_18:
0x4b: {  	p2 =	sne.s32 s0, $0xFC0;
	[tilespmem:s2+$0x1DA00] =	vst v0;
	s2 =	smov.u32 s0;
	s0 =	sadd.s32 $0x40, s0  }
.Ltmp10:
0x4c: {  	(pc) =	sbr.rel @p2 .LBB2_18-.Ltmp10, $2  }
0x4d: {  	_ =	sdelay $0x2  }
0x4e: {  	s2 =	sshra.s32 s2, $0x2  }
0x4f: {  	[tilespmem:s2+$0x1DA00] =	vst v0;
	s0 =	simm.s32 $0x40;
	s2 =	simm.s32 $0x0  }
.LBB2_20:
0x50: {  	p2 =	sne.s32 s0, $0xFC0;
	[tilespmem:s2+$0x19E00] =	vst v0;
	s2 =	smov.u32 s0;
	s0 =	sadd.s32 $0x40, s0  }
.Ltmp11:
0x51: {  	(pc) =	sbr.rel @p2 .LBB2_20-.Ltmp11, $2  }
0x52: {  	_ =	sdelay $0x2  }
0x53: {  	s2 =	sshra.s32 s2, $0x2  }
0x54: {  	[tilespmem:s2+$0x19E00] =	vst v0;
	s0 =	simm.s32 $0x40;
	s2 =	simm.s32 $0x0  }
.LBB2_22:
0x55: {  	p2 =	sne.s32 s0, $0xFC0;
	[tilespmem:s2+$0x1A600] =	vst v0;
	s2 =	smov.u32 s0;
	s0 =	sadd.s32 $0x40, s0  }
.Ltmp12:
0x56: {  	(pc) =	sbr.rel @p2 .LBB2_22-.Ltmp12, $2  }
0x57: {  	_ =	sdelay $0x2  }
0x58: {  	s2 =	sshra.s32 s2, $0x2  }
0x59: {  	[tilespmem:s2+$0x1A600] =	vst v0;
	s0 =	simm.s32 $0x40;
	s2 =	simm.s32 $0x0  }
.LBB2_24:
0x5a: {  	p2 =	sne.s32 s0, $0xFC0;
	[tilespmem:s2+$0x1AE00] =	vst v0;
	s2 =	smov.u32 s0;
	s0 =	sadd.s32 $0x40, s0  }
.Ltmp13:
0x5b: {  	(pc) =	sbr.rel @p2 .LBB2_24-.Ltmp13, $2  }
0x5c: {  	_ =	sdelay $0x2  }
0x5d: {  	s2 =	sshra.s32 s2, $0x2  }
0x5e: {  	[tilespmem:s2+$0x1AE00] =	vst v0;
	s0 =	simm.s32 $0x40;
	s2 =	simm.s32 $0x0  }
.LBB2_26:
0x5f: {  	p2 =	sne.s32 s0, $0xFC0;
	[tilespmem:s2+$0x1B600] =	vst v0;
	s2 =	smov.u32 s0;
	s0 =	sadd.s32 $0x40, s0  }
.Ltmp14:
0x60: {  	(pc) =	sbr.rel @p2 .LBB2_26-.Ltmp14, $2  }
0x61: {  	_ =	sdelay $0x2  }
0x62: {  	s2 =	sshra.s32 s2, $0x2  }
0x63: {  	[tilespmem:s2+$0x1B600] =	vst v0;
	s0 =	simm.s32 $0x40;
	s2 =	simm.s32 $0x0  }
.LBB2_28:
0x64: {  	p2 =	sne.s32 s0, $0xFC0;
	[tilespmem:s2+$0x1BE00] =	vst v0;
	s2 =	smov.u32 s0;
	s0 =	sadd.s32 $0x40, s0  }
.Ltmp15:
0x65: {  	(pc) =	sbr.rel @p2 .LBB2_28-.Ltmp15, $2  }
0x66: {  	_ =	sdelay $0x2  }
0x67: {  	s2 =	sshra.s32 s2, $0x2  }
0x68: {  	[tilespmem:s2+$0x1BE00] =	vst v0;
	s0 =	simm.s32 $0x40;
	s2 =	simm.s32 $0x0  }
.LBB2_30:
0x69: {  	p2 =	sne.s32 s0, $0xFC0;
	[tilespmem:s2+$0x1C600] =	vst v0;
	s2 =	smov.u32 s0;
	s0 =	sadd.s32 $0x40, s0  }
.Ltmp16:
0x6a: {  	(pc) =	sbr.rel @p2 .LBB2_30-.Ltmp16, $2  }
0x6b: {  	_ =	sdelay $0x2  }
0x6c: {  	s2 =	sshra.s32 s2, $0x2  }
0x6d: {  	[tilespmem:s2+$0x1C600] =	vst v0;
	s0 =	simm.s32 $0x0;
	s2 =	simm.s32 $0x40;
	s3 =	simm.s32 $0x0  }
.LBB2_32:
0x6e: {  	p2 =	sne.s32 s2, $0xFC0;
	[tilespmem:s3+$0x1CE00] =	vst v0;
	s3 =	smov.u32 s2;
	s2 =	sadd.s32 $0x40, s2  }
.Ltmp17:
0x6f: {  	(pc) =	sbr.rel @p2 .LBB2_32-.Ltmp17, $2  }
0x70: {  	_ =	sdelay $0x2  }
0x71: {  	s3 =	sshra.s32 s3, $0x2  }
0x72: {  	[tilespmem:s3+$0x1CE00] =	vst v0  }
.LBB2_34:
0x73: {  	p2 =	sne.s32 s0, $0xFC0  }
.Ltmp18:
0x74: {  	_ = 	snop;
	(pc) =	sbr.rel @p2 .LBB2_34-.Ltmp18, $3  }
0x75: {  	_ =	sdelay $0x1  }
0x76: {  	s2 =	sshra.s32 s0, $0x2  }
0x77: {  	s0 =	sadd.s32 $0x40, s0;
	[tilespmem:s2+$0x1D600] =	vst v0  }
0x78: {  	s0 =	simm.s32 $0x40;
	s2 =	simm.s32 $0x0  }
.LBB2_36:
0x79: {  	p2 =	sne.s32 s0, $0xFC0;
	[tilespmem:s2+$0x1DE00] =	vst v0;
	s2 =	smov.u32 s0;
	s0 =	sadd.s32 $0x40, s0  }
.Ltmp19:
0x7a: {  	(pc) =	sbr.rel @p2 .LBB2_36-.Ltmp19, $2  }
0x7b: {  	_ =	sdelay $0x2  }
0x7c: {  	s2 =	sshra.s32 s2, $0x2  }
0x7d: {  	[tilespmem:s2+$0x1DE00] =	vst v0;
	s26 =	simm.s32 $0x0;
	s0 =	simm.s32 $0x16800  }
0x7e: {  	[tilespmem:s0], [sflag:$0x1] =	stream.linear.gather [hbm4b:s4+s26], $0xC80, $0x38;
	[tilespmem:$0x1E200] =	vst v63  }
0x7f: {  	s18 =	simm.s32 $0x18100  }
0x80: {  	[tilespmem:s18], [sflag:$0x3] =	stream.linear.gather [hbm4b:s5+s26], $0xC80, $0x38;
	[tilespmem:$0x1E200] =	vst v63  }
0x81: {  	s25 =	rddreg [dreg:$0x5];
	s29 =	simm.s32 $0x17480  }
0x82: {  	[tilespmem:s29], [sflag:$0x2] =	stream.linear.gather [hbm4b:s25+s26], $0xC80, $0x38;
	[tilespmem:$0x1E200] =	vst v63  }
0x83: {  	s30 =	rddreg [dreg:$0x6];
	s31 =	simm.s32 $0x18D80;
	s28 =	simm.s32 $0x0  }
0x84: {  	[tilespmem:s31], [sflag:$0x4] =	stream.linear.gather [hbm4b:s30+s26], $0xC80, $0x38;
	[tilespmem:$0x1E200] =	vst v63  }
.LBB2_38:
0x85: {  	_ =	swait.ge [sflag:s19], $0xC80  }
0x86: {  	[sflag:s19] =	ssyncset.done $0x0  }
0x87: {  	[sflag:s19] =	ssyncadd.s32 $0xFFFFF380  }
0x88: {  	_ =	swait.ge [sflag:s20], $0xC80  }
0x89: {  	[sflag:s20] =	ssyncset.done $0x0  }
0x8a: {  	[sflag:s20] =	ssyncadd.s32 $0xFFFFF380  }
0x8b: {  	v1 =	vld [tilespmem:$0x18100];
	_ =	sdelay $0x3  }
0x8c: {  	v2 =	vld [tilespmem:$0x18D70]  }
0x8d: {  	v1 =	vxor.u32 $0x80000000, v1  }
0x8e: {  	(xrf0) =	vmin.scan.msk.u32 $0xffff, v1;
	_ =	sdelay $0x2  }
0x8f: {  	v1 =	vxor.u32 $0x80000000, v2;
	_ =	sdelay $0x2  }
0x90: {  	(xrf0) =	vmax.scan.msk.u32 $0xffff, v1;
	v1, _, _ =	vpop (xrf0)  }
0x91: {  	(v2sf) =	vpush v1, $0xF;
	_ =	sdelay $0x5  }
0x92: {  	v1, _, _ =	vpop (xrf0)  }
0x93: {  	(v2sf) =	vpush v1, $0xF;
	_ =	sdelay $0x7  }
0x94: {  	s0 =	spop (v2sf)  }
0x95: {  	s12 =	sadd.s32 $0x400, s26;
	s29 =	sxor.u32 $0x80000000, s0  }
0x96: {  	p2 =	sgt.s32 s12, s29  }
.Ltmp20:
0x97: {  	_ = 	snop;
	(pc) =	sbr.rel @p2 .LBB2_39-.Ltmp20, $2  }
0x98: {  	_ =	sdelay $0x2  }
0x99: {  	s31 =	smov.u32 s26;
	s30 =	spop (v2sf)  }
.LBB2_42:
0x9a: {  	s0 =	sadd.s32 s11, s31  }
0x9b: {  	s15 =	sand.u32 $0x400, s31;
	s0 =	sshrl.u32 s0, $0x3  }
0x9c: {  	s25 =	sor.u32 $0x19A00, s15;
	s26 =	sadd.s32 s6, s0  }
0x9d: {  	[hbm4b:s26+s1] =	stream.linear.scatter [tilespmem:s25], [sflag:$0x5], $0x400, $0x38;
	[tilespmem:$0x1E200] =	vst v63  }
0x9e: {  	s10 =	sor.u32 $0x1A200, s15;
	s0 =	sadd.s32 $0xA00, s26  }
0x9f: {  	[hbm4b:s0+s1] =	stream.linear.scatter [tilespmem:s10], [sflag:$0x5], $0x400, $0x38;
	[tilespmem:$0x1E200] =	vst v63  }
0xa0: {  	s9 =	sor.u32 $0x1AA00, s15;
	s2 =	sadd.s32 $0x1400, s26  }
0xa1: {  	[hbm4b:s2+s1] =	stream.linear.scatter [tilespmem:s9], [sflag:$0x5], $0x400, $0x38;
	[tilespmem:$0x1E200] =	vst v63  }
0xa2: {  	s8 =	sor.u32 $0x1B200, s15;
	s3 =	sadd.s32 $0x1E00, s26  }
0xa3: {  	[hbm4b:s3+s1] =	stream.linear.scatter [tilespmem:s8], [sflag:$0x5], $0x400, $0x38;
	[tilespmem:$0x1E200] =	vst v63  }
0xa4: {  	s16 =	sadd.s32 $0x2800, s26;
	s3 =	sor.u32 $0x1BA00, s15  }
0xa5: {  	[hbm4b:s16+s1] =	stream.linear.scatter [tilespmem:s3], [sflag:$0x5], $0x400, $0x38;
	[tilespmem:$0x1E200] =	vst v63  }
0xa6: {  	s17 =	sadd.s32 $0x3200, s26;
	s16 =	sor.u32 $0x1C200, s15  }
0xa7: {  	[hbm4b:s17+s1] =	stream.linear.scatter [tilespmem:s16], [sflag:$0x5], $0x400, $0x38;
	[tilespmem:$0x1E200] =	vst v63  }
0xa8: {  	s18 =	sadd.s32 $0x3C00, s26;
	s2 =	sor.u32 $0x1CA00, s15  }
0xa9: {  	[hbm4b:s18+s1] =	stream.linear.scatter [tilespmem:s2], [sflag:$0x5], $0x400, $0x38;
	[tilespmem:$0x1E200] =	vst v63  }
0xaa: {  	s26 =	sadd.s32 $0x4600, s26;
	s0 =	sor.u32 $0x1D200, s15  }
0xab: {  	[hbm4b:s26+s1] =	stream.linear.scatter [tilespmem:s0], [sflag:$0x5], $0x400, $0x38;
	[tilespmem:$0x1E200] =	vst v63  }
0xac: {  	_ =	swait.ge [sflag:s13], $0x2000  }
0xad: {  	s17 =	sadd.s32 @!p0 $0x1DA00, s15;
	s26 =	sshrl.u32 @!p0 s31, $0x3;
	[sflag:s13] =	ssyncset.done $0x0  }
0xae: {  	s18 =	simm.s32 @!p0 $0x0;
	s26 =	sadd.s32 @!p0 s7, s26;
	[sflag:s13] =	ssyncadd.s32 $0xFFFFE000  }
0xaf: {  	v1 =	vmov s25;
	[hbm4b:s26+s18] =	stream.linear.scatter @!p0 [tilespmem:s17], [sflag:$0x5], $0x400, $0x38;
	[tilespmem:$0x1E200] =	vst v63  }
0xb0: {  	s17 =	simm.s32 @!p0 $0x5  }
0xb1: {  	_ =	swait.ge @!p0 [sflag:s17], $0x400  }
0xb2: {  	s25 =	simm.s32 $0x0;
	s15 =	sor.u32 $0x1DA00, s15;
	[sflag:s17] =	ssyncset.done @!p0 $0x0  }
0xb3: {  	s26 =	smov.u32 s12;
	s12 =	simm.s32 $0x40;
	[sflag:s17] =	ssyncadd.s32 @!p0 $0xFFFFFC00  }
.LBB2_43:
0xb4: {  	p2 =	sne.s32 s12, $0xFC0;
	[tilespmem:v1+s25+$0x0 ss:$0x1] =	vst.idx.msk $0xffff, v0;
	s17 =	smov.u32 s12;
	s12 =	sadd.s32 $0x40, s12  }
.Ltmp21:
0xb5: {  	(pc) =	sbr.rel @p2 .LBB2_43-.Ltmp21, $2  }
0xb6: {  	_ =	sdelay $0x2  }
0xb7: {  	s25 =	sshra.s32 s17, $0x2  }
0xb8: {  	_ =	sdelay $0x3  }
0xb9: {  	[tilespmem:v1+s25+$0x0 ss:$0x1] =	vst.idx.msk $0xffff, v0;
	s12 =	simm.s32 $0x40;
	s25 =	sadd.s32 $0x0, s10  }
.LBB2_45:
0xba: {  	p2 =	sne.s32 s12, $0xFC0;
	[tilespmem:s25+$0x0] =	vst v0;
	s17 =	smov.u32 s12;
	s12 =	sadd.s32 $0x40, s12  }
.Ltmp22:
0xbb: {  	(pc) =	sbr.rel @p2 .LBB2_45-.Ltmp22, $3  }
0xbc: {  	_ =	sdelay $0x1  }
0xbd: {  	s17 =	sshra.s32 s17, $0x2  }
0xbe: {  	s25 =	sadd.s32 s17, s10  }
0xbf: {  	[tilespmem:s25+$0x0] =	vst v0;
	s10 =	simm.s32 $0x40;
	s12 =	sadd.s32 $0x0, s9  }
.LBB2_47:
0xc0: {  	p2 =	sne.s32 s10, $0xFC0;
	[tilespmem:s12+$0x0] =	vst v0;
	s12 =	smov.u32 s10;
	s10 =	sadd.s32 $0x40, s10  }
.Ltmp23:
0xc1: {  	(pc) =	sbr.rel @p2 .LBB2_47-.Ltmp23, $3  }
0xc2: {  	_ =	sdelay $0x1  }
0xc3: {  	s12 =	sshra.s32 s12, $0x2  }
0xc4: {  	s12 =	sadd.s32 s12, s9  }
0xc5: {  	[tilespmem:s12+$0x0] =	vst v0;
	s9 =	simm.s32 $0x40;
	s10 =	sadd.s32 $0x0, s8  }
.LBB2_49:
0xc6: {  	p2 =	sne.s32 s9, $0xFC0;
	[tilespmem:s10+$0x0] =	vst v0;
	s10 =	smov.u32 s9;
	s9 =	sadd.s32 $0x40, s9  }
.Ltmp24:
0xc7: {  	(pc) =	sbr.rel @p2 .LBB2_49-.Ltmp24, $3  }
0xc8: {  	_ =	sdelay $0x1  }
0xc9: {  	s10 =	sshra.s32 s10, $0x2  }
0xca: {  	s10 =	sadd.s32 s10, s8  }
0xcb: {  	[tilespmem:s10+$0x0] =	vst v0;
	s8 =	simm.s32 $0x40;
	s9 =	sadd.s32 $0x0, s3  }
.LBB2_51:
0xcc: {  	p2 =	sne.s32 s8, $0xFC0;
	[tilespmem:s9+$0x0] =	vst v0;
	s9 =	smov.u32 s8;
	s8 =	sadd.s32 $0x40, s8  }
.Ltmp25:
0xcd: {  	(pc) =	sbr.rel @p2 .LBB2_51-.Ltmp25, $3  }
0xce: {  	_ =	sdelay $0x1  }
0xcf: {  	s9 =	sshra.s32 s9, $0x2  }
0xd0: {  	s9 =	sadd.s32 s9, s3  }
0xd1: {  	[tilespmem:s9+$0x0] =	vst v0;
	s3 =	simm.s32 $0x40;
	s8 =	sadd.s32 $0x0, s16  }
.LBB2_53:
0xd2: {  	p2 =	sne.s32 s3, $0xFC0;
	[tilespmem:s8+$0x0] =	vst v0;
	s8 =	smov.u32 s3;
	s3 =	sadd.s32 $0x40, s3  }
.Ltmp26:
0xd3: {  	(pc) =	sbr.rel @p2 .LBB2_53-.Ltmp26, $3  }
0xd4: {  	_ =	sdelay $0x1  }
0xd5: {  	s8 =	sshra.s32 s8, $0x2  }
0xd6: {  	s8 =	sadd.s32 s8, s16  }
0xd7: {  	[tilespmem:s8+$0x0] =	vst v0;
	s3 =	simm.s32 $0x0;
	s8 =	simm.s32 $0x40;
	s9 =	sadd.s32 $0x0, s2  }
.LBB2_55:
0xd8: {  	p2 =	sne.s32 s8, $0xFC0;
	[tilespmem:s9+$0x0] =	vst v0;
	s9 =	smov.u32 s8;
	s8 =	sadd.s32 $0x40, s8  }
.Ltmp27:
0xd9: {  	(pc) =	sbr.rel @p2 .LBB2_55-.Ltmp27, $3  }
0xda: {  	_ =	sdelay $0x1  }
0xdb: {  	s9 =	sshra.s32 s9, $0x2  }
0xdc: {  	s9 =	sadd.s32 s9, s2  }
0xdd: {  	[tilespmem:s9+$0x0] =	vst v0  }
.LBB2_57:
0xde: {  	p2 =	sne.s32 s3, $0xFC0  }
.Ltmp28:
0xdf: {  	_ = 	snop;
	(pc) =	sbr.rel @p2 .LBB2_57-.Ltmp28, $4  }
0xe0: {  	_ = 	snop  }
0xe1: {  	s2 =	sshra.s32 s3, $0x2  }
0xe2: {  	s2 =	sadd.s32 s2, s0  }
0xe3: {  	s3 =	sadd.s32 $0x40, s3;
	[tilespmem:s2+$0x0] =	vst v0  }
0xe4: {  	v1 =	vmov s15;
	_ =	sdelay $0x3  }
0xe5: {  	s0 =	simm.s32 $0x40;
	s2 =	simm.s32 $0x0  }
.LBB2_59:
0xe6: {  	p2 =	seq.s32 s0, $0xFC0;
	[tilespmem:v1+s2+$0x0 ss:$0x1] =	vst.idx.msk $0xffff, v0;
	s2 =	smov.u32 s0;
	s0 =	sadd.s32 $0x40, s0  }
.Ltmp29:
0xe7: {  	(pc) =	sbr.rel @!p2 .LBB2_59-.Ltmp29, $2  }
0xe8: {  	_ =	sdelay $0x2  }
0xe9: {  	s2 =	sshra.s32 s2, $0x2  }
0xea: {  	_ =	sdelay $0x3  }
0xeb: {  	[tilespmem:v1+s2+$0x0 ss:$0x1] =	vst.idx.msk $0xffff, v0  }
0xec: {  	s12 =	sadd.s32 $0x400, s26  }
0xed: {  	p2 =	sgt.s32 s12, s29  }
.Ltmp30:
0xee: {  	_ = 	snop;
	(pc) =	sbr.rel @!p2 .LBB2_42-.Ltmp30, $2  }
0xef: {  	_ =	sdelay $0x2  }
0xf0: {  	s31 =	sadd.s32 $0x400, s31  }
.LBB2_39:
0xf1: {  	s0 =	sxor.u32 $0x80000000, s30;
	s2 =	sadd.s32 $0x800, s26  }
0xf2: {  	p2 =	sge.s32 s0, s2  }
.Ltmp31:
0xf3: {  	_ = 	snop;
	(pc) =	sbr.rel @p2 .LBB2_61-.Ltmp31, $2  }
0xf4: {  	_ =	sdelay $0x2  }
0xf5: {  	s29 =	simm.s32 $0x0  }
.LBB2_40:
0xf6: {  	s0 =	sshra.s32 s29, $0x2  }
0xf7: {  	v1 =	vld [tilespmem:s0+$0x16800];
	_ =	sdelay $0x4  }
0xf8: {  	v2 =	vadd.s32 $0x2800, v1  }
0xf9: {  	v3 =	vadd.s32 $0x5000, v1  }
0xfa: {  	v4 =	vld [tilespmem:s0+$0x18100];
	v5 =	vadd.s32 $0x7800, v1  }
0xfb: {  	v7 =	vadd.s32 $0xA000, v1;
	v6 =	vld.idx.msk [tilespmem:v1+s14+$0x0], $0xffff  }
0xfc: {  	v9 =	vadd.s32 $0xC800, v1;
	v8 =	vld.idx.msk [tilespmem:v1+s1+$0x0], $0xffff  }
0xfd: {  	v10 =	vadd.s32 $0xF000, v1;
	v2 =	vld.idx.msk [tilespmem:v2+s1+$0x0], $0xffff  }
0xfe: {  	v1 =	vadd.s32 $0x11800, v1;
	v3 =	vld.idx.msk [tilespmem:v3+s1+$0x0], $0xffff  }
0xff: {  	v4 =	vand.u32 $0x7FF, v4;
	v5 =	vld.idx.msk [tilespmem:v5+s1+$0x0], $0xffff  }
0x100: {  	v7 =	vld.idx.msk [tilespmem:v7+s1+$0x0], $0xffff  }
0x101: {  	v11 =	vor.u32 $0x800, v4;
	v9 =	vld.idx.msk [tilespmem:v9+s1+$0x0], $0xffff  }
0x102: {  	v12 =	vor.u32 $0x1000, v4;
	v10 =	vld.idx.msk [tilespmem:v10+s1+$0x0], $0xffff  }
0x103: {  	v13 =	vor.u32 $0x1800, v4;
	v1 =	vld.idx.msk [tilespmem:v1+s1+$0x0], $0xffff  }
0x104: {  	v32 =	vor.u32 $0x2000, v4;
	[tilespmem:v4+s21+$0x0] =	vst.idx.add.f32.msk $0xffff, v6  }
0x105: {  	v33 =	vor.u32 $0x2800, v4;
	[tilespmem:v4+s22+$0x0] =	vst.idx.add.f32.msk $0xffff, v8  }
0x106: {  	[tilespmem:v11+s22+$0x0] =	vst.idx.add.f32.msk $0xffff, v2;
	v2 =	vor.u32 $0x3000, v4  }
0x107: {  	[tilespmem:v12+s22+$0x0] =	vst.idx.add.f32.msk $0xffff, v3;
	v3 =	vor.u32 $0x3800, v4  }
0x108: {  	[tilespmem:v13+s22+$0x0] =	vst.idx.add.f32.msk $0xffff, v5  }
0x109: {  	[tilespmem:v32+s22+$0x0] =	vst.idx.add.f32.msk $0xffff, v7  }
0x10a: {  	[tilespmem:v33+s22+$0x0] =	vst.idx.add.f32.msk $0xffff, v9  }
0x10b: {  	[tilespmem:v2+s22+$0x0] =	vst.idx.add.f32.msk $0xffff, v10  }
0x10c: {  	[tilespmem:v3+s22+$0x0] =	vst.idx.add.f32.msk $0xffff, v1  }
0x10d: {  	v1 =	vld [tilespmem:s0+$0x16810];
	_ =	sdelay $0x4  }
0x10e: {  	v2 =	vadd.s32 $0x2800, v1  }
0x10f: {  	v3 =	vadd.s32 $0x5000, v1  }
0x110: {  	v34 =	vld [tilespmem:s0+$0x18110];
	v35 =	vadd.s32 $0x7800, v1  }
0x111: {  	v36 =	vadd.s32 $0xA000, v1;
	v6 =	vld.idx.msk [tilespmem:v1+s14+$0x0], $0xffff  }
0x112: {  	v37 =	vadd.s32 $0xC800, v1;
	v8 =	vld.idx.msk [tilespmem:v1+s1+$0x0], $0xffff  }
0x113: {  	v38 =	vadd.s32 $0xF000, v1;
	v2 =	vld.idx.msk [tilespmem:v2+s1+$0x0], $0xffff  }
0x114: {  	v1 =	vadd.s32 $0x11800, v1;
	v3 =	vld.idx.msk [tilespmem:v3+s1+$0x0], $0xffff  }
0x115: {  	v4 =	vand.u32 $0x7FF, v34;
	v5 =	vld.idx.msk [tilespmem:v35+s1+$0x0], $0xffff  }
0x116: {  	v7 =	vld.idx.msk [tilespmem:v36+s1+$0x0], $0xffff  }
0x117: {  	v39 =	vor.u32 $0x800, v4;
	v9 =	vld.idx.msk [tilespmem:v37+s1+$0x0], $0xffff  }
0x118: {  	v40 =	vor.u32 $0x1000, v4;
	v10 =	vld.idx.msk [tilespmem:v38+s1+$0x0], $0xffff  }
0x119: {  	v41 =	vor.u32 $0x1800, v4;
	v1 =	vld.idx.msk [tilespmem:v1+s1+$0x0], $0xffff  }
0x11a: {  	v42 =	vor.u32 $0x2000, v4;
	[tilespmem:v4+s21+$0x0] =	vst.idx.add.f32.msk $0xffff, v6  }
0x11b: {  	v43 =	vor.u32 $0x2800, v4;
	[tilespmem:v4+s22+$0x0] =	vst.idx.add.f32.msk $0xffff, v8  }
0x11c: {  	[tilespmem:v39+s22+$0x0] =	vst.idx.add.f32.msk $0xffff, v2;
	v2 =	vor.u32 $0x3000, v4  }
0x11d: {  	[tilespmem:v40+s22+$0x0] =	vst.idx.add.f32.msk $0xffff, v3;
	v3 =	vor.u32 $0x3800, v4  }
0x11e: {  	[tilespmem:v41+s22+$0x0] =	vst.idx.add.f32.msk $0xffff, v5  }
0x11f: {  	[tilespmem:v42+s22+$0x0] =	vst.idx.add.f32.msk $0xffff, v7  }
0x120: {  	[tilespmem:v43+s22+$0x0] =	vst.idx.add.f32.msk $0xffff, v9  }
0x121: {  	[tilespmem:v2+s22+$0x0] =	vst.idx.add.f32.msk $0xffff, v10  }
0x122: {  	[tilespmem:v3+s22+$0x0] =	vst.idx.add.f32.msk $0xffff, v1  }
0x123: {  	v1 =	vld [tilespmem:s0+$0x16820];
	_ =	sdelay $0x4  }
0x124: {  	v2 =	vadd.s32 $0x2800, v1  }
0x125: {  	v3 =	vadd.s32 $0x5000, v1  }
0x126: {  	v44 =	vld [tilespmem:s0+$0x18120];
	v45 =	vadd.s32 $0x7800, v1  }
0x127: {  	v46 =	vadd.s32 $0xA000, v1;
	v6 =	vld.idx.msk [tilespmem:v1+s14+$0x0], $0xffff  }
0x128: {  	v47 =	vadd.s32 $0xC800, v1;
	v8 =	vld.idx.msk [tilespmem:v1+s1+$0x0], $0xffff  }
0x129: {  	v48 =	vadd.s32 $0xF000, v1;
	v2 =	vld.idx.msk [tilespmem:v2+s1+$0x0], $0xffff  }
0x12a: {  	v1 =	vadd.s32 $0x11800, v1;
	v3 =	vld.idx.msk [tilespmem:v3+s1+$0x0], $0xffff  }
0x12b: {  	v4 =	vand.u32 $0x7FF, v44;
	v5 =	vld.idx.msk [tilespmem:v45+s1+$0x0], $0xffff  }
0x12c: {  	v7 =	vld.idx.msk [tilespmem:v46+s1+$0x0], $0xffff  }
0x12d: {  	v49 =	vor.u32 $0x800, v4;
	v9 =	vld.idx.msk [tilespmem:v47+s1+$0x0], $0xffff  }
0x12e: {  	v50 =	vor.u32 $0x1000, v4;
	v10 =	vld.idx.msk [tilespmem:v48+s1+$0x0], $0xffff  }
0x12f: {  	v51 =	vor.u32 $0x1800, v4;
	v1 =	vld.idx.msk [tilespmem:v1+s1+$0x0], $0xffff  }
0x130: {  	v52 =	vor.u32 $0x2000, v4;
	[tilespmem:v4+s21+$0x0] =	vst.idx.add.f32.msk $0xffff, v6  }
0x131: {  	v53 =	vor.u32 $0x2800, v4;
	[tilespmem:v4+s22+$0x0] =	vst.idx.add.f32.msk $0xffff, v8  }
0x132: {  	[tilespmem:v49+s22+$0x0] =	vst.idx.add.f32.msk $0xffff, v2;
	v2 =	vor.u32 $0x3000, v4  }
0x133: {  	[tilespmem:v50+s22+$0x0] =	vst.idx.add.f32.msk $0xffff, v3;
	v3 =	vor.u32 $0x3800, v4  }
0x134: {  	[tilespmem:v51+s22+$0x0] =	vst.idx.add.f32.msk $0xffff, v5  }
0x135: {  	[tilespmem:v52+s22+$0x0] =	vst.idx.add.f32.msk $0xffff, v7  }
0x136: {  	[tilespmem:v53+s22+$0x0] =	vst.idx.add.f32.msk $0xffff, v9  }
0x137: {  	[tilespmem:v2+s22+$0x0] =	vst.idx.add.f32.msk $0xffff, v10  }
0x138: {  	[tilespmem:v3+s22+$0x0] =	vst.idx.add.f32.msk $0xffff, v1  }
0x139: {  	v1 =	vld [tilespmem:s0+$0x16830];
	_ =	sdelay $0x4  }
0x13a: {  	v2 =	vadd.s32 $0x2800, v1  }
0x13b: {  	v3 =	vadd.s32 $0x5000, v1  }
0x13c: {  	v54 =	vld [tilespmem:s0+$0x18130];
	v55 =	vadd.s32 $0x7800, v1  }
0x13d: {  	v56 =	vadd.s32 $0xA000, v1;
	v6 =	vld.idx.msk [tilespmem:v1+s14+$0x0], $0xffff  }
0x13e: {  	v57 =	vadd.s32 $0xC800, v1;
	v8 =	vld.idx.msk [tilespmem:v1+s1+$0x0], $0xffff  }
0x13f: {  	v58 =	vadd.s32 $0xF000, v1;
	v2 =	vld.idx.msk [tilespmem:v2+s1+$0x0], $0xffff  }
0x140: {  	v1 =	vadd.s32 $0x11800, v1;
	v3 =	vld.idx.msk [tilespmem:v3+s1+$0x0], $0xffff  }
0x141: {  	v4 =	vand.u32 $0x7FF, v54;
	v5 =	vld.idx.msk [tilespmem:v55+s1+$0x0], $0xffff  }
0x142: {  	v7 =	vld.idx.msk [tilespmem:v56+s1+$0x0], $0xffff  }
0x143: {  	v59 =	vor.u32 $0x800, v4;
	v9 =	vld.idx.msk [tilespmem:v57+s1+$0x0], $0xffff  }
0x144: {  	v60 =	vor.u32 $0x1000, v4;
	v10 =	vld.idx.msk [tilespmem:v58+s1+$0x0], $0xffff  }
0x145: {  	v61 =	vor.u32 $0x1800, v4;
	v1 =	vld.idx.msk [tilespmem:v1+s1+$0x0], $0xffff  }
0x146: {  	v62 =	vor.u32 $0x2000, v4;
	[tilespmem:v4+s21+$0x0] =	vst.idx.add.f32.msk $0xffff, v6  }
0x147: {  	v63 =	vor.u32 $0x2800, v4;
	[tilespmem:v4+s22+$0x0] =	vst.idx.add.f32.msk $0xffff, v8  }
0x148: {  	[tilespmem:v59+s22+$0x0] =	vst.idx.add.f32.msk $0xffff, v2;
	v2 =	vor.u32 $0x3000, v4  }
0x149: {  	p2 =	seq.s32 s29, $0x3100;
	[tilespmem:v60+s22+$0x0] =	vst.idx.add.f32.msk $0xffff, v3;
	v3 =	vor.u32 $0x3800, v4  }
.Ltmp32:
0x14a: {  	[tilespmem:v61+s22+$0x0] =	vst.idx.add.f32.msk $0xffff, v5;
	(pc) =	sbr.rel @!p2 .LBB2_40-.Ltmp32, $4  }
0x14b: {  	[tilespmem:v62+s22+$0x0] =	vst.idx.add.f32.msk $0xffff, v7  }
0x14c: {  	[tilespmem:v63+s22+$0x0] =	vst.idx.add.f32.msk $0xffff, v9  }
0x14d: {  	[tilespmem:v2+s22+$0x0] =	vst.idx.add.f32.msk $0xffff, v10  }
0x14e: {  	s29 =	sadd.s32 $0x100, s29;
	[tilespmem:v3+s22+$0x0] =	vst.idx.add.f32.msk $0xffff, v1  }
.LBB2_84:
0x14f: {  	p2 =	seq.s32 s28, $0x18  }
0x150: {  	s0 =	smul.u32 @!p2 $0x1900, s28;
	_ =	sdelay $0x1  }
0x151: {  	s0 =	sshrl.u32 @!p2 s0, $0x3  }
0x152: {  	s0 =	sadd.s32 @!p2 $0x320, s0  }
0x153: {  	s3 =	simm.s32 @!p2 $0x0;
	s8 =	simm.s32 @!p2 $0x16800;
	s2 =	sadd.s32 @!p2 s4, s0  }
0x154: {  	[tilespmem:s8], [sflag:$0x1] =	stream.linear.gather @!p2 [hbm4b:s2+s3], $0xC80, $0x38;
	[tilespmem:$0x1E200] =	vst v63  }
0x155: {  	s0 =	sadd.s32 @!p2 s5, s0;
	s2 =	simm.s32 @!p2 $0x18100  }
0x156: {  	[tilespmem:s2], [sflag:$0x3] =	stream.linear.gather @!p2 [hbm4b:s0+s3], $0xC80, $0x38;
	[tilespmem:$0x1E200] =	vst v63  }
0x157: {  	_ =	swait.ge [sflag:s23], $0xC80  }
0x158: {  	[sflag:s23] =	ssyncset.done $0x0  }
0x159: {  	[sflag:s23] =	ssyncadd.s32 $0xFFFFF380  }
0x15a: {  	_ =	swait.ge [sflag:s24], $0xC80  }
0x15b: {  	[sflag:s24] =	ssyncset.done $0x0  }
0x15c: {  	[sflag:s24] =	ssyncadd.s32 $0xFFFFF380  }
0x15d: {  	v1 =	vld [tilespmem:$0x18D80];
	_ =	sdelay $0x3  }
0x15e: {  	v2 =	vld [tilespmem:$0x199F0]  }
0x15f: {  	v1 =	vxor.u32 $0x80000000, v1  }
0x160: {  	(xrf0) =	vmin.scan.msk.u32 $0xffff, v1;
	_ =	sdelay $0x2  }
0x161: {  	v1 =	vxor.u32 $0x80000000, v2;
	_ =	sdelay $0x2  }
0x162: {  	(xrf0) =	vmax.scan.msk.u32 $0xffff, v1;
	v1, _, _ =	vpop (xrf0)  }
0x163: {  	(v2sf) =	vpush v1, $0xF;
	_ =	sdelay $0x5  }
0x164: {  	v1, _, _ =	vpop (xrf0)  }
0x165: {  	(v2sf) =	vpush v1, $0xF;
	_ =	sdelay $0x7  }
0x166: {  	s25 =	spop (v2sf)  }
0x167: {  	s12 =	sadd.s32 $0x400, s26;
	s29 =	sxor.u32 $0x80000000, s25  }
0x168: {  	p3 =	sgt.s32 s12, s29  }
.Ltmp33:
0x169: {  	_ = 	snop;
	(pc) =	sbr.rel @p3 .LBB2_85-.Ltmp33, $2  }
0x16a: {  	_ =	sdelay $0x2  }
0x16b: {  	s31 =	smov.u32 s26;
	s30 =	spop (v2sf)  }
.LBB2_88:
0x16c: {  	s0 =	sadd.s32 s11, s31  }
0x16d: {  	s15 =	sand.u32 $0x400, s31;
	s0 =	sshrl.u32 s0, $0x3  }
0x16e: {  	s17 =	sor.u32 $0x19A00, s15;
	s18 =	sadd.s32 s6, s0  }
0x16f: {  	[hbm4b:s18+s1] =	stream.linear.scatter [tilespmem:s17], [sflag:$0x5], $0x400, $0x38;
	[tilespmem:$0x1E200] =	vst v63  }
0x170: {  	s10 =	sor.u32 $0x1A200, s15;
	s0 =	sadd.s32 $0xA00, s18  }
0x171: {  	[hbm4b:s0+s1] =	stream.linear.scatter [tilespmem:s10], [sflag:$0x5], $0x400, $0x38;
	[tilespmem:$0x1E200] =	vst v63  }
0x172: {  	s9 =	sor.u32 $0x1AA00, s15;
	s2 =	sadd.s32 $0x1400, s18  }
0x173: {  	[hbm4b:s2+s1] =	stream.linear.scatter [tilespmem:s9], [sflag:$0x5], $0x400, $0x38;
	[tilespmem:$0x1E200] =	vst v63  }
0x174: {  	s8 =	sor.u32 $0x1B200, s15;
	s3 =	sadd.s32 $0x1E00, s18  }
0x175: {  	[hbm4b:s3+s1] =	stream.linear.scatter [tilespmem:s8], [sflag:$0x5], $0x400, $0x38;
	[tilespmem:$0x1E200] =	vst v63  }
0x176: {  	s16 =	sadd.s32 $0x2800, s18;
	s3 =	sor.u32 $0x1BA00, s15  }
0x177: {  	[hbm4b:s16+s1] =	stream.linear.scatter [tilespmem:s3], [sflag:$0x5], $0x400, $0x38;
	[tilespmem:$0x1E200] =	vst v63  }
0x178: {  	s25 =	sadd.s32 $0x3200, s18;
	s16 =	sor.u32 $0x1C200, s15  }
0x179: {  	[hbm4b:s25+s1] =	stream.linear.scatter [tilespmem:s16], [sflag:$0x5], $0x400, $0x38;
	[tilespmem:$0x1E200] =	vst v63  }
0x17a: {  	s26 =	sadd.s32 $0x3C00, s18;
	s2 =	sor.u32 $0x1CA00, s15  }
0x17b: {  	[hbm4b:s26+s1] =	stream.linear.scatter [tilespmem:s2], [sflag:$0x5], $0x400, $0x38;
	[tilespmem:$0x1E200] =	vst v63  }
0x17c: {  	s18 =	sadd.s32 $0x4600, s18;
	s0 =	sor.u32 $0x1D200, s15  }
0x17d: {  	[hbm4b:s18+s1] =	stream.linear.scatter [tilespmem:s0], [sflag:$0x5], $0x400, $0x38;
	[tilespmem:$0x1E200] =	vst v63  }
0x17e: {  	_ =	swait.ge [sflag:s13], $0x2000  }
0x17f: {  	s25 =	sadd.s32 @!p0 $0x1DA00, s15;
	s18 =	sshrl.u32 @!p0 s31, $0x3;
	[sflag:s13] =	ssyncset.done $0x0  }
0x180: {  	s26 =	simm.s32 @!p0 $0x0;
	s18 =	sadd.s32 @!p0 s7, s18;
	[sflag:s13] =	ssyncadd.s32 $0xFFFFE000  }
0x181: {  	v1 =	vmov s17;
	[hbm4b:s18+s26] =	stream.linear.scatter @!p0 [tilespmem:s25], [sflag:$0x5], $0x400, $0x38;
	[tilespmem:$0x1E200] =	vst v63  }
0x182: {  	s18 =	simm.s32 @!p0 $0x5  }
0x183: {  	_ =	swait.ge @!p0 [sflag:s18], $0x400  }
0x184: {  	s15 =	sor.u32 $0x1DA00, s15;
	s26 =	smov.u32 s12;
	[sflag:s18] =	ssyncset.done @!p0 $0x0  }
0x185: {  	s12 =	simm.s32 $0x40;
	s25 =	simm.s32 $0x0;
	[sflag:s18] =	ssyncadd.s32 @!p0 $0xFFFFFC00  }
.LBB2_89:
0x186: {  	p3 =	sne.s32 s12, $0xFC0;
	[tilespmem:v1+s25+$0x0 ss:$0x1] =	vst.idx.msk $0xffff, v0;
	s17 =	smov.u32 s12;
	s12 =	sadd.s32 $0x40, s12  }
.Ltmp34:
0x187: {  	(pc) =	sbr.rel @p3 .LBB2_89-.Ltmp34, $2  }
0x188: {  	_ =	sdelay $0x2  }
0x189: {  	s25 =	sshra.s32 s17, $0x2  }
0x18a: {  	_ =	sdelay $0x3  }
0x18b: {  	[tilespmem:v1+s25+$0x0 ss:$0x1] =	vst.idx.msk $0xffff, v0;
	s12 =	simm.s32 $0x40;
	s25 =	sadd.s32 $0x0, s10  }
.LBB2_91:
0x18c: {  	p3 =	sne.s32 s12, $0xFC0;
	[tilespmem:s25+$0x0] =	vst v0;
	s17 =	smov.u32 s12;
	s12 =	sadd.s32 $0x40, s12  }
.Ltmp35:
0x18d: {  	(pc) =	sbr.rel @p3 .LBB2_91-.Ltmp35, $3  }
0x18e: {  	_ =	sdelay $0x1  }
0x18f: {  	s17 =	sshra.s32 s17, $0x2  }
0x190: {  	s25 =	sadd.s32 s17, s10  }
0x191: {  	[tilespmem:s25+$0x0] =	vst v0;
	s10 =	simm.s32 $0x40;
	s12 =	sadd.s32 $0x0, s9  }
.LBB2_93:
0x192: {  	p3 =	sne.s32 s10, $0xFC0;
	[tilespmem:s12+$0x0] =	vst v0;
	s12 =	smov.u32 s10;
	s10 =	sadd.s32 $0x40, s10  }
.Ltmp36:
0x193: {  	(pc) =	sbr.rel @p3 .LBB2_93-.Ltmp36, $3  }
0x194: {  	_ =	sdelay $0x1  }
0x195: {  	s12 =	sshra.s32 s12, $0x2  }
0x196: {  	s12 =	sadd.s32 s12, s9  }
0x197: {  	[tilespmem:s12+$0x0] =	vst v0;
	s9 =	simm.s32 $0x40;
	s10 =	sadd.s32 $0x0, s8  }
.LBB2_95:
0x198: {  	p3 =	sne.s32 s9, $0xFC0;
	[tilespmem:s10+$0x0] =	vst v0;
	s10 =	smov.u32 s9;
	s9 =	sadd.s32 $0x40, s9  }
.Ltmp37:
0x199: {  	(pc) =	sbr.rel @p3 .LBB2_95-.Ltmp37, $3  }
0x19a: {  	_ =	sdelay $0x1  }
0x19b: {  	s10 =	sshra.s32 s10, $0x2  }
0x19c: {  	s10 =	sadd.s32 s10, s8  }
0x19d: {  	[tilespmem:s10+$0x0] =	vst v0;
	s8 =	simm.s32 $0x40;
	s9 =	sadd.s32 $0x0, s3  }
.LBB2_97:
0x19e: {  	p3 =	sne.s32 s8, $0xFC0;
	[tilespmem:s9+$0x0] =	vst v0;
	s9 =	smov.u32 s8;
	s8 =	sadd.s32 $0x40, s8  }
.Ltmp38:
0x19f: {  	(pc) =	sbr.rel @p3 .LBB2_97-.Ltmp38, $3  }
0x1a0: {  	_ =	sdelay $0x1  }
0x1a1: {  	s9 =	sshra.s32 s9, $0x2  }
0x1a2: {  	s9 =	sadd.s32 s9, s3  }
0x1a3: {  	[tilespmem:s9+$0x0] =	vst v0;
	s3 =	simm.s32 $0x40;
	s8 =	sadd.s32 $0x0, s16  }
.LBB2_99:
0x1a4: {  	p3 =	sne.s32 s3, $0xFC0;
	[tilespmem:s8+$0x0] =	vst v0;
	s8 =	smov.u32 s3;
	s3 =	sadd.s32 $0x40, s3  }
.Ltmp39:
0x1a5: {  	(pc) =	sbr.rel @p3 .LBB2_99-.Ltmp39, $3  }
0x1a6: {  	_ =	sdelay $0x1  }
0x1a7: {  	s8 =	sshra.s32 s8, $0x2  }
0x1a8: {  	s8 =	sadd.s32 s8, s16  }
0x1a9: {  	[tilespmem:s8+$0x0] =	vst v0;
	s3 =	simm.s32 $0x0;
	s8 =	simm.s32 $0x40;
	s9 =	sadd.s32 $0x0, s2  }
.LBB2_101:
0x1aa: {  	p3 =	sne.s32 s8, $0xFC0;
	[tilespmem:s9+$0x0] =	vst v0;
	s9 =	smov.u32 s8;
	s8 =	sadd.s32 $0x40, s8  }
.Ltmp40:
0x1ab: {  	(pc) =	sbr.rel @p3 .LBB2_101-.Ltmp40, $3  }
0x1ac: {  	_ =	sdelay $0x1  }
0x1ad: {  	s9 =	sshra.s32 s9, $0x2  }
0x1ae: {  	s9 =	sadd.s32 s9, s2  }
0x1af: {  	[tilespmem:s9+$0x0] =	vst v0  }
.LBB2_103:
0x1b0: {  	p3 =	sne.s32 s3, $0xFC0  }
.Ltmp41:
0x1b1: {  	_ = 	snop;
	(pc) =	sbr.rel @p3 .LBB2_103-.Ltmp41, $4  }
0x1b2: {  	_ = 	snop  }
0x1b3: {  	s2 =	sshra.s32 s3, $0x2  }
0x1b4: {  	s2 =	sadd.s32 s2, s0  }
0x1b5: {  	s3 =	sadd.s32 $0x40, s3;
	[tilespmem:s2+$0x0] =	vst v0  }
0x1b6: {  	v1 =	vmov s15;
	_ =	sdelay $0x3  }
0x1b7: {  	s0 =	simm.s32 $0x40;
	s2 =	simm.s32 $0x0  }
.LBB2_105:
0x1b8: {  	p3 =	seq.s32 s0, $0xFC0;
	[tilespmem:v1+s2+$0x0 ss:$0x1] =	vst.idx.msk $0xffff, v0;
	s2 =	smov.u32 s0;
	s0 =	sadd.s32 $0x40, s0  }
.Ltmp42:
0x1b9: {  	(pc) =	sbr.rel @!p3 .LBB2_105-.Ltmp42, $2  }
0x1ba: {  	_ =	sdelay $0x2  }
0x1bb: {  	s2 =	sshra.s32 s2, $0x2  }
0x1bc: {  	_ =	sdelay $0x3  }
0x1bd: {  	[tilespmem:v1+s2+$0x0 ss:$0x1] =	vst.idx.msk $0xffff, v0  }
0x1be: {  	s12 =	sadd.s32 $0x400, s26  }
0x1bf: {  	p3 =	sgt.s32 s12, s29  }
.Ltmp43:
0x1c0: {  	_ = 	snop;
	(pc) =	sbr.rel @!p3 .LBB2_88-.Ltmp43, $2  }
0x1c1: {  	_ =	sdelay $0x2  }
0x1c2: {  	s31 =	sadd.s32 $0x400, s31  }
.LBB2_85:
0x1c3: {  	s0 =	sxor.u32 $0x80000000, s30;
	s2 =	sadd.s32 $0x800, s26  }
0x1c4: {  	p3 =	sge.s32 s0, s2  }
.Ltmp44:
0x1c5: {  	_ = 	snop;
	(pc) =	sbr.rel @p3 .LBB2_107-.Ltmp44, $2  }
0x1c6: {  	_ =	sdelay $0x2  }
0x1c7: {  	s29 =	simm.s32 $0x0  }
.LBB2_86:
0x1c8: {  	s0 =	sshra.s32 s29, $0x2  }
0x1c9: {  	v1 =	vld [tilespmem:s0+$0x17480];
	_ =	sdelay $0x4  }
0x1ca: {  	v2 =	vadd.s32 $0x2800, v1  }
0x1cb: {  	v3 =	vadd.s32 $0x5000, v1  }
0x1cc: {  	v4 =	vld [tilespmem:s0+$0x18D80];
	v5 =	vadd.s32 $0x7800, v1  }
0x1cd: {  	v7 =	vadd.s32 $0xA000, v1;
	v6 =	vld.idx.msk [tilespmem:v1+s14+$0x0], $0xffff  }
0x1ce: {  	v9 =	vadd.s32 $0xC800, v1;
	v8 =	vld.idx.msk [tilespmem:v1+s1+$0x0], $0xffff  }
0x1cf: {  	v10 =	vadd.s32 $0xF000, v1;
	v2 =	vld.idx.msk [tilespmem:v2+s1+$0x0], $0xffff  }
0x1d0: {  	v1 =	vadd.s32 $0x11800, v1;
	v3 =	vld.idx.msk [tilespmem:v3+s1+$0x0], $0xffff  }
0x1d1: {  	v4 =	vand.u32 $0x7FF, v4;
	v5 =	vld.idx.msk [tilespmem:v5+s1+$0x0], $0xffff  }
0x1d2: {  	v7 =	vld.idx.msk [tilespmem:v7+s1+$0x0], $0xffff  }
0x1d3: {  	v11 =	vor.u32 $0x800, v4;
	v9 =	vld.idx.msk [tilespmem:v9+s1+$0x0], $0xffff  }
0x1d4: {  	v12 =	vor.u32 $0x1000, v4;
	v10 =	vld.idx.msk [tilespmem:v10+s1+$0x0], $0xffff  }
0x1d5: {  	v13 =	vor.u32 $0x1800, v4;
	v1 =	vld.idx.msk [tilespmem:v1+s1+$0x0], $0xffff  }
0x1d6: {  	v32 =	vor.u32 $0x2000, v4;
	[tilespmem:v4+s21+$0x0] =	vst.idx.add.f32.msk $0xffff, v6  }
0x1d7: {  	v33 =	vor.u32 $0x2800, v4;
	[tilespmem:v4+s22+$0x0] =	vst.idx.add.f32.msk $0xffff, v8  }
0x1d8: {  	[tilespmem:v11+s22+$0x0] =	vst.idx.add.f32.msk $0xffff, v2;
	v2 =	vor.u32 $0x3000, v4  }
0x1d9: {  	[tilespmem:v12+s22+$0x0] =	vst.idx.add.f32.msk $0xffff, v3;
	v3 =	vor.u32 $0x3800, v4  }
0x1da: {  	[tilespmem:v13+s22+$0x0] =	vst.idx.add.f32.msk $0xffff, v5  }
0x1db: {  	[tilespmem:v32+s22+$0x0] =	vst.idx.add.f32.msk $0xffff, v7  }
0x1dc: {  	[tilespmem:v33+s22+$0x0] =	vst.idx.add.f32.msk $0xffff, v9  }
0x1dd: {  	[tilespmem:v2+s22+$0x0] =	vst.idx.add.f32.msk $0xffff, v10  }
0x1de: {  	[tilespmem:v3+s22+$0x0] =	vst.idx.add.f32.msk $0xffff, v1  }
0x1df: {  	v1 =	vld [tilespmem:s0+$0x17490];
	_ =	sdelay $0x4  }
0x1e0: {  	v2 =	vadd.s32 $0x2800, v1  }
0x1e1: {  	v3 =	vadd.s32 $0x5000, v1  }
0x1e2: {  	v34 =	vld [tilespmem:s0+$0x18D90];
	v35 =	vadd.s32 $0x7800, v1  }
0x1e3: {  	v36 =	vadd.s32 $0xA000, v1;
	v6 =	vld.idx.msk [tilespmem:v1+s14+$0x0], $0xffff  }
0x1e4: {  	v37 =	vadd.s32 $0xC800, v1;
	v8 =	vld.idx.msk [tilespmem:v1+s1+$0x0], $0xffff  }
0x1e5: {  	v38 =	vadd.s32 $0xF000, v1;
	v2 =	vld.idx.msk [tilespmem:v2+s1+$0x0], $0xffff  }
0x1e6: {  	v1 =	vadd.s32 $0x11800, v1;
	v3 =	vld.idx.msk [tilespmem:v3+s1+$0x0], $0xffff  }
0x1e7: {  	v4 =	vand.u32 $0x7FF, v34;
	v5 =	vld.idx.msk [tilespmem:v35+s1+$0x0], $0xffff  }
0x1e8: {  	v7 =	vld.idx.msk [tilespmem:v36+s1+$0x0], $0xffff  }
0x1e9: {  	v39 =	vor.u32 $0x800, v4;
	v9 =	vld.idx.msk [tilespmem:v37+s1+$0x0], $0xffff  }
0x1ea: {  	v40 =	vor.u32 $0x1000, v4;
	v10 =	vld.idx.msk [tilespmem:v38+s1+$0x0], $0xffff  }
0x1eb: {  	v41 =	vor.u32 $0x1800, v4;
	v1 =	vld.idx.msk [tilespmem:v1+s1+$0x0], $0xffff  }
0x1ec: {  	v42 =	vor.u32 $0x2000, v4;
	[tilespmem:v4+s21+$0x0] =	vst.idx.add.f32.msk $0xffff, v6  }
0x1ed: {  	v43 =	vor.u32 $0x2800, v4;
	[tilespmem:v4+s22+$0x0] =	vst.idx.add.f32.msk $0xffff, v8  }
0x1ee: {  	[tilespmem:v39+s22+$0x0] =	vst.idx.add.f32.msk $0xffff, v2;
	v2 =	vor.u32 $0x3000, v4  }
0x1ef: {  	[tilespmem:v40+s22+$0x0] =	vst.idx.add.f32.msk $0xffff, v3;
	v3 =	vor.u32 $0x3800, v4  }
0x1f0: {  	[tilespmem:v41+s22+$0x0] =	vst.idx.add.f32.msk $0xffff, v5  }
0x1f1: {  	[tilespmem:v42+s22+$0x0] =	vst.idx.add.f32.msk $0xffff, v7  }
0x1f2: {  	[tilespmem:v43+s22+$0x0] =	vst.idx.add.f32.msk $0xffff, v9  }
0x1f3: {  	[tilespmem:v2+s22+$0x0] =	vst.idx.add.f32.msk $0xffff, v10  }
0x1f4: {  	[tilespmem:v3+s22+$0x0] =	vst.idx.add.f32.msk $0xffff, v1  }
0x1f5: {  	v1 =	vld [tilespmem:s0+$0x174A0];
	_ =	sdelay $0x4  }
0x1f6: {  	v2 =	vadd.s32 $0x2800, v1  }
0x1f7: {  	v3 =	vadd.s32 $0x5000, v1  }
0x1f8: {  	v44 =	vld [tilespmem:s0+$0x18DA0];
	v45 =	vadd.s32 $0x7800, v1  }
0x1f9: {  	v46 =	vadd.s32 $0xA000, v1;
	v6 =	vld.idx.msk [tilespmem:v1+s14+$0x0], $0xffff  }
0x1fa: {  	v47 =	vadd.s32 $0xC800, v1;
	v8 =	vld.idx.msk [tilespmem:v1+s1+$0x0], $0xffff  }
0x1fb: {  	v48 =	vadd.s32 $0xF000, v1;
	v2 =	vld.idx.msk [tilespmem:v2+s1+$0x0], $0xffff  }
0x1fc: {  	v1 =	vadd.s32 $0x11800, v1;
	v3 =	vld.idx.msk [tilespmem:v3+s1+$0x0], $0xffff  }
0x1fd: {  	v4 =	vand.u32 $0x7FF, v44;
	v5 =	vld.idx.msk [tilespmem:v45+s1+$0x0], $0xffff  }
0x1fe: {  	v7 =	vld.idx.msk [tilespmem:v46+s1+$0x0], $0xffff  }
0x1ff: {  	v49 =	vor.u32 $0x800, v4;
	v9 =	vld.idx.msk [tilespmem:v47+s1+$0x0], $0xffff  }
0x200: {  	v50 =	vor.u32 $0x1000, v4;
	v10 =	vld.idx.msk [tilespmem:v48+s1+$0x0], $0xffff  }
0x201: {  	v51 =	vor.u32 $0x1800, v4;
	v1 =	vld.idx.msk [tilespmem:v1+s1+$0x0], $0xffff  }
0x202: {  	v52 =	vor.u32 $0x2000, v4;
	[tilespmem:v4+s21+$0x0] =	vst.idx.add.f32.msk $0xffff, v6  }
0x203: {  	v53 =	vor.u32 $0x2800, v4;
	[tilespmem:v4+s22+$0x0] =	vst.idx.add.f32.msk $0xffff, v8  }
0x204: {  	[tilespmem:v49+s22+$0x0] =	vst.idx.add.f32.msk $0xffff, v2;
	v2 =	vor.u32 $0x3000, v4  }
0x205: {  	[tilespmem:v50+s22+$0x0] =	vst.idx.add.f32.msk $0xffff, v3;
	v3 =	vor.u32 $0x3800, v4  }
0x206: {  	[tilespmem:v51+s22+$0x0] =	vst.idx.add.f32.msk $0xffff, v5  }
0x207: {  	[tilespmem:v52+s22+$0x0] =	vst.idx.add.f32.msk $0xffff, v7  }
0x208: {  	[tilespmem:v53+s22+$0x0] =	vst.idx.add.f32.msk $0xffff, v9  }
0x209: {  	[tilespmem:v2+s22+$0x0] =	vst.idx.add.f32.msk $0xffff, v10  }
0x20a: {  	[tilespmem:v3+s22+$0x0] =	vst.idx.add.f32.msk $0xffff, v1  }
0x20b: {  	v1 =	vld [tilespmem:s0+$0x174B0];
	_ =	sdelay $0x4  }
0x20c: {  	v2 =	vadd.s32 $0x2800, v1  }
0x20d: {  	v3 =	vadd.s32 $0x5000, v1  }
0x20e: {  	v54 =	vld [tilespmem:s0+$0x18DB0];
	v55 =	vadd.s32 $0x7800, v1  }
0x20f: {  	v56 =	vadd.s32 $0xA000, v1;
	v6 =	vld.idx.msk [tilespmem:v1+s14+$0x0], $0xffff  }
0x210: {  	v57 =	vadd.s32 $0xC800, v1;
	v8 =	vld.idx.msk [tilespmem:v1+s1+$0x0], $0xffff  }
0x211: {  	v58 =	vadd.s32 $0xF000, v1;
	v2 =	vld.idx.msk [tilespmem:v2+s1+$0x0], $0xffff  }
0x212: {  	v1 =	vadd.s32 $0x11800, v1;
	v3 =	vld.idx.msk [tilespmem:v3+s1+$0x0], $0xffff  }
0x213: {  	v4 =	vand.u32 $0x7FF, v54;
	v5 =	vld.idx.msk [tilespmem:v55+s1+$0x0], $0xffff  }
0x214: {  	v7 =	vld.idx.msk [tilespmem:v56+s1+$0x0], $0xffff  }
0x215: {  	v59 =	vor.u32 $0x800, v4;
	v9 =	vld.idx.msk [tilespmem:v57+s1+$0x0], $0xffff  }
0x216: {  	v60 =	vor.u32 $0x1000, v4;
	v10 =	vld.idx.msk [tilespmem:v58+s1+$0x0], $0xffff  }
0x217: {  	v61 =	vor.u32 $0x1800, v4;
	v1 =	vld.idx.msk [tilespmem:v1+s1+$0x0], $0xffff  }
0x218: {  	v62 =	vor.u32 $0x2000, v4;
	[tilespmem:v4+s21+$0x0] =	vst.idx.add.f32.msk $0xffff, v6  }
0x219: {  	v63 =	vor.u32 $0x2800, v4;
	[tilespmem:v4+s22+$0x0] =	vst.idx.add.f32.msk $0xffff, v8  }
0x21a: {  	[tilespmem:v59+s22+$0x0] =	vst.idx.add.f32.msk $0xffff, v2;
	v2 =	vor.u32 $0x3000, v4  }
0x21b: {  	p3 =	seq.s32 s29, $0x3100;
	[tilespmem:v60+s22+$0x0] =	vst.idx.add.f32.msk $0xffff, v3;
	v3 =	vor.u32 $0x3800, v4  }
.Ltmp45:
0x21c: {  	[tilespmem:v61+s22+$0x0] =	vst.idx.add.f32.msk $0xffff, v5;
	(pc) =	sbr.rel @!p3 .LBB2_86-.Ltmp45, $4  }
0x21d: {  	[tilespmem:v62+s22+$0x0] =	vst.idx.add.f32.msk $0xffff, v7  }
0x21e: {  	[tilespmem:v63+s22+$0x0] =	vst.idx.add.f32.msk $0xffff, v9  }
0x21f: {  	[tilespmem:v2+s22+$0x0] =	vst.idx.add.f32.msk $0xffff, v10  }
0x220: {  	s29 =	sadd.s32 $0x100, s29;
	[tilespmem:v3+s22+$0x0] =	vst.idx.add.f32.msk $0xffff, v1  }
.LBB2_130:
.Ltmp46:
0x221: {  	(pc) =	sbr.rel @p2 .LBB2_132-.Ltmp46, $1  }
0x222: {  	_ =	sdelay $0x3  }
0x223: {  	s0 =	smul.u32 $0x1900, s28;
	_ =	sdelay $0x1  }
0x224: {  	s0 =	sshrl.u32 s0, $0x3  }
.Ltmp47:
0x225: {  	s0 =	sadd.s32 $0x4B0, s0;
	(pc) =	sbr.rel .LBB2_38-.Ltmp47, $4  }
0x226: {  	s3 =	simm.s32 $0x17480;
	s2 =	sadd.s32 s4, s0  }
0x227: {  	[tilespmem:s3], [sflag:$0x2] =	stream.linear.gather [hbm4b:s2+s1], $0xC80, $0x38;
	[tilespmem:$0x1E200] =	vst v63  }
0x228: {  	s31 =	simm.s32 $0x18D80;
	s28 =	sadd.s32 $0x1, s28;
	s0 =	sadd.s32 s5, s0  }
0x229: {  	[tilespmem:s31], [sflag:$0x4] =	stream.linear.gather [hbm4b:s0+s1], $0xC80, $0x38;
	[tilespmem:$0x1E200] =	vst v63  }
.LBB2_83:
0x22a: {  	s29 =	sadd.s32 $0x1, s29  }
0x22b: {  	p2 =	sne.s32 s29, $0xC8  }
.Ltmp48:
0x22c: {  	_ = 	snop;
	(pc) =	sbr.rel @!p2 .LBB2_84-.Ltmp48, $1  }
0x22d: {  	_ =	sdelay $0x3  }
.LBB2_61:
.Ltmp49:
0x22e: {  	(pc) =	sbr.rel @p1 .LBB2_83-.Ltmp49, $1  }
0x22f: {  	_ =	sdelay $0x3  }
0x230: {  	s0 =	sshll.u32 s29, $0x4  }
0x231: {  	v6 =	vld [tilespmem:s0+$0x16800];
	_ =	sdelay $0x4  }
0x232: {  	v4 =	vadd.s32 $0x2800, v6  }
0x233: {  	v5 =	vadd.s32 $0x5000, v6  }
0x234: {  	v1 =	vld [tilespmem:s0+$0x18100];
	v7 =	vadd.s32 $0x7800, v6  }
0x235: {  	v8 =	vadd.s32 $0xA000, v6;
	v2 =	vld.idx.msk [tilespmem:v6+s14+$0x0], $0xffff  }
0x236: {  	v9 =	vadd.s32 $0xC800, v6;
	v3 =	vld.idx.msk [tilespmem:v6+s1+$0x0], $0xffff  }
0x237: {  	v12 =	vadd.s32 $0xF000, v6;
	v4 =	vld.idx.msk [tilespmem:v4+s1+$0x0], $0xffff  }
0x238: {  	v16 =	vadd.s32 $0x11800, v6;
	v5 =	vld.idx.msk [tilespmem:v5+s1+$0x0], $0xffff  }
0x239: {  	v6 =	vld.idx.msk [tilespmem:v7+s1+$0x0], $0xffff  }
0x23a: {  	v7 =	vld.idx.msk [tilespmem:v8+s1+$0x0], $0xffff;
	v8 =	vand.u32 $0x7FF, v1  }
0x23b: {  	v19 =	vimm.s32 $0x0;
	v9 =	vld.idx.msk [tilespmem:v9+s1+$0x0], $0xffff;
	v10 =	vor.u32 $0x800, v8  }
0x23c: {  	v12 =	vld.idx.msk [tilespmem:v12+s1+$0x0], $0xffff;
	v11 =	vor.u32 $0x1000, v8;
	v13 =	vor.u32 $0x1800, v8;
	v14 =	vor.u32 $0x2000, v8  }
0x23d: {  	v16 =	vld.idx.msk [tilespmem:v16+s1+$0x0], $0xffff;
	v15 =	vor.u32 $0x2800, v8;
	v17 =	vor.u32 $0x3000, v8;
	v18 =	vor.u32 $0x3800, v8  }
.LBB2_63:
0x23e: {  	s0 =	sadd.s32 $0x800, s26  }
0x23f: {  	vm1 =	veq.s32 v19, $0x0;
	vm0 =	vlt.s32 v1, s0  }
0x240: {  	vm0 =	vmand vm1, vm0  }
0x241: {  	v19 =	vsel vm0, $0x1, v19  }
0x242: {  	(xrf0) =	vadd.scan.msk.s32 $0xffff, v19;
	_ =	sdelay $0x5  }
0x243: {  	v20, _, _ =	vpop (xrf0)  }
0x244: {  	(v2sf) =	vpush v20, $0xF;
	_ =	sdelay $0xc  }
0x245: {  	[tilespmem:v8+s21+$0x0] =	vst.idx.add.f32.msk vm0, v2  }
0x246: {  	[tilespmem:v8+s22+$0x0] =	vst.idx.add.f32.msk vm0, v3  }
0x247: {  	[tilespmem:v10+s22+$0x0] =	vst.idx.add.f32.msk vm0, v4;
	s31 =	spop (v2sf)  }
0x248: {  	[tilespmem:v11+s22+$0x0] =	vst.idx.add.f32.msk vm0, v5;
	p2 =	sgt.s32 s31, $0xF  }
.Ltmp50:
0x249: {  	[tilespmem:v13+s22+$0x0] =	vst.idx.add.f32.msk vm0, v6;
	(pc) =	sbr.rel @p2 .LBB2_83-.Ltmp50, $4  }
0x24a: {  	[tilespmem:v14+s22+$0x0] =	vst.idx.add.f32.msk vm0, v7  }
0x24b: {  	[tilespmem:v15+s22+$0x0] =	vst.idx.add.f32.msk vm0, v9  }
0x24c: {  	[tilespmem:v17+s22+$0x0] =	vst.idx.add.f32.msk vm0, v12  }
0x24d: {  	[tilespmem:v18+s22+$0x0] =	vst.idx.add.f32.msk vm0, v16  }
0x24e: {  	s0 =	sadd.s32 s11, s26  }
0x24f: {  	s12 =	sand.u32 $0x400, s26;
	s0 =	sshrl.u32 s0, $0x3  }
0x250: {  	s17 =	sor.u32 $0x19A00, s12;
	s15 =	sadd.s32 s6, s0  }
0x251: {  	[hbm4b:s15+s1] =	stream.linear.scatter [tilespmem:s17], [sflag:$0x5], $0x400, $0x38;
	[tilespmem:$0x1E200] =	vst v63  }
0x252: {  	s10 =	sor.u32 $0x1A200, s12;
	s0 =	sadd.s32 $0xA00, s15  }
0x253: {  	[hbm4b:s0+s1] =	stream.linear.scatter [tilespmem:s10], [sflag:$0x5], $0x400, $0x38;
	[tilespmem:$0x1E200] =	vst v63  }
0x254: {  	s9 =	sor.u32 $0x1AA00, s12;
	s16 =	sadd.s32 $0x1400, s15  }
0x255: {  	[hbm4b:s16+s1] =	stream.linear.scatter [tilespmem:s9], [sflag:$0x5], $0x400, $0x38;
	[tilespmem:$0x1E200] =	vst v63  }
0x256: {  	s8 =	sor.u32 $0x1B200, s12;
	s18 =	sadd.s32 $0x1E00, s15  }
0x257: {  	[hbm4b:s18+s1] =	stream.linear.scatter [tilespmem:s8], [sflag:$0x5], $0x400, $0x38;
	[tilespmem:$0x1E200] =	vst v63  }
0x258: {  	s3 =	sor.u32 $0x1BA00, s12;
	s25 =	sadd.s32 $0x2800, s15  }
0x259: {  	[hbm4b:s25+s1] =	stream.linear.scatter [tilespmem:s3], [sflag:$0x5], $0x400, $0x38;
	[tilespmem:$0x1E200] =	vst v63  }
0x25a: {  	s30 =	sadd.s32 $0x3200, s15;
	s16 =	sor.u32 $0x1C200, s12  }
0x25b: {  	[hbm4b:s30+s1] =	stream.linear.scatter [tilespmem:s16], [sflag:$0x5], $0x400, $0x38;
	[tilespmem:$0x1E200] =	vst v63  }
0x25c: {  	s2 =	sor.u32 $0x1CA00, s12;
	s31 =	sadd.s32 $0x3C00, s15  }
0x25d: {  	[hbm4b:s31+s1] =	stream.linear.scatter [tilespmem:s2], [sflag:$0x5], $0x400, $0x38;
	[tilespmem:$0x1E200] =	vst v63  }
0x25e: {  	s15 =	sadd.s32 $0x4600, s15;
	s0 =	sor.u32 $0x1D200, s12  }
0x25f: {  	[hbm4b:s15+s1] =	stream.linear.scatter [tilespmem:s0], [sflag:$0x5], $0x400, $0x38;
	[tilespmem:$0x1E200] =	vst v63  }
0x260: {  	_ =	swait.ge [sflag:s13], $0x2000  }
0x261: {  	s18 =	sadd.s32 @!p0 $0x1DA00, s12;
	s15 =	sshrl.u32 @!p0 s26, $0x3;
	[sflag:s13] =	ssyncset.done $0x0  }
0x262: {  	s25 =	simm.s32 @!p0 $0x0;
	s15 =	sadd.s32 @!p0 s7, s15;
	[sflag:s13] =	ssyncadd.s32 $0xFFFFE000  }
0x263: {  	v20 =	vmov s17;
	[hbm4b:s15+s25] =	stream.linear.scatter @!p0 [tilespmem:s18], [sflag:$0x5], $0x400, $0x38;
	[tilespmem:$0x1E200] =	vst v63  }
0x264: {  	s18 =	simm.s32 @!p0 $0x5  }
0x265: {  	_ =	swait.ge @!p0 [sflag:s18], $0x400  }
0x266: {  	s15 =	sor.u32 $0x1DA00, s12;
	[sflag:s18] =	ssyncset.done @!p0 $0x0  }
0x267: {  	s12 =	simm.s32 $0x40;
	s25 =	simm.s32 $0x0;
	[sflag:s18] =	ssyncadd.s32 @!p0 $0xFFFFFC00  }
.LBB2_65:
0x268: {  	p2 =	sne.s32 s12, $0xFC0;
	[tilespmem:v20+s25+$0x0 ss:$0x1] =	vst.idx.msk $0xffff, v0;
	s17 =	smov.u32 s12;
	s12 =	sadd.s32 $0x40, s12  }
.Ltmp51:
0x269: {  	(pc) =	sbr.rel @p2 .LBB2_65-.Ltmp51, $2  }
0x26a: {  	_ =	sdelay $0x2  }
0x26b: {  	s25 =	sshra.s32 s17, $0x2  }
0x26c: {  	_ =	sdelay $0x3  }
0x26d: {  	[tilespmem:v20+s25+$0x0 ss:$0x1] =	vst.idx.msk $0xffff, v0;
	s12 =	simm.s32 $0x40;
	s25 =	sadd.s32 $0x0, s10  }
.LBB2_67:
0x26e: {  	p2 =	sne.s32 s12, $0xFC0;
	[tilespmem:s25+$0x0] =	vst v0;
	s17 =	smov.u32 s12;
	s12 =	sadd.s32 $0x40, s12  }
.Ltmp52:
0x26f: {  	(pc) =	sbr.rel @p2 .LBB2_67-.Ltmp52, $3  }
0x270: {  	_ =	sdelay $0x1  }
0x271: {  	s17 =	sshra.s32 s17, $0x2  }
0x272: {  	s25 =	sadd.s32 s17, s10  }
0x273: {  	[tilespmem:s25+$0x0] =	vst v0;
	s10 =	simm.s32 $0x40;
	s12 =	sadd.s32 $0x0, s9  }
.LBB2_69:
0x274: {  	p2 =	sne.s32 s10, $0xFC0;
	[tilespmem:s12+$0x0] =	vst v0;
	s12 =	smov.u32 s10;
	s10 =	sadd.s32 $0x40, s10  }
.Ltmp53:
0x275: {  	(pc) =	sbr.rel @p2 .LBB2_69-.Ltmp53, $3  }
0x276: {  	_ =	sdelay $0x1  }
0x277: {  	s12 =	sshra.s32 s12, $0x2  }
0x278: {  	s12 =	sadd.s32 s12, s9  }
0x279: {  	[tilespmem:s12+$0x0] =	vst v0;
	s9 =	simm.s32 $0x40;
	s10 =	sadd.s32 $0x0, s8  }
.LBB2_71:
0x27a: {  	p2 =	sne.s32 s9, $0xFC0;
	[tilespmem:s10+$0x0] =	vst v0;
	s10 =	smov.u32 s9;
	s9 =	sadd.s32 $0x40, s9  }
.Ltmp54:
0x27b: {  	(pc) =	sbr.rel @p2 .LBB2_71-.Ltmp54, $3  }
0x27c: {  	_ =	sdelay $0x1  }
0x27d: {  	s10 =	sshra.s32 s10, $0x2  }
0x27e: {  	s10 =	sadd.s32 s10, s8  }
0x27f: {  	[tilespmem:s10+$0x0] =	vst v0;
	s8 =	simm.s32 $0x40;
	s9 =	sadd.s32 $0x0, s3  }
.LBB2_73:
0x280: {  	p2 =	sne.s32 s8, $0xFC0;
	[tilespmem:s9+$0x0] =	vst v0;
	s9 =	smov.u32 s8;
	s8 =	sadd.s32 $0x40, s8  }
.Ltmp55:
0x281: {  	(pc) =	sbr.rel @p2 .LBB2_73-.Ltmp55, $3  }
0x282: {  	_ =	sdelay $0x1  }
0x283: {  	s9 =	sshra.s32 s9, $0x2  }
0x284: {  	s9 =	sadd.s32 s9, s3  }
0x285: {  	[tilespmem:s9+$0x0] =	vst v0;
	s3 =	simm.s32 $0x40;
	s8 =	sadd.s32 $0x0, s16  }
.LBB2_75:
0x286: {  	p2 =	sne.s32 s3, $0xFC0;
	[tilespmem:s8+$0x0] =	vst v0;
	s8 =	smov.u32 s3;
	s3 =	sadd.s32 $0x40, s3  }
.Ltmp56:
0x287: {  	(pc) =	sbr.rel @p2 .LBB2_75-.Ltmp56, $3  }
0x288: {  	_ =	sdelay $0x1  }
0x289: {  	s8 =	sshra.s32 s8, $0x2  }
0x28a: {  	s8 =	sadd.s32 s8, s16  }
0x28b: {  	[tilespmem:s8+$0x0] =	vst v0;
	s3 =	simm.s32 $0x0;
	s8 =	simm.s32 $0x40;
	s9 =	sadd.s32 $0x0, s2  }
.LBB2_77:
0x28c: {  	p2 =	sne.s32 s8, $0xFC0;
	[tilespmem:s9+$0x0] =	vst v0;
	s9 =	smov.u32 s8;
	s8 =	sadd.s32 $0x40, s8  }
.Ltmp57:
0x28d: {  	(pc) =	sbr.rel @p2 .LBB2_77-.Ltmp57, $3  }
0x28e: {  	_ =	sdelay $0x1  }
0x28f: {  	s9 =	sshra.s32 s9, $0x2  }
0x290: {  	s9 =	sadd.s32 s9, s2  }
0x291: {  	[tilespmem:s9+$0x0] =	vst v0  }
.LBB2_79:
0x292: {  	p2 =	sne.s32 s3, $0xFC0  }
.Ltmp58:
0x293: {  	_ = 	snop;
	(pc) =	sbr.rel @p2 .LBB2_79-.Ltmp58, $4  }
0x294: {  	_ = 	snop  }
0x295: {  	s2 =	sshra.s32 s3, $0x2  }
0x296: {  	s2 =	sadd.s32 s2, s0  }
0x297: {  	s3 =	sadd.s32 $0x40, s3;
	[tilespmem:s2+$0x0] =	vst v0  }
0x298: {  	v20 =	vmov s15;
	_ =	sdelay $0x3  }
0x299: {  	s0 =	simm.s32 $0x40;
	s2 =	simm.s32 $0x0  }
.LBB2_81:
0x29a: {  	p2 =	sne.s32 s0, $0xFC0;
	[tilespmem:v20+s2+$0x0 ss:$0x1] =	vst.idx.msk $0xffff, v0;
	s2 =	smov.u32 s0;
	s0 =	sadd.s32 $0x40, s0  }
.Ltmp59:
0x29b: {  	(pc) =	sbr.rel @p2 .LBB2_81-.Ltmp59, $2  }
0x29c: {  	_ =	sdelay $0x2  }
0x29d: {  	s2 =	sshra.s32 s2, $0x2  }
.Ltmp60:
0x29e: {  	_ = 	snop;
	(pc) =	sbr.rel .LBB2_63-.Ltmp60, $2  }
0x29f: {  	_ =	sdelay $0x2  }
0x2a0: {  	[tilespmem:v20+s2+$0x0 ss:$0x1] =	vst.idx.msk $0xffff, v0;
	s26 =	sadd.s32 $0x400, s26  }
.LBB2_129:
0x2a1: {  	s29 =	sadd.s32 $0x1, s29  }
0x2a2: {  	p3 =	sne.s32 s29, $0xC8  }
.Ltmp61:
0x2a3: {  	_ = 	snop;
	(pc) =	sbr.rel @!p3 .LBB2_130-.Ltmp61, $1  }
0x2a4: {  	_ =	sdelay $0x3  }
.LBB2_107:
.Ltmp62:
0x2a5: {  	(pc) =	sbr.rel @p1 .LBB2_129-.Ltmp62, $1  }
0x2a6: {  	_ =	sdelay $0x3  }
0x2a7: {  	s0 =	sshll.u32 s29, $0x4  }
0x2a8: {  	v6 =	vld [tilespmem:s0+$0x17480];
	_ =	sdelay $0x4  }
0x2a9: {  	v4 =	vadd.s32 $0x2800, v6  }
0x2aa: {  	v5 =	vadd.s32 $0x5000, v6  }
0x2ab: {  	v1 =	vld [tilespmem:s0+$0x18D80];
	v7 =	vadd.s32 $0x7800, v6  }
0x2ac: {  	v8 =	vadd.s32 $0xA000, v6;
	v2 =	vld.idx.msk [tilespmem:v6+s14+$0x0], $0xffff  }
0x2ad: {  	v9 =	vadd.s32 $0xC800, v6;
	v3 =	vld.idx.msk [tilespmem:v6+s1+$0x0], $0xffff  }
0x2ae: {  	v12 =	vadd.s32 $0xF000, v6;
	v4 =	vld.idx.msk [tilespmem:v4+s1+$0x0], $0xffff  }
0x2af: {  	v16 =	vadd.s32 $0x11800, v6;
	v5 =	vld.idx.msk [tilespmem:v5+s1+$0x0], $0xffff  }
0x2b0: {  	v6 =	vld.idx.msk [tilespmem:v7+s1+$0x0], $0xffff  }
0x2b1: {  	v7 =	vld.idx.msk [tilespmem:v8+s1+$0x0], $0xffff;
	v8 =	vand.u32 $0x7FF, v1  }
0x2b2: {  	v19 =	vimm.s32 $0x0;
	v9 =	vld.idx.msk [tilespmem:v9+s1+$0x0], $0xffff;
	v10 =	vor.u32 $0x800, v8  }
0x2b3: {  	v12 =	vld.idx.msk [tilespmem:v12+s1+$0x0], $0xffff;
	v11 =	vor.u32 $0x1000, v8;
	v13 =	vor.u32 $0x1800, v8;
	v14 =	vor.u32 $0x2000, v8  }
0x2b4: {  	v16 =	vld.idx.msk [tilespmem:v16+s1+$0x0], $0xffff;
	v15 =	vor.u32 $0x2800, v8;
	v17 =	vor.u32 $0x3000, v8;
	v18 =	vor.u32 $0x3800, v8  }
.LBB2_109:
0x2b5: {  	s0 =	sadd.s32 $0x800, s26  }
0x2b6: {  	vm1 =	veq.s32 v19, $0x0;
	vm0 =	vlt.s32 v1, s0  }
0x2b7: {  	vm0 =	vmand vm1, vm0  }
0x2b8: {  	v19 =	vsel vm0, $0x1, v19  }
0x2b9: {  	(xrf0) =	vadd.scan.msk.s32 $0xffff, v19;
	_ =	sdelay $0x5  }
0x2ba: {  	v20, _, _ =	vpop (xrf0)  }
0x2bb: {  	(v2sf) =	vpush v20, $0xF;
	_ =	sdelay $0xc  }
0x2bc: {  	[tilespmem:v8+s21+$0x0] =	vst.idx.add.f32.msk vm0, v2  }
0x2bd: {  	[tilespmem:v8+s22+$0x0] =	vst.idx.add.f32.msk vm0, v3  }
0x2be: {  	[tilespmem:v10+s22+$0x0] =	vst.idx.add.f32.msk vm0, v4;
	s31 =	spop (v2sf)  }
0x2bf: {  	[tilespmem:v11+s22+$0x0] =	vst.idx.add.f32.msk vm0, v5;
	p3 =	sgt.s32 s31, $0xF  }
.Ltmp63:
0x2c0: {  	[tilespmem:v13+s22+$0x0] =	vst.idx.add.f32.msk vm0, v6;
	(pc) =	sbr.rel @p3 .LBB2_129-.Ltmp63, $4  }
0x2c1: {  	[tilespmem:v14+s22+$0x0] =	vst.idx.add.f32.msk vm0, v7  }
0x2c2: {  	[tilespmem:v15+s22+$0x0] =	vst.idx.add.f32.msk vm0, v9  }
0x2c3: {  	[tilespmem:v17+s22+$0x0] =	vst.idx.add.f32.msk vm0, v12  }
0x2c4: {  	[tilespmem:v18+s22+$0x0] =	vst.idx.add.f32.msk vm0, v16  }
0x2c5: {  	s0 =	sadd.s32 s11, s26  }
0x2c6: {  	s12 =	sand.u32 $0x400, s26;
	s0 =	sshrl.u32 s0, $0x3  }
0x2c7: {  	s17 =	sor.u32 $0x19A00, s12;
	s15 =	sadd.s32 s6, s0  }
0x2c8: {  	[hbm4b:s15+s1] =	stream.linear.scatter [tilespmem:s17], [sflag:$0x5], $0x400, $0x38;
	[tilespmem:$0x1E200] =	vst v63  }
0x2c9: {  	s10 =	sor.u32 $0x1A200, s12;
	s0 =	sadd.s32 $0xA00, s15  }
0x2ca: {  	[hbm4b:s0+s1] =	stream.linear.scatter [tilespmem:s10], [sflag:$0x5], $0x400, $0x38;
	[tilespmem:$0x1E200] =	vst v63  }
0x2cb: {  	s9 =	sor.u32 $0x1AA00, s12;
	s16 =	sadd.s32 $0x1400, s15  }
0x2cc: {  	[hbm4b:s16+s1] =	stream.linear.scatter [tilespmem:s9], [sflag:$0x5], $0x400, $0x38;
	[tilespmem:$0x1E200] =	vst v63  }
0x2cd: {  	s8 =	sor.u32 $0x1B200, s12;
	s18 =	sadd.s32 $0x1E00, s15  }
0x2ce: {  	[hbm4b:s18+s1] =	stream.linear.scatter [tilespmem:s8], [sflag:$0x5], $0x400, $0x38;
	[tilespmem:$0x1E200] =	vst v63  }
0x2cf: {  	s3 =	sor.u32 $0x1BA00, s12;
	s25 =	sadd.s32 $0x2800, s15  }
0x2d0: {  	[hbm4b:s25+s1] =	stream.linear.scatter [tilespmem:s3], [sflag:$0x5], $0x400, $0x38;
	[tilespmem:$0x1E200] =	vst v63  }
0x2d1: {  	s30 =	sadd.s32 $0x3200, s15;
	s16 =	sor.u32 $0x1C200, s12  }
0x2d2: {  	[hbm4b:s30+s1] =	stream.linear.scatter [tilespmem:s16], [sflag:$0x5], $0x400, $0x38;
	[tilespmem:$0x1E200] =	vst v63  }
0x2d3: {  	s2 =	sor.u32 $0x1CA00, s12;
	s31 =	sadd.s32 $0x3C00, s15  }
0x2d4: {  	[hbm4b:s31+s1] =	stream.linear.scatter [tilespmem:s2], [sflag:$0x5], $0x400, $0x38;
	[tilespmem:$0x1E200] =	vst v63  }
0x2d5: {  	s15 =	sadd.s32 $0x4600, s15;
	s0 =	sor.u32 $0x1D200, s12  }
0x2d6: {  	[hbm4b:s15+s1] =	stream.linear.scatter [tilespmem:s0], [sflag:$0x5], $0x400, $0x38;
	[tilespmem:$0x1E200] =	vst v63  }
0x2d7: {  	_ =	swait.ge [sflag:s13], $0x2000  }
0x2d8: {  	s18 =	sadd.s32 @!p0 $0x1DA00, s12;
	s15 =	sshrl.u32 @!p0 s26, $0x3;
	[sflag:s13] =	ssyncset.done $0x0  }
0x2d9: {  	s25 =	simm.s32 @!p0 $0x0;
	s15 =	sadd.s32 @!p0 s7, s15;
	[sflag:s13] =	ssyncadd.s32 $0xFFFFE000  }
0x2da: {  	v20 =	vmov s17;
	[hbm4b:s15+s25] =	stream.linear.scatter @!p0 [tilespmem:s18], [sflag:$0x5], $0x400, $0x38;
	[tilespmem:$0x1E200] =	vst v63  }
0x2db: {  	s18 =	simm.s32 @!p0 $0x5  }
0x2dc: {  	_ =	swait.ge @!p0 [sflag:s18], $0x400  }
0x2dd: {  	s15 =	sor.u32 $0x1DA00, s12;
	[sflag:s18] =	ssyncset.done @!p0 $0x0  }
0x2de: {  	s12 =	simm.s32 $0x40;
	s25 =	simm.s32 $0x0;
	[sflag:s18] =	ssyncadd.s32 @!p0 $0xFFFFFC00  }
.LBB2_111:
0x2df: {  	p3 =	sne.s32 s12, $0xFC0;
	[tilespmem:v20+s25+$0x0 ss:$0x1] =	vst.idx.msk $0xffff, v0;
	s17 =	smov.u32 s12;
	s12 =	sadd.s32 $0x40, s12  }
.Ltmp64:
0x2e0: {  	(pc) =	sbr.rel @p3 .LBB2_111-.Ltmp64, $2  }
0x2e1: {  	_ =	sdelay $0x2  }
0x2e2: {  	s25 =	sshra.s32 s17, $0x2  }
0x2e3: {  	_ =	sdelay $0x3  }
0x2e4: {  	[tilespmem:v20+s25+$0x0 ss:$0x1] =	vst.idx.msk $0xffff, v0;
	s12 =	simm.s32 $0x40;
	s25 =	sadd.s32 $0x0, s10  }
.LBB2_113:
0x2e5: {  	p3 =	sne.s32 s12, $0xFC0;
	[tilespmem:s25+$0x0] =	vst v0;
	s17 =	smov.u32 s12;
	s12 =	sadd.s32 $0x40, s12  }
.Ltmp65:
0x2e6: {  	(pc) =	sbr.rel @p3 .LBB2_113-.Ltmp65, $3  }
0x2e7: {  	_ =	sdelay $0x1  }
0x2e8: {  	s17 =	sshra.s32 s17, $0x2  }
0x2e9: {  	s25 =	sadd.s32 s17, s10  }
0x2ea: {  	[tilespmem:s25+$0x0] =	vst v0;
	s10 =	simm.s32 $0x40;
	s12 =	sadd.s32 $0x0, s9  }
.LBB2_115:
0x2eb: {  	p3 =	sne.s32 s10, $0xFC0;
	[tilespmem:s12+$0x0] =	vst v0;
	s12 =	smov.u32 s10;
	s10 =	sadd.s32 $0x40, s10  }
.Ltmp66:
0x2ec: {  	(pc) =	sbr.rel @p3 .LBB2_115-.Ltmp66, $3  }
0x2ed: {  	_ =	sdelay $0x1  }
0x2ee: {  	s12 =	sshra.s32 s12, $0x2  }
0x2ef: {  	s12 =	sadd.s32 s12, s9  }
0x2f0: {  	[tilespmem:s12+$0x0] =	vst v0;
	s9 =	simm.s32 $0x40;
	s10 =	sadd.s32 $0x0, s8  }
.LBB2_117:
0x2f1: {  	p3 =	sne.s32 s9, $0xFC0;
	[tilespmem:s10+$0x0] =	vst v0;
	s10 =	smov.u32 s9;
	s9 =	sadd.s32 $0x40, s9  }
.Ltmp67:
0x2f2: {  	(pc) =	sbr.rel @p3 .LBB2_117-.Ltmp67, $3  }
0x2f3: {  	_ =	sdelay $0x1  }
0x2f4: {  	s10 =	sshra.s32 s10, $0x2  }
0x2f5: {  	s10 =	sadd.s32 s10, s8  }
0x2f6: {  	[tilespmem:s10+$0x0] =	vst v0;
	s8 =	simm.s32 $0x40;
	s9 =	sadd.s32 $0x0, s3  }
.LBB2_119:
0x2f7: {  	p3 =	sne.s32 s8, $0xFC0;
	[tilespmem:s9+$0x0] =	vst v0;
	s9 =	smov.u32 s8;
	s8 =	sadd.s32 $0x40, s8  }
.Ltmp68:
0x2f8: {  	(pc) =	sbr.rel @p3 .LBB2_119-.Ltmp68, $3  }
0x2f9: {  	_ =	sdelay $0x1  }
0x2fa: {  	s9 =	sshra.s32 s9, $0x2  }
0x2fb: {  	s9 =	sadd.s32 s9, s3  }
0x2fc: {  	[tilespmem:s9+$0x0] =	vst v0;
	s3 =	simm.s32 $0x40;
	s8 =	sadd.s32 $0x0, s16  }
.LBB2_121:
0x2fd: {  	p3 =	sne.s32 s3, $0xFC0;
	[tilespmem:s8+$0x0] =	vst v0;
	s8 =	smov.u32 s3;
	s3 =	sadd.s32 $0x40, s3  }
.Ltmp69:
0x2fe: {  	(pc) =	sbr.rel @p3 .LBB2_121-.Ltmp69, $3  }
0x2ff: {  	_ =	sdelay $0x1  }
0x300: {  	s8 =	sshra.s32 s8, $0x2  }
0x301: {  	s8 =	sadd.s32 s8, s16  }
0x302: {  	[tilespmem:s8+$0x0] =	vst v0;
	s3 =	simm.s32 $0x0;
	s8 =	simm.s32 $0x40;
	s9 =	sadd.s32 $0x0, s2  }
.LBB2_123:
0x303: {  	p3 =	sne.s32 s8, $0xFC0;
	[tilespmem:s9+$0x0] =	vst v0;
	s9 =	smov.u32 s8;
	s8 =	sadd.s32 $0x40, s8  }
.Ltmp70:
0x304: {  	(pc) =	sbr.rel @p3 .LBB2_123-.Ltmp70, $3  }
0x305: {  	_ =	sdelay $0x1  }
0x306: {  	s9 =	sshra.s32 s9, $0x2  }
0x307: {  	s9 =	sadd.s32 s9, s2  }
0x308: {  	[tilespmem:s9+$0x0] =	vst v0  }
.LBB2_125:
0x309: {  	p3 =	sne.s32 s3, $0xFC0  }
.Ltmp71:
0x30a: {  	_ = 	snop;
	(pc) =	sbr.rel @p3 .LBB2_125-.Ltmp71, $4  }
0x30b: {  	_ = 	snop  }
0x30c: {  	s2 =	sshra.s32 s3, $0x2  }
0x30d: {  	s2 =	sadd.s32 s2, s0  }
0x30e: {  	s3 =	sadd.s32 $0x40, s3;
	[tilespmem:s2+$0x0] =	vst v0  }
0x30f: {  	v20 =	vmov s15;
	_ =	sdelay $0x3  }
0x310: {  	s0 =	simm.s32 $0x40;
	s2 =	simm.s32 $0x0  }
.LBB2_127:
0x311: {  	p3 =	sne.s32 s0, $0xFC0;
	[tilespmem:v20+s2+$0x0 ss:$0x1] =	vst.idx.msk $0xffff, v0;
	s2 =	smov.u32 s0;
	s0 =	sadd.s32 $0x40, s0  }
.Ltmp72:
0x312: {  	(pc) =	sbr.rel @p3 .LBB2_127-.Ltmp72, $2  }
0x313: {  	_ =	sdelay $0x2  }
0x314: {  	s2 =	sshra.s32 s2, $0x2  }
.Ltmp73:
0x315: {  	_ = 	snop;
	(pc) =	sbr.rel .LBB2_109-.Ltmp73, $2  }
0x316: {  	_ =	sdelay $0x2  }
0x317: {  	[tilespmem:v20+s2+$0x0 ss:$0x1] =	vst.idx.msk $0xffff, v0;
	s26 =	sadd.s32 $0x400, s26  }
.LBB2_132:
0x318: {  	p2 =	slt.s32 s26, $0x5000  }
.Ltmp74:
0x319: {  	_ = 	snop;
	(pc) =	sbr.rel @!p2 .LBB2_152-.Ltmp74, $1  }
0x31a: {  	_ =	sdelay $0x3  }
.LBB2_133:
0x31b: {  	s0 =	sadd.s32 s11, s26  }
0x31c: {  	s12 =	sand.u32 $0x400, s26;
	s0 =	sshrl.u32 s0, $0x3  }
0x31d: {  	s17 =	sor.u32 $0x19A00, s12;
	s15 =	sadd.s32 s6, s0  }
0x31e: {  	[hbm4b:s15+s1] =	stream.linear.scatter [tilespmem:s17], [sflag:$0x5], $0x400, $0x38;
	[tilespmem:$0x1E200] =	vst v63  }
0x31f: {  	s10 =	sor.u32 $0x1A200, s12;
	s0 =	sadd.s32 $0xA00, s15  }
0x320: {  	[hbm4b:s0+s1] =	stream.linear.scatter [tilespmem:s10], [sflag:$0x5], $0x400, $0x38;
	[tilespmem:$0x1E200] =	vst v63  }
0x321: {  	s9 =	sor.u32 $0x1AA00, s12;
	s25 =	sadd.s32 $0x1400, s15  }
0x322: {  	[hbm4b:s25+s1] =	stream.linear.scatter [tilespmem:s9], [sflag:$0x5], $0x400, $0x38;
	[tilespmem:$0x1E200] =	vst v63  }
0x323: {  	s8 =	sor.u32 $0x1B200, s12;
	s28 =	sadd.s32 $0x1E00, s15  }
0x324: {  	[hbm4b:s28+s1] =	stream.linear.scatter [tilespmem:s8], [sflag:$0x5], $0x400, $0x38;
	[tilespmem:$0x1E200] =	vst v63  }
0x325: {  	s3 =	sor.u32 $0x1BA00, s12;
	s29 =	sadd.s32 $0x2800, s15  }
0x326: {  	[hbm4b:s29+s1] =	stream.linear.scatter [tilespmem:s3], [sflag:$0x5], $0x400, $0x38;
	[tilespmem:$0x1E200] =	vst v63  }
0x327: {  	s16 =	sor.u32 $0x1C200, s12;
	s30 =	sadd.s32 $0x3200, s15  }
0x328: {  	[hbm4b:s30+s1] =	stream.linear.scatter [tilespmem:s16], [sflag:$0x5], $0x400, $0x38;
	[tilespmem:$0x1E200] =	vst v63  }
0x329: {  	s2 =	sor.u32 $0x1CA00, s12;
	s31 =	sadd.s32 $0x3C00, s15  }
0x32a: {  	[hbm4b:s31+s1] =	stream.linear.scatter [tilespmem:s2], [sflag:$0x5], $0x400, $0x38;
	[tilespmem:$0x1E200] =	vst v63  }
0x32b: {  	s15 =	sadd.s32 $0x4600, s15;
	s0 =	sor.u32 $0x1D200, s12  }
0x32c: {  	[hbm4b:s15+s1] =	stream.linear.scatter [tilespmem:s0], [sflag:$0x5], $0x400, $0x38;
	[tilespmem:$0x1E200] =	vst v63  }
0x32d: {  	_ =	swait.ge [sflag:s13], $0x2000  }
0x32e: {  	s18 =	sadd.s32 @!p0 $0x1DA00, s12;
	s15 =	sshrl.u32 @!p0 s26, $0x3;
	[sflag:s13] =	ssyncset.done $0x0  }
0x32f: {  	s25 =	simm.s32 @!p0 $0x0;
	s15 =	sadd.s32 @!p0 s7, s15;
	[sflag:s13] =	ssyncadd.s32 $0xFFFFE000  }
0x330: {  	v1 =	vmov s17;
	[hbm4b:s15+s25] =	stream.linear.scatter @!p0 [tilespmem:s18], [sflag:$0x5], $0x400, $0x38;
	[tilespmem:$0x1E200] =	vst v63  }
0x331: {  	s18 =	simm.s32 @!p0 $0x5  }
0x332: {  	_ =	swait.ge @!p0 [sflag:s18], $0x400  }
0x333: {  	s15 =	sor.u32 $0x1DA00, s12;
	[sflag:s18] =	ssyncset.done @!p0 $0x0  }
0x334: {  	s12 =	simm.s32 $0x40;
	s25 =	simm.s32 $0x0;
	[sflag:s18] =	ssyncadd.s32 @!p0 $0xFFFFFC00  }
.LBB2_134:
0x335: {  	p2 =	sne.s32 s12, $0xFC0;
	[tilespmem:v1+s25+$0x0 ss:$0x1] =	vst.idx.msk $0xffff, v0;
	s17 =	smov.u32 s12;
	s12 =	sadd.s32 $0x40, s12  }
.Ltmp75:
0x336: {  	(pc) =	sbr.rel @p2 .LBB2_134-.Ltmp75, $2  }
0x337: {  	_ =	sdelay $0x2  }
0x338: {  	s25 =	sshra.s32 s17, $0x2  }
0x339: {  	_ =	sdelay $0x3  }
0x33a: {  	[tilespmem:v1+s25+$0x0 ss:$0x1] =	vst.idx.msk $0xffff, v0;
	s12 =	simm.s32 $0x40;
	s25 =	sadd.s32 $0x0, s10  }
.LBB2_136:
0x33b: {  	p2 =	sne.s32 s12, $0xFC0;
	[tilespmem:s25+$0x0] =	vst v0;
	s17 =	smov.u32 s12;
	s12 =	sadd.s32 $0x40, s12  }
.Ltmp76:
0x33c: {  	(pc) =	sbr.rel @p2 .LBB2_136-.Ltmp76, $3  }
0x33d: {  	_ =	sdelay $0x1  }
0x33e: {  	s17 =	sshra.s32 s17, $0x2  }
0x33f: {  	s25 =	sadd.s32 s17, s10  }
0x340: {  	[tilespmem:s25+$0x0] =	vst v0;
	s10 =	simm.s32 $0x40;
	s12 =	sadd.s32 $0x0, s9  }
.LBB2_138:
0x341: {  	p2 =	sne.s32 s10, $0xFC0;
	[tilespmem:s12+$0x0] =	vst v0;
	s12 =	smov.u32 s10;
	s10 =	sadd.s32 $0x40, s10  }
.Ltmp77:
0x342: {  	(pc) =	sbr.rel @p2 .LBB2_138-.Ltmp77, $3  }
0x343: {  	_ =	sdelay $0x1  }
0x344: {  	s12 =	sshra.s32 s12, $0x2  }
0x345: {  	s12 =	sadd.s32 s12, s9  }
0x346: {  	[tilespmem:s12+$0x0] =	vst v0;
	s9 =	simm.s32 $0x40;
	s10 =	sadd.s32 $0x0, s8  }
.LBB2_140:
0x347: {  	p2 =	sne.s32 s9, $0xFC0;
	[tilespmem:s10+$0x0] =	vst v0;
	s10 =	smov.u32 s9;
	s9 =	sadd.s32 $0x40, s9  }
.Ltmp78:
0x348: {  	(pc) =	sbr.rel @p2 .LBB2_140-.Ltmp78, $3  }
0x349: {  	_ =	sdelay $0x1  }
0x34a: {  	s10 =	sshra.s32 s10, $0x2  }
0x34b: {  	s10 =	sadd.s32 s10, s8  }
0x34c: {  	[tilespmem:s10+$0x0] =	vst v0;
	s8 =	simm.s32 $0x40;
	s9 =	sadd.s32 $0x0, s3  }
.LBB2_142:
0x34d: {  	p2 =	sne.s32 s8, $0xFC0;
	[tilespmem:s9+$0x0] =	vst v0;
	s9 =	smov.u32 s8;
	s8 =	sadd.s32 $0x40, s8  }
.Ltmp79:
0x34e: {  	(pc) =	sbr.rel @p2 .LBB2_142-.Ltmp79, $3  }
0x34f: {  	_ =	sdelay $0x1  }
0x350: {  	s9 =	sshra.s32 s9, $0x2  }
0x351: {  	s9 =	sadd.s32 s9, s3  }
0x352: {  	[tilespmem:s9+$0x0] =	vst v0;
	s3 =	simm.s32 $0x40;
	s8 =	sadd.s32 $0x0, s16  }
.LBB2_144:
0x353: {  	p2 =	sne.s32 s3, $0xFC0;
	[tilespmem:s8+$0x0] =	vst v0;
	s8 =	smov.u32 s3;
	s3 =	sadd.s32 $0x40, s3  }
.Ltmp80:
0x354: {  	(pc) =	sbr.rel @p2 .LBB2_144-.Ltmp80, $3  }
0x355: {  	_ =	sdelay $0x1  }
0x356: {  	s8 =	sshra.s32 s8, $0x2  }
0x357: {  	s8 =	sadd.s32 s8, s16  }
0x358: {  	[tilespmem:s8+$0x0] =	vst v0;
	s3 =	simm.s32 $0x0;
	s8 =	simm.s32 $0x40;
	s9 =	sadd.s32 $0x0, s2  }
.LBB2_146:
0x359: {  	p2 =	sne.s32 s8, $0xFC0;
	[tilespmem:s9+$0x0] =	vst v0;
	s9 =	smov.u32 s8;
	s8 =	sadd.s32 $0x40, s8  }
.Ltmp81:
0x35a: {  	(pc) =	sbr.rel @p2 .LBB2_146-.Ltmp81, $3  }
0x35b: {  	_ =	sdelay $0x1  }
0x35c: {  	s9 =	sshra.s32 s9, $0x2  }
0x35d: {  	s9 =	sadd.s32 s9, s2  }
0x35e: {  	[tilespmem:s9+$0x0] =	vst v0  }
.LBB2_148:
0x35f: {  	p2 =	sne.s32 s3, $0xFC0  }
.Ltmp82:
0x360: {  	_ = 	snop;
	(pc) =	sbr.rel @p2 .LBB2_148-.Ltmp82, $4  }
0x361: {  	_ = 	snop  }
0x362: {  	s2 =	sshra.s32 s3, $0x2  }
0x363: {  	s2 =	sadd.s32 s2, s0  }
0x364: {  	s3 =	sadd.s32 $0x40, s3;
	[tilespmem:s2+$0x0] =	vst v0  }
0x365: {  	v1 =	vmov s15;
	_ =	sdelay $0x3  }
0x366: {  	s0 =	simm.s32 $0x40;
	s2 =	simm.s32 $0x0  }
.LBB2_150:
0x367: {  	p2 =	sne.s32 s0, $0xFC0;
	[tilespmem:v1+s2+$0x0 ss:$0x1] =	vst.idx.msk $0xffff, v0;
	s2 =	smov.u32 s0;
	s0 =	sadd.s32 $0x40, s0  }
.Ltmp83:
0x368: {  	(pc) =	sbr.rel @p2 .LBB2_150-.Ltmp83, $2  }
0x369: {  	_ =	sdelay $0x2  }
0x36a: {  	s2 =	sshra.s32 s2, $0x2  }
0x36b: {  	p2 =	slt.s32 s26, $0x4C00  }
.Ltmp84:
0x36c: {  	_ = 	snop;
	(pc) =	sbr.rel @p2 .LBB2_133-.Ltmp84, $4  }
.Ltmp85:
0x36d: {  	_ = 	snop;
	(pc) =	sbr.rel @!p2 .LBB2_152-.Ltmp85, $4  }
0x36e: {  	_ = 	snop  }
0x36f: {  	s0 =	sadd.s32 $0x400, s26  }
0x370: {  	[tilespmem:v1+s2+$0x0 ss:$0x1] =	vst.idx.msk $0xffff, v0;
	s26 =	smov.u32 s0  }
0x371: {  	_ = 	snop  }
.LBB2_153:
0x372: {  	_ =	sfence.sel $0x180000  }
0x373: {  	[bflag:$0x0] =	sbarrier.arrive $0xFFFF  }
0x374: {  	_ =	strace $0x90000047  }
0x375: {  	s0 =	stileid.u32;
	[bflag:$0x2] =	sbarrier.arrive $0xFFFF  }
0x376: {  	p0 =	sne.s32 s0, $0x0;
	s0 =	rddreg [dreg:$0x2]  }
0x377: {  	s0 =	sadd.s32 @!p0 $0x100000, s0  }
0x378: {  	[sflag:s0] =	ssyncadd.tile.s32 @!p0 $0x1;
	_ =	shalt  }
.Lfunc_end2:
_tile_overlayer_lowered:
.L_overlay_start_2:
0x379: {  	(tag) =	ssettag $0x2  }
0x37a: {  	s0 =	rddreg [dreg:$0x0];
	s2 =	stileid.u32  }
0x37b: {  	s1 =	rddreg [dreg:$0x1];
	p0 =	sne.s32 s2, $0x0  }
0x37c: {  	s3 =	rddreg [dreg:$0x2];
	[bflag:$0x3] =	sbarrier.arrive $0xFFFF;
	s2 =	simm.s32 @!p0 $0x1C05  }
0x37d: {  	[timem:s3], [sflag:s2] =	dma.local @!p0 [hbm:s0], s1  }
0x37e: {  	s0 =	simm.s32 @!p0 $0x5  }
0x37f: {  	_ =	swait.ge @!p0 [sflag:s0], s1  }
0x380: {  	s1 =	ssub.s32 @!p0 $0x0, s1;
	[sflag:s0] =	ssyncset.done @!p0 $0x0  }
0x381: {  	[sflag:s0] =	ssyncadd.s32 @!p0 s1  }
0x382: {  	[bflag:$0x3] =	sbarrier.arrive $0xFFFF  }
0x383: {  	_ =	shalt  }

</sc_bundles>
